<compile_context>
chip_gen: v7x
topology: tpu7x:2x2x1
jax: 0.10.2.dev20260603
libtpu: 0.0.44.dev20260713+nightly
codegen_flags: <defaults>
</compile_context>

<pallas_src>
import functools

import jax
import jax.numpy as jnp
from jax import lax
from jax.experimental import pallas as pl
from jax.experimental.pallas import tpu as pltpu
from jax.experimental.pallas import tpu_sc as plsc

T = 8192
D = 512
H = 512
A = 64
AP = 128
BR = 512
BB = 512
MAXP = 64
SPAD = 9216
NSTATE = 4096
NWMAX = 160
CH = 128


def _permute_rows(table, idx_src, idx_dst, out_rows):
    n = idx_src.shape[0]
    d = table.shape[1]
    info = plsc.get_sparse_core_info()
    nw = info.num_cores * info.num_subcores
    b_per_w = n // nw
    nch = b_per_w // CH
    mesh = plsc.VectorSubcoreMesh(core_axis_name="c", subcore_axis_name="s")

    @functools.partial(
        pl.kernel,
        mesh=mesh,
        out_type=jax.ShapeDtypeStruct((out_rows, d), jnp.float32),
        scratch_types=[
            pltpu.VMEM((CH,), jnp.int32),
            pltpu.VMEM((CH,), jnp.int32),
            pltpu.VMEM((CH, d), jnp.float32),
            pltpu.SemaphoreType.DMA,
            pltpu.SemaphoreType.DMA,
        ],
    )
    def k(table_hbm, src_hbm, dst_hbm, out_hbm, srcv, dstv, rows_v, gsem, ssem):
        wid = lax.axis_index("s") * info.num_cores + lax.axis_index("c")
        base = wid * b_per_w
        for ci in range(nch):
            off = base + ci * CH
            pltpu.sync_copy(src_hbm.at[pl.ds(off, CH)], srcv)
            pltpu.sync_copy(dst_hbm.at[pl.ds(off, CH)], dstv)
            pltpu.async_copy(table_hbm.at[srcv], rows_v, gsem).wait()
            pltpu.async_copy(rows_v, out_hbm.at[dstv], ssem).wait()

    return k(table, idx_src, idx_dst)


def _gates_kernel(x_ref, w_ref, b_ref, o_ref):
    o_ref[...] = (
        jnp.dot(x_ref[...], w_ref[...], preferred_element_type=jnp.float32)
        + b_ref[...]
    )


def _post_kernel(hs_ref, w1T_ref, b1_ref, woT_ref, bo_ref, m_ref):
    z = jnp.tanh(
        jnp.dot(hs_ref[...], w1T_ref[...], preferred_element_type=jnp.float32)
        + b1_ref[...]
    )
    m_ref[...] = (
        jnp.dot(z, woT_ref[...], preferred_element_type=jnp.float32) + bo_ref[...]
    )


def _rec_kernel(counts_ref, gp, whhT_ref, hp,
                srow_s, soff_s, is0_s, gbuf0, gbuf1, obuf, hst, cst,
                gsem0, gsem1, osem):
    def outer_cond(s):
        w, p, o = s
        return jnp.logical_and(p < MAXP, counts_ref[p] > 0)

    def outer_body(s):
        w, p, o = s
        c = counts_ref[p]
        nb = (c + BR - 1) // BR

        def inner(j, wj):
            srow_s[wj] = o + j * BR
            soff_s[wj] = j * BR
            is0_s[wj] = jnp.where(p == 0, 1, 0)
            return wj + 1

        w = lax.fori_loop(0, nb, inner, w)
        return (w, p + 1, o + ((c + 7) // 8) * 8)

    n, _, _ = lax.while_loop(outer_cond, outer_body, (0, 0, 0))

    def g_copy(w, gbuf, gsem):
        row = pl.multiple_of(srow_s[w], 8)
        return pltpu.make_async_copy(gp.at[pl.ds(row, BR)], gbuf, gsem)

    def o_copy(w):
        row = pl.multiple_of(srow_s[w], 8)
        return pltpu.make_async_copy(obuf, hp.at[pl.ds(row, BR)], osem)

    def compute(w, gbuf):
        soff = soff_s[w]
        soff_r = pl.multiple_of(jnp.minimum(soff, NSTATE - BR), 8)
        keep = is0_s[w] == 0
        hprev = jnp.where(keep, hst[pl.ds(soff_r, BR), :], 0.0)
        cprev = jnp.where(keep, cst[pl.ds(soff_r, BR), :], 0.0)
        gates = gbuf[...] + jnp.dot(
            hprev, whhT_ref[...], preferred_element_type=jnp.float32
        )
        ig = jax.nn.sigmoid(gates[:, 0:H])
        fg = jax.nn.sigmoid(gates[:, H : 2 * H])
        gg = jnp.tanh(gates[:, 2 * H : 3 * H])
        og = jax.nn.sigmoid(gates[:, 3 * H : 4 * H])
        c = fg * cprev + ig * gg
        h = og * jnp.tanh(c)

        @pl.when(soff < NSTATE)
        def _():
            hst[pl.ds(soff_r, BR), :] = h
            cst[pl.ds(soff_r, BR), :] = c

        return h

    @pl.when(n > 0)
    def _():
        g_copy(0, gbuf0, gsem0).start()

    def pair(k, carry):
        w0 = 2 * k
        w1 = w0 + 1

        @pl.when(w1 < n)
        def _():
            g_copy(w1, gbuf1, gsem1).start()

        g_copy(w0, gbuf0, gsem0).wait()
        h0 = compute(w0, gbuf0)

        @pl.when(w0 >= 1)
        def _():
            o_copy(w0 - 1).wait()

        obuf[...] = h0
        o_copy(w0).start()

        @pl.when(w0 + 2 < n)
        def _():
            g_copy(w0 + 2, gbuf0, gsem0).start()

        @pl.when(w1 < n)
        def _():
            g_copy(w1, gbuf1, gsem1).wait()
            h1 = compute(w1, gbuf1)
            o_copy(w0).wait()
            obuf[...] = h1
            o_copy(w1).start()

        return carry

    lax.fori_loop(0, (n + 1) // 2, pair, 0)
    o_copy(n - 1).wait()


def _lstm_seq_kernel(resets_ref, g_ref, whhT_ref, hs_ref, h_ref, c_ref):
    i = pl.program_id(0)

    @pl.when(i == 0)
    def _():
        h_ref[...] = jnp.zeros_like(h_ref)
        c_ref[...] = jnp.zeros_like(c_ref)

    def step(t, _):
        keep = 1.0 - resets_ref[pl.ds(t, 1), 0:1]
        h = h_ref[0:1, :] * keep
        c = c_ref[0:1, :] * keep
        gates = g_ref[pl.ds(t, 1), :] + jnp.dot(
            h, whhT_ref[...], preferred_element_type=jnp.float32
        )
        ig = jax.nn.sigmoid(gates[:, 0:H])
        fg = jax.nn.sigmoid(gates[:, H : 2 * H])
        gg = jnp.tanh(gates[:, 2 * H : 3 * H])
        og = jax.nn.sigmoid(gates[:, 3 * H : 4 * H])
        c = fg * c + ig * gg
        h = og * jnp.tanh(c)
        h_ref[0:1, :] = h
        c_ref[0:1, :] = c
        hs_ref[pl.ds(t, 1), :] = h
        return 0

    jax.lax.fori_loop(0, BB, step, 0)


def _gates_call(xp, W_ihT, b, nrows):
    return pl.pallas_call(
        _gates_kernel,
        grid=(nrows // BB,),
        in_specs=[
            pl.BlockSpec((BB, D), lambda i: (i, 0)),
            pl.BlockSpec((D, 4 * H), lambda i: (0, 0)),
            pl.BlockSpec((1, 4 * H), lambda i: (0, 0)),
        ],
        out_specs=pl.BlockSpec((BB, 4 * H), lambda i: (i, 0)),
        out_shape=jax.ShapeDtypeStruct((nrows, 4 * H), jnp.float32),
    )(xp, W_ihT, b)


def _post_call(hs, W1T, b1, woT, bo, nrows):
    return pl.pallas_call(
        _post_kernel,
        grid=(nrows // BB,),
        in_specs=[
            pl.BlockSpec((BB, H), lambda i: (i, 0)),
            pl.BlockSpec((H, H), lambda i: (0, 0)),
            pl.BlockSpec((1, H), lambda i: (0, 0)),
            pl.BlockSpec((H, AP), lambda i: (0, 0)),
            pl.BlockSpec((1, AP), lambda i: (0, 0)),
        ],
        out_specs=pl.BlockSpec((BB, AP), lambda i: (i, 0)),
        out_shape=jax.ShapeDtypeStruct((nrows, AP), jnp.float32),
    )(hs, W1T, b1, woT, bo)


@jax.jit
def kernel(x, not_dones, W_ih, W_hh, b_ih, b_hh, W1, b1, W_out, b_out, log_stdev):
    tvec = jnp.arange(T, dtype=jnp.int32)
    nd = not_dones.astype(jnp.int32)
    resets = jnp.concatenate([jnp.ones((1,), jnp.int32), 1 - nd[:-1]])
    ends = jnp.concatenate([resets[1:], jnp.ones((1,), jnp.int32)])
    seg = jnp.cumsum(resets) - 1
    start = lax.cummax(jnp.where(resets == 1, tvec, -1), axis=0)
    tend = lax.cummin(jnp.where(ends == 1, tvec, T), axis=0, reverse=True)
    pos = tvec - start
    len_tok = tend - start + 1
    maxlen = jnp.max(pos) + 1

    counts = jnp.zeros((T,), jnp.int32).at[pos].add(1)
    offsets = jnp.concatenate(
        [jnp.zeros((1,), jnp.int32), jnp.cumsum(((counts + 7) // 8) * 8)[:-1]]
    )

    key = (T - len_tok) * T + seg
    _, perm1, res_s, pos_s = lax.sort(
        (key, tvec, resets, pos), dimension=0, is_stable=True, num_keys=1
    )
    rk_s = jnp.cumsum(res_s) - 1
    row_s = jnp.minimum(offsets[pos_s] + rk_s, SPAD - 1)

    W_ihT = W_ih.T
    W_hhT = W_hh.T
    b = (b_ih + b_hh).reshape(1, 4 * H)
    W1T = W1.T
    b1r = b1.reshape(1, H)
    woT_pad = jnp.zeros((H, AP), jnp.float32).at[:, :A].set(W_out.T)
    bo_pad = jnp.zeros((1, AP), jnp.float32).at[0, :A].set(b_out)

    def packed_path():
        xp = _permute_rows(x, perm1, row_s, SPAD)
        G = _gates_call(xp, W_ihT, b, SPAD)
        hp = pl.pallas_call(
            _rec_kernel,
            in_specs=[
                pl.BlockSpec(memory_space=pltpu.SMEM),
                pl.BlockSpec(memory_space=pl.ANY),
                pl.BlockSpec(memory_space=pltpu.VMEM),
            ],
            out_specs=pl.BlockSpec(memory_space=pl.ANY),
            out_shape=jax.ShapeDtypeStruct((SPAD, H), jnp.float32),
            scratch_shapes=[
                pltpu.SMEM((NWMAX,), jnp.int32),
                pltpu.SMEM((NWMAX,), jnp.int32),
                pltpu.SMEM((NWMAX,), jnp.int32),
                pltpu.VMEM((BR, 4 * H), jnp.float32),
                pltpu.VMEM((BR, 4 * H), jnp.float32),
                pltpu.VMEM((BR, H), jnp.float32),
                pltpu.VMEM((NSTATE, H), jnp.float32),
                pltpu.VMEM((NSTATE, H), jnp.float32),
                pltpu.SemaphoreType.DMA,
                pltpu.SemaphoreType.DMA,
                pltpu.SemaphoreType.DMA,
            ],
        )(counts, G, W_hhT)
        mp = _post_call(hp, W1T, b1r, woT_pad, bo_pad, SPAD)
        return _permute_rows(mp, row_s, perm1, T)[:, :A]

    def seq_path():
        G = _gates_call(x, W_ihT, b, T)
        rs = resets.astype(jnp.float32).reshape(T, 1)
        hs = pl.pallas_call(
            _lstm_seq_kernel,
            grid=(T // BB,),
            in_specs=[
                pl.BlockSpec((BB, 1), lambda i: (i, 0)),
                pl.BlockSpec((BB, 4 * H), lambda i: (i, 0)),
                pl.BlockSpec((H, 4 * H), lambda i: (0, 0)),
            ],
            out_specs=pl.BlockSpec((BB, H), lambda i: (i, 0)),
            out_shape=jax.ShapeDtypeStruct((T, H), jnp.float32),
            scratch_shapes=[
                pltpu.VMEM((1, H), jnp.float32),
                pltpu.VMEM((1, H), jnp.float32),
            ],
        )(rs, G, W_hhT)
        return _post_call(hs, W1T, b1r, woT_pad, bo_pad, T)[:, :A]

    means = lax.cond(maxlen <= MAXP, packed_path, seq_path)
    std = jnp.exp(log_stdev)
    return means, std

# --- scband reference (transcript-rebuilt; emitter-appended) ---
"""Pipeline reference for scband-cts-lstmpolicy-70677981823593 (READ-ONLY COPY).

The authoritative reference and input builder live on the scoring server;
editing this copy changes nothing except your own understanding.
"""

import jax, jax.numpy as jnp
import numpy as np

T = 8192
STATE_DIM = 512
HIDDEN = (512, 512)
ACTION_DIM = 64


def _xavier(key, out_f, in_f):
    limit = float(np.sqrt(6.0 / (in_f + out_f)))
    return jax.random.uniform(key, (out_f, in_f), minval=-limit, maxval=limit, dtype=jnp.float32)


def setup_inputs(seed: int = 0) -> dict:
    key = jax.random.key(seed)
    ks = jax.random.split(key, 8)
    x = jax.random.normal(ks[0], (T, STATE_DIM), dtype=jnp.float32)
    not_dones = jax.random.randint(ks[1], (T,), 0, 2)
    H = HIDDEN[0]
    W_ih = _xavier(ks[2], 4 * H, STATE_DIM)
    W_hh = _xavier(ks[3], 4 * H, H)
    b_ih = jnp.zeros((4 * H,), jnp.float32)
    b_hh = jnp.zeros((4 * H,), jnp.float32)
    W1 = _xavier(ks[4], HIDDEN[1], H)
    b1 = jnp.zeros((HIDDEN[1],), jnp.float32)
    W_out = _xavier(ks[5], ACTION_DIM, HIDDEN[1])
    b_out = jnp.zeros((ACTION_DIM,), jnp.float32)
    log_stdev = jnp.zeros((ACTION_DIM,), jnp.float32)
    return {"x": x, "not_dones": not_dones, "W_ih": W_ih, "W_hh": W_hh,
            "b_ih": b_ih, "b_hh": b_hh, "W1": W1, "b1": b1,
            "W_out": W_out, "b_out": b_out, "log_stdev": log_stdev}


def _lstm_over_history(x, not_dones, W_ih, W_hh, b_ih, b_hh):
    # Equivalent to pack_history -> nn.LSTM -> unpack_history:
    # episodes end at indices where not_dones == 0; the LSTM state is reset to
    # zero at the start of every episode, and outputs are kept in token order.
    H = W_hh.shape[1]
    nd = not_dones.astype(x.dtype)
    resets = jnp.concatenate([jnp.ones((1,), x.dtype), 1.0 - nd[:-1]])

    def step(carry, inp):
        h, c = carry
        xt, r = inp
        keep = 1.0 - r
        h = h * keep
        c = c * keep
        gates = W_ih @ xt + b_ih + W_hh @ h + b_hh
        i, f, g, o = jnp.split(gates, 4)
        i = jax.nn.sigmoid(i)
        f = jax.nn.sigmoid(f)
        g = jnp.tanh(g)
        o = jax.nn.sigmoid(o)
        c = f * c + i * g
        h = o * jnp.tanh(c)
        return (h, c), h

    init = (jnp.zeros((H,), x.dtype), jnp.zeros((H,), x.dtype))
    _, hs = jax.lax.scan(step, init, (x, resets))
    return hs


def reference(x, not_dones, W_ih, W_hh, b_ih, b_hh, W1, b1, W_out, b_out, log_stdev):
    hs = _lstm_over_history(x, not_dones, W_ih, W_hh, b_ih, b_hh)
    z = jnp.tanh(hs @ W1.T + b1)  # affine layer with Tanh activation
    means = z @ W_out.T + b_out    # final_mean
    std = jnp.exp(log_stdev)
    return means, std

if __name__ == "__main__":
    import jax
    _d = setup_inputs()
    print(jax.jit(kernel)(*tuple(_d.values())))

</pallas_src>

<mosaic_0001>
#map = affine_map<(d0, d1) -> (0, 0)>
#map1 = affine_map<(d0, d1) -> (0)>
module attributes {stable_mosaic.version = 14 : i64} {
  func.func @k(%arg0: i32, %arg1: i32, %arg2: memref<9216x128xf32, #tpu.memory_space<hbm>>, %arg3: memref<8192xi32, #tpu.memory_space<hbm>>, %arg4: memref<8192xi32, #tpu.memory_space<hbm>>, %arg5: memref<8192x128xf32, #tpu.memory_space<hbm>>, %arg6: memref<128xi32, #tpu.memory_space<vmem>>, %arg7: memref<128xi32, #tpu.memory_space<vmem>>, %arg8: memref<128x128xf32, #tpu.memory_space<vmem>>, %arg9: memref<!tpu.dma_semaphore, #tpu.memory_space<semaphore_mem>>, %arg10: memref<!tpu.dma_semaphore, #tpu.memory_space<semaphore_mem>>) attributes {dimension_semantics = [#tpu.dimension_semantics<core_parallel>, #tpu.dimension_semantics<subcore_parallel>], iteration_bounds = array<i64: 2, 16>, scalar_prefetch = 0 : i64, scratch_operands = 5 : i64, tpu.core_type = #tpu.core_type<sc_vector_subcore>, window_params = [{transform_indices = #map}, {transform_indices = #map1}, {transform_indices = #map1}, {transform_indices = #map}]} {
    %mul3A = arith.constant 2 : i32
    %mul3A_0 = arith.muli %arg1, %mul3A : i32
    %add3A = arith.addi %mul3A_0, %arg0 : i32
    %mul3A_1 = arith.constant 256 : i32
    %mul3A_2 = arith.muli %add3A, %mul3A_1 : i32
    %add3A_3 = arith.constant 0 : i32
    %add3A_4 = arith.addi %mul3A_2, %add3A_3 : i32
    "tpu.region"() ({
      %run_scoped3A = tpu.sem_alloc : memref<!tpu.dma_semaphore, #tpu.memory_space<semaphore_mem>>
      %dma_start3A_29 = tpu.memref_slice %arg3[%add3A_4] : memref<8192xi32, #tpu.memory_space<hbm>> -> memref<128xi32, #tpu.memory_space<hbm>>
      %dma_start3A_30 = tpu.memref_slice %arg3[%add3A_4] : memref<8192xi32, #tpu.memory_space<hbm>> -> memref<128xi32, #tpu.memory_space<hbm>>
      tpu.enqueue_dma source(%dma_start3A_30 : memref<128xi32, #tpu.memory_space<hbm>>) target(%arg6 : memref<128xi32, #tpu.memory_space<vmem>>) target_semaphore(%run_scoped3A : memref<!tpu.dma_semaphore, #tpu.memory_space<semaphore_mem>>)
      %dma_wait3A_31 = tpu.memref_slice %arg3[%add3A_4] : memref<8192xi32, #tpu.memory_space<hbm>> -> memref<128xi32, #tpu.memory_space<hbm>>
      %dma_wait3A_32 = tpu.memref_slice %arg3[%add3A_4] : memref<8192xi32, #tpu.memory_space<hbm>> -> memref<128xi32, #tpu.memory_space<hbm>>
      tpu.wait_dma2 semaphore(%run_scoped3A : memref<!tpu.dma_semaphore, #tpu.memory_space<semaphore_mem>>) src(%dma_wait3A_32 : memref<128xi32, #tpu.memory_space<hbm>>) dst(%arg6 : memref<128xi32, #tpu.memory_space<vmem>>)
      tpu.yield
    }) : () -> ()
    "tpu.region"() ({
      %run_scoped3A = tpu.sem_alloc : memref<!tpu.dma_semaphore, #tpu.memory_space<semaphore_mem>>
      %dma_start3A_29 = tpu.memref_slice %arg4[%add3A_4] : memref<8192xi32, #tpu.memory_space<hbm>> -> memref<128xi32, #tpu.memory_space<hbm>>
      %dma_start3A_30 = tpu.memref_slice %arg4[%add3A_4] : memref<8192xi32, #tpu.memory_space<hbm>> -> memref<128xi32, #tpu.memory_space<hbm>>
      tpu.enqueue_dma source(%dma_start3A_30 : memref<128xi32, #tpu.memory_space<hbm>>) target(%arg7 : memref<128xi32, #tpu.memory_space<vmem>>) target_semaphore(%run_scoped3A : memref<!tpu.dma_semaphore, #tpu.memory_space<semaphore_mem>>)
      %dma_wait3A_31 = tpu.memref_slice %arg4[%add3A_4] : memref<8192xi32, #tpu.memory_space<hbm>> -> memref<128xi32, #tpu.memory_space<hbm>>
      %dma_wait3A_32 = tpu.memref_slice %arg4[%add3A_4] : memref<8192xi32, #tpu.memory_space<hbm>> -> memref<128xi32, #tpu.memory_space<hbm>>
      tpu.wait_dma2 semaphore(%run_scoped3A : memref<!tpu.dma_semaphore, #tpu.memory_space<semaphore_mem>>) src(%dma_wait3A_32 : memref<128xi32, #tpu.memory_space<hbm>>) dst(%arg7 : memref<128xi32, #tpu.memory_space<vmem>>)
      tpu.yield
    }) : () -> ()
    %dma_start3A = arith.constant 0 : i32
    %dma_start3A_5 = arith.constant 0 : i32
    %dma_start3A_6 = tpu.memref_slice %arg2[%dma_start3A, %dma_start3A_5] : memref<9216x128xf32, #tpu.memory_space<hbm>> -> memref<9216x128xf32, #tpu.memory_space<hbm>>
    tpu.enqueue_indirect_dma source(%dma_start3A_6 : memref<9216x128xf32, #tpu.memory_space<hbm>>) target(%arg8 : memref<128x128xf32, #tpu.memory_space<vmem>>) offsets(%arg6 : memref<128xi32, #tpu.memory_space<vmem>>) semaphore(%arg9 : memref<!tpu.dma_semaphore, #tpu.memory_space<semaphore_mem>>)
    %dma_wait3A = arith.constant 0 : i32
    %dma_wait3A_7 = arith.constant 0 : i32
    %dma_wait3A_8 = tpu.memref_slice %arg2[%dma_wait3A, %dma_wait3A_7] : memref<9216x128xf32, #tpu.memory_space<hbm>> -> memref<9216x128xf32, #tpu.memory_space<hbm>>
    tpu.wait_indirect_dma semaphore(%arg9 : memref<!tpu.dma_semaphore, #tpu.memory_space<semaphore_mem>>) src(%dma_wait3A_8 : memref<9216x128xf32, #tpu.memory_space<hbm>>) dst(%arg8 : memref<128x128xf32, #tpu.memory_space<vmem>>)
    %dma_start3A_9 = arith.constant 0 : i32
    %dma_start3A_10 = arith.constant 0 : i32
    %dma_start3A_11 = tpu.memref_slice %arg5[%dma_start3A_9, %dma_start3A_10] : memref<8192x128xf32, #tpu.memory_space<hbm>> -> memref<8192x128xf32, #tpu.memory_space<hbm>>
    tpu.enqueue_indirect_dma source(%arg8 : memref<128x128xf32, #tpu.memory_space<vmem>>) target(%dma_start3A_11 : memref<8192x128xf32, #tpu.memory_space<hbm>>) offsets(%arg7 : memref<128xi32, #tpu.memory_space<vmem>>) semaphore(%arg10 : memref<!tpu.dma_semaphore, #tpu.memory_space<semaphore_mem>>)
    %dma_wait3A_12 = arith.constant 0 : i32
    %dma_wait3A_13 = arith.constant 0 : i32
    %dma_wait3A_14 = tpu.memref_slice %arg5[%dma_wait3A_12, %dma_wait3A_13] : memref<8192x128xf32, #tpu.memory_space<hbm>> -> memref<8192x128xf32, #tpu.memory_space<hbm>>
    tpu.wait_indirect_dma semaphore(%arg10 : memref<!tpu.dma_semaphore, #tpu.memory_space<semaphore_mem>>) src(%arg8 : memref<128x128xf32, #tpu.memory_space<vmem>>) dst(%dma_wait3A_14 : memref<8192x128xf32, #tpu.memory_space<hbm>>)
    %add3A_15 = arith.constant 128 : i32
    %add3A_16 = arith.addi %mul3A_2, %add3A_15 : i32
    "tpu.region"() ({
      %run_scoped3A = tpu.sem_alloc : memref<!tpu.dma_semaphore, #tpu.memory_space<semaphore_mem>>
      %dma_start3A_29 = tpu.memref_slice %arg3[%add3A_16] : memref<8192xi32, #tpu.memory_space<hbm>> -> memref<128xi32, #tpu.memory_space<hbm>>
      %dma_start3A_30 = tpu.memref_slice %arg3[%add3A_16] : memref<8192xi32, #tpu.memory_space<hbm>> -> memref<128xi32, #tpu.memory_space<hbm>>
      tpu.enqueue_dma source(%dma_start3A_30 : memref<128xi32, #tpu.memory_space<hbm>>) target(%arg6 : memref<128xi32, #tpu.memory_space<vmem>>) target_semaphore(%run_scoped3A : memref<!tpu.dma_semaphore, #tpu.memory_space<semaphore_mem>>)
      %dma_wait3A_31 = tpu.memref_slice %arg3[%add3A_16] : memref<8192xi32, #tpu.memory_space<hbm>> -> memref<128xi32, #tpu.memory_space<hbm>>
      %dma_wait3A_32 = tpu.memref_slice %arg3[%add3A_16] : memref<8192xi32, #tpu.memory_space<hbm>> -> memref<128xi32, #tpu.memory_space<hbm>>
      tpu.wait_dma2 semaphore(%run_scoped3A : memref<!tpu.dma_semaphore, #tpu.memory_space<semaphore_mem>>) src(%dma_wait3A_32 : memref<128xi32, #tpu.memory_space<hbm>>) dst(%arg6 : memref<128xi32, #tpu.memory_space<vmem>>)
      tpu.yield
    }) : () -> ()
    "tpu.region"() ({
      %run_scoped3A = tpu.sem_alloc : memref<!tpu.dma_semaphore, #tpu.memory_space<semaphore_mem>>
      %dma_start3A_29 = tpu.memref_slice %arg4[%add3A_16] : memref<8192xi32, #tpu.memory_space<hbm>> -> memref<128xi32, #tpu.memory_space<hbm>>
      %dma_start3A_30 = tpu.memref_slice %arg4[%add3A_16] : memref<8192xi32, #tpu.memory_space<hbm>> -> memref<128xi32, #tpu.memory_space<hbm>>
      tpu.enqueue_dma source(%dma_start3A_30 : memref<128xi32, #tpu.memory_space<hbm>>) target(%arg7 : memref<128xi32, #tpu.memory_space<vmem>>) target_semaphore(%run_scoped3A : memref<!tpu.dma_semaphore, #tpu.memory_space<semaphore_mem>>)
      %dma_wait3A_31 = tpu.memref_slice %arg4[%add3A_16] : memref<8192xi32, #tpu.memory_space<hbm>> -> memref<128xi32, #tpu.memory_space<hbm>>
      %dma_wait3A_32 = tpu.memref_slice %arg4[%add3A_16] : memref<8192xi32, #tpu.memory_space<hbm>> -> memref<128xi32, #tpu.memory_space<hbm>>
      tpu.wait_dma2 semaphore(%run_scoped3A : memref<!tpu.dma_semaphore, #tpu.memory_space<semaphore_mem>>) src(%dma_wait3A_32 : memref<128xi32, #tpu.memory_space<hbm>>) dst(%arg7 : memref<128xi32, #tpu.memory_space<vmem>>)
      tpu.yield
    }) : () -> ()
    %dma_start3A_17 = arith.constant 0 : i32
    %dma_start3A_18 = arith.constant 0 : i32
    %dma_start3A_19 = tpu.memref_slice %arg2[%dma_start3A_17, %dma_start3A_18] : memref<9216x128xf32, #tpu.memory_space<hbm>> -> memref<9216x128xf32, #tpu.memory_space<hbm>>
    tpu.enqueue_indirect_dma source(%dma_start3A_19 : memref<9216x128xf32, #tpu.memory_space<hbm>>) target(%arg8 : memref<128x128xf32, #tpu.memory_space<vmem>>) offsets(%arg6 : memref<128xi32, #tpu.memory_space<vmem>>) semaphore(%arg9 : memref<!tpu.dma_semaphore, #tpu.memory_space<semaphore_mem>>)
    %dma_wait3A_20 = arith.constant 0 : i32
    %dma_wait3A_21 = arith.constant 0 : i32
    %dma_wait3A_22 = tpu.memref_slice %arg2[%dma_wait3A_20, %dma_wait3A_21] : memref<9216x128xf32, #tpu.memory_space<hbm>> -> memref<9216x128xf32, #tpu.memory_space<hbm>>
    tpu.wait_indirect_dma semaphore(%arg9 : memref<!tpu.dma_semaphore, #tpu.memory_space<semaphore_mem>>) src(%dma_wait3A_22 : memref<9216x128xf32, #tpu.memory_space<hbm>>) dst(%arg8 : memref<128x128xf32, #tpu.memory_space<vmem>>)
    %dma_start3A_23 = arith.constant 0 : i32
    %dma_start3A_24 = arith.constant 0 : i32
    %dma_start3A_25 = tpu.memref_slice %arg5[%dma_start3A_23, %dma_start3A_24] : memref<8192x128xf32, #tpu.memory_space<hbm>> -> memref<8192x128xf32, #tpu.memory_space<hbm>>
    tpu.enqueue_indirect_dma source(%arg8 : memref<128x128xf32, #tpu.memory_space<vmem>>) target(%dma_start3A_25 : memref<8192x128xf32, #tpu.memory_space<hbm>>) offsets(%arg7 : memref<128xi32, #tpu.memory_space<vmem>>) semaphore(%arg10 : memref<!tpu.dma_semaphore, #tpu.memory_space<semaphore_mem>>)
    %dma_wait3A_26 = arith.constant 0 : i32
    %dma_wait3A_27 = arith.constant 0 : i32
    %dma_wait3A_28 = tpu.memref_slice %arg5[%dma_wait3A_26, %dma_wait3A_27] : memref<8192x128xf32, #tpu.memory_space<hbm>> -> memref<8192x128xf32, #tpu.memory_space<hbm>>
    tpu.wait_indirect_dma semaphore(%arg10 : memref<!tpu.dma_semaphore, #tpu.memory_space<semaphore_mem>>) src(%arg8 : memref<128x128xf32, #tpu.memory_space<vmem>>) dst(%dma_wait3A_28 : memref<8192x128xf32, #tpu.memory_space<hbm>>)
    return
  }
}

#map = affine_map<(d0, d1) -> (0, 0)>
#map1 = affine_map<(d0, d1) -> (0)>
module attributes {stable_mosaic.version = 14 : i64} {
  func.func @k(%arg0: i32, %arg1: i32, %arg2: memref<8192x512xf32, #tpu.memory_space<hbm>>, %arg3: memref<8192xi32, #tpu.memory_space<hbm>>, %arg4: memref<8192xi32, #tpu.memory_space<hbm>>, %arg5: memref<9216x512xf32, #tpu.memory_space<hbm>>, %arg6: memref<128xi32, #tpu.memory_space<vmem>>, %arg7: memref<128xi32, #tpu.memory_space<vmem>>, %arg8: memref<128x512xf32, #tpu.memory_space<vmem>>, %arg9: memref<!tpu.dma_semaphore, #tpu.memory_space<semaphore_mem>>, %arg10: memref<!tpu.dma_semaphore, #tpu.memory_space<semaphore_mem>>) attributes {dimension_semantics = [#tpu.dimension_semantics<core_parallel>, #tpu.dimension_semantics<subcore_parallel>], iteration_bounds = array<i64: 2, 16>, scalar_prefetch = 0 : i64, scratch_operands = 5 : i64, tpu.core_type = #tpu.core_type<sc_vector_subcore>, window_params = [{transform_indices = #map}, {transform_indices = #map1}, {transform_indices = #map1}, {transform_indices = #map}]} {
    %mul3A = arith.constant 2 : i32
    %mul3A_0 = arith.muli %arg1, %mul3A : i32
    %add3A = arith.addi %mul3A_0, %arg0 : i32
    %mul3A_1 = arith.constant 256 : i32
    %mul3A_2 = arith.muli %add3A, %mul3A_1 : i32
    %add3A_3 = arith.constant 0 : i32
    %add3A_4 = arith.addi %mul3A_2, %add3A_3 : i32
    "tpu.region"() ({
      %run_scoped3A = tpu.sem_alloc : memref<!tpu.dma_semaphore, #tpu.memory_space<semaphore_mem>>
      %dma_start3A_29 = tpu.memref_slice %arg3[%add3A_4] : memref<8192xi32, #tpu.memory_space<hbm>> -> memref<128xi32, #tpu.memory_space<hbm>>
      %dma_start3A_30 = tpu.memref_slice %arg3[%add3A_4] : memref<8192xi32, #tpu.memory_space<hbm>> -> memref<128xi32, #tpu.memory_space<hbm>>
      tpu.enqueue_dma source(%dma_start3A_30 : memref<128xi32, #tpu.memory_space<hbm>>) target(%arg6 : memref<128xi32, #tpu.memory_space<vmem>>) target_semaphore(%run_scoped3A : memref<!tpu.dma_semaphore, #tpu.memory_space<semaphore_mem>>)
      %dma_wait3A_31 = tpu.memref_slice %arg3[%add3A_4] : memref<8192xi32, #tpu.memory_space<hbm>> -> memref<128xi32, #tpu.memory_space<hbm>>
      %dma_wait3A_32 = tpu.memref_slice %arg3[%add3A_4] : memref<8192xi32, #tpu.memory_space<hbm>> -> memref<128xi32, #tpu.memory_space<hbm>>
      tpu.wait_dma2 semaphore(%run_scoped3A : memref<!tpu.dma_semaphore, #tpu.memory_space<semaphore_mem>>) src(%dma_wait3A_32 : memref<128xi32, #tpu.memory_space<hbm>>) dst(%arg6 : memref<128xi32, #tpu.memory_space<vmem>>)
      tpu.yield
    }) : () -> ()
    "tpu.region"() ({
      %run_scoped3A = tpu.sem_alloc : memref<!tpu.dma_semaphore, #tpu.memory_space<semaphore_mem>>
      %dma_start3A_29 = tpu.memref_slice %arg4[%add3A_4] : memref<8192xi32, #tpu.memory_space<hbm>> -> memref<128xi32, #tpu.memory_space<hbm>>
      %dma_start3A_30 = tpu.memref_slice %arg4[%add3A_4] : memref<8192xi32, #tpu.memory_space<hbm>> -> memref<128xi32, #tpu.memory_space<hbm>>
      tpu.enqueue_dma source(%dma_start3A_30 : memref<128xi32, #tpu.memory_space<hbm>>) target(%arg7 : memref<128xi32, #tpu.memory_space<vmem>>) target_semaphore(%run_scoped3A : memref<!tpu.dma_semaphore, #tpu.memory_space<semaphore_mem>>)
      %dma_wait3A_31 = tpu.memref_slice %arg4[%add3A_4] : memref<8192xi32, #tpu.memory_space<hbm>> -> memref<128xi32, #tpu.memory_space<hbm>>
      %dma_wait3A_32 = tpu.memref_slice %arg4[%add3A_4] : memref<8192xi32, #tpu.memory_space<hbm>> -> memref<128xi32, #tpu.memory_space<hbm>>
      tpu.wait_dma2 semaphore(%run_scoped3A : memref<!tpu.dma_semaphore, #tpu.memory_space<semaphore_mem>>) src(%dma_wait3A_32 : memref<128xi32, #tpu.memory_space<hbm>>) dst(%arg7 : memref<128xi32, #tpu.memory_space<vmem>>)
      tpu.yield
    }) : () -> ()
    %dma_start3A = arith.constant 0 : i32
    %dma_start3A_5 = arith.constant 0 : i32
    %dma_start3A_6 = tpu.memref_slice %arg2[%dma_start3A, %dma_start3A_5] : memref<8192x512xf32, #tpu.memory_space<hbm>> -> memref<8192x512xf32, #tpu.memory_space<hbm>>
    tpu.enqueue_indirect_dma source(%dma_start3A_6 : memref<8192x512xf32, #tpu.memory_space<hbm>>) target(%arg8 : memref<128x512xf32, #tpu.memory_space<vmem>>) offsets(%arg6 : memref<128xi32, #tpu.memory_space<vmem>>) semaphore(%arg9 : memref<!tpu.dma_semaphore, #tpu.memory_space<semaphore_mem>>)
    %dma_wait3A = arith.constant 0 : i32
    %dma_wait3A_7 = arith.constant 0 : i32
    %dma_wait3A_8 = tpu.memref_slice %arg2[%dma_wait3A, %dma_wait3A_7] : memref<8192x512xf32, #tpu.memory_space<hbm>> -> memref<8192x512xf32, #tpu.memory_space<hbm>>
    tpu.wait_indirect_dma semaphore(%arg9 : memref<!tpu.dma_semaphore, #tpu.memory_space<semaphore_mem>>) src(%dma_wait3A_8 : memref<8192x512xf32, #tpu.memory_space<hbm>>) dst(%arg8 : memref<128x512xf32, #tpu.memory_space<vmem>>)
    %dma_start3A_9 = arith.constant 0 : i32
    %dma_start3A_10 = arith.constant 0 : i32
    %dma_start3A_11 = tpu.memref_slice %arg5[%dma_start3A_9, %dma_start3A_10] : memref<9216x512xf32, #tpu.memory_space<hbm>> -> memref<9216x512xf32, #tpu.memory_space<hbm>>
    tpu.enqueue_indirect_dma source(%arg8 : memref<128x512xf32, #tpu.memory_space<vmem>>) target(%dma_start3A_11 : memref<9216x512xf32, #tpu.memory_space<hbm>>) offsets(%arg7 : memref<128xi32, #tpu.memory_space<vmem>>) semaphore(%arg10 : memref<!tpu.dma_semaphore, #tpu.memory_space<semaphore_mem>>)
    %dma_wait3A_12 = arith.constant 0 : i32
    %dma_wait3A_13 = arith.constant 0 : i32
    %dma_wait3A_14 = tpu.memref_slice %arg5[%dma_wait3A_12, %dma_wait3A_13] : memref<9216x512xf32, #tpu.memory_space<hbm>> -> memref<9216x512xf32, #tpu.memory_space<hbm>>
    tpu.wait_indirect_dma semaphore(%arg10 : memref<!tpu.dma_semaphore, #tpu.memory_space<semaphore_mem>>) src(%arg8 : memref<128x512xf32, #tpu.memory_space<vmem>>) dst(%dma_wait3A_14 : memref<9216x512xf32, #tpu.memory_space<hbm>>)
    %add3A_15 = arith.constant 128 : i32
    %add3A_16 = arith.addi %mul3A_2, %add3A_15 : i32
    "tpu.region"() ({
      %run_scoped3A = tpu.sem_alloc : memref<!tpu.dma_semaphore, #tpu.memory_space<semaphore_mem>>
      %dma_start3A_29 = tpu.memref_slice %arg3[%add3A_16] : memref<8192xi32, #tpu.memory_space<hbm>> -> memref<128xi32, #tpu.memory_space<hbm>>
      %dma_start3A_30 = tpu.memref_slice %arg3[%add3A_16] : memref<8192xi32, #tpu.memory_space<hbm>> -> memref<128xi32, #tpu.memory_space<hbm>>
      tpu.enqueue_dma source(%dma_start3A_30 : memref<128xi32, #tpu.memory_space<hbm>>) target(%arg6 : memref<128xi32, #tpu.memory_space<vmem>>) target_semaphore(%run_scoped3A : memref<!tpu.dma_semaphore, #tpu.memory_space<semaphore_mem>>)
      %dma_wait3A_31 = tpu.memref_slice %arg3[%add3A_16] : memref<8192xi32, #tpu.memory_space<hbm>> -> memref<128xi32, #tpu.memory_space<hbm>>
      %dma_wait3A_32 = tpu.memref_slice %arg3[%add3A_16] : memref<8192xi32, #tpu.memory_space<hbm>> -> memref<128xi32, #tpu.memory_space<hbm>>
      tpu.wait_dma2 semaphore(%run_scoped3A : memref<!tpu.dma_semaphore, #tpu.memory_space<semaphore_mem>>) src(%dma_wait3A_32 : memref<128xi32, #tpu.memory_space<hbm>>) dst(%arg6 : memref<128xi32, #tpu.memory_space<vmem>>)
      tpu.yield
    }) : () -> ()
    "tpu.region"() ({
      %run_scoped3A = tpu.sem_alloc : memref<!tpu.dma_semaphore, #tpu.memory_space<semaphore_mem>>
      %dma_start3A_29 = tpu.memref_slice %arg4[%add3A_16] : memref<8192xi32, #tpu.memory_space<hbm>> -> memref<128xi32, #tpu.memory_space<hbm>>
      %dma_start3A_30 = tpu.memref_slice %arg4[%add3A_16] : memref<8192xi32, #tpu.memory_space<hbm>> -> memref<128xi32, #tpu.memory_space<hbm>>
      tpu.enqueue_dma source(%dma_start3A_30 : memref<128xi32, #tpu.memory_space<hbm>>) target(%arg7 : memref<128xi32, #tpu.memory_space<vmem>>) target_semaphore(%run_scoped3A : memref<!tpu.dma_semaphore, #tpu.memory_space<semaphore_mem>>)
      %dma_wait3A_31 = tpu.memref_slice %arg4[%add3A_16] : memref<8192xi32, #tpu.memory_space<hbm>> -> memref<128xi32, #tpu.memory_space<hbm>>
      %dma_wait3A_32 = tpu.memref_slice %arg4[%add3A_16] : memref<8192xi32, #tpu.memory_space<hbm>> -> memref<128xi32, #tpu.memory_space<hbm>>
      tpu.wait_dma2 semaphore(%run_scoped3A : memref<!tpu.dma_semaphore, #tpu.memory_space<semaphore_mem>>) src(%dma_wait3A_32 : memref<128xi32, #tpu.memory_space<hbm>>) dst(%arg7 : memref<128xi32, #tpu.memory_space<vmem>>)
      tpu.yield
    }) : () -> ()
    %dma_start3A_17 = arith.constant 0 : i32
    %dma_start3A_18 = arith.constant 0 : i32
    %dma_start3A_19 = tpu.memref_slice %arg2[%dma_start3A_17, %dma_start3A_18] : memref<8192x512xf32, #tpu.memory_space<hbm>> -> memref<8192x512xf32, #tpu.memory_space<hbm>>
    tpu.enqueue_indirect_dma source(%dma_start3A_19 : memref<8192x512xf32, #tpu.memory_space<hbm>>) target(%arg8 : memref<128x512xf32, #tpu.memory_space<vmem>>) offsets(%arg6 : memref<128xi32, #tpu.memory_space<vmem>>) semaphore(%arg9 : memref<!tpu.dma_semaphore, #tpu.memory_space<semaphore_mem>>)
    %dma_wait3A_20 = arith.constant 0 : i32
    %dma_wait3A_21 = arith.constant 0 : i32
    %dma_wait3A_22 = tpu.memref_slice %arg2[%dma_wait3A_20, %dma_wait3A_21] : memref<8192x512xf32, #tpu.memory_space<hbm>> -> memref<8192x512xf32, #tpu.memory_space<hbm>>
    tpu.wait_indirect_dma semaphore(%arg9 : memref<!tpu.dma_semaphore, #tpu.memory_space<semaphore_mem>>) src(%dma_wait3A_22 : memref<8192x512xf32, #tpu.memory_space<hbm>>) dst(%arg8 : memref<128x512xf32, #tpu.memory_space<vmem>>)
    %dma_start3A_23 = arith.constant 0 : i32
    %dma_start3A_24 = arith.constant 0 : i32
    %dma_start3A_25 = tpu.memref_slice %arg5[%dma_start3A_23, %dma_start3A_24] : memref<9216x512xf32, #tpu.memory_space<hbm>> -> memref<9216x512xf32, #tpu.memory_space<hbm>>
    tpu.enqueue_indirect_dma source(%arg8 : memref<128x512xf32, #tpu.memory_space<vmem>>) target(%dma_start3A_25 : memref<9216x512xf32, #tpu.memory_space<hbm>>) offsets(%arg7 : memref<128xi32, #tpu.memory_space<vmem>>) semaphore(%arg10 : memref<!tpu.dma_semaphore, #tpu.memory_space<semaphore_mem>>)
    %dma_wait3A_26 = arith.constant 0 : i32
    %dma_wait3A_27 = arith.constant 0 : i32
    %dma_wait3A_28 = tpu.memref_slice %arg5[%dma_wait3A_26, %dma_wait3A_27] : memref<9216x512xf32, #tpu.memory_space<hbm>> -> memref<9216x512xf32, #tpu.memory_space<hbm>>
    tpu.wait_indirect_dma semaphore(%arg10 : memref<!tpu.dma_semaphore, #tpu.memory_space<semaphore_mem>>) src(%arg8 : memref<128x512xf32, #tpu.memory_space<vmem>>) dst(%dma_wait3A_28 : memref<9216x512xf32, #tpu.memory_space<hbm>>)
    return
  }
}

module attributes {stable_mosaic.version = 14 : i64} {
  func.func @_gates_kernel(%arg0: i32, %arg1: memref<512x512xf32, #tpu.memory_space<vmem>>, %arg2: memref<512x2048xf32, #tpu.memory_space<vmem>>, %arg3: memref<1x2048xf32, #tpu.memory_space<vmem>>, %arg4: memref<512x2048xf32, #tpu.memory_space<vmem>>) attributes {dimension_semantics = [#tpu.dimension_semantics<arbitrary>], iteration_bounds = array<i64: 16>, scalar_prefetch = 0 : i64, scratch_operands = 0 : i64, tpu.core_type = #tpu.core_type<tc>, window_params = [{transform_indices = @transform_0, window_bounds = array<i64: 512, 512>}, {pipeline_mode = #tpu.pipeline_mode<synchronous>, transform_indices = @transform_1, window_bounds = array<i64: 512, 2048>}, {pipeline_mode = #tpu.pipeline_mode<synchronous>, transform_indices = @transform_2, window_bounds = array<i64: 1, 2048>}, {transform_indices = @transform_3, window_bounds = array<i64: 512, 2048>}]} {
    %get3A = arith.constant 0 : index
    %get3A_0 = arith.constant 0 : index
    %get3A_1 = vector.load %arg1[%get3A, %get3A_0] : memref<512x512xf32, #tpu.memory_space<vmem>>, vector<512x512xf32>
    %get3A_2 = arith.constant 0 : index
    %get3A_3 = arith.constant 0 : index
    %get3A_4 = vector.load %arg2[%get3A_2, %get3A_3] : memref<512x2048xf32, #tpu.memory_space<vmem>>, vector<512x2048xf32>
    %dot_general3A = arith.constant dense<0.000000e+00> : vector<512x2048xf32>
    %dot_general3A_5 = tpu.matmul %get3A_1, %get3A_4, %dot_general3A {dimension_numbers = #tpu.dot_dimension_numbers<[1], [0], [0], [1], [0, 0, 1, 1], [], []>, transpose_lhs_hint = false} : vector<512x512xf32>, vector<512x2048xf32>, vector<512x2048xf32> -> vector<512x2048xf32>
    %get3A_6 = arith.constant 0 : index
    %get3A_7 = arith.constant 0 : index
    %get3A_8 = vector.load %arg3[%get3A_6, %get3A_7] : memref<1x2048xf32, #tpu.memory_space<vmem>>, vector<1x2048xf32>
    %add3A = vector.broadcast %get3A_8 : vector<1x2048xf32> to vector<512x2048xf32>
    %add3A_9 = arith.addf %dot_general3A_5, %add3A : vector<512x2048xf32>
    %swap3A = arith.constant 0 : index
    %swap3A_10 = arith.constant 0 : index
    %swap3A_11 = vector.load %arg4[%swap3A, %swap3A_10] : memref<512x2048xf32, #tpu.memory_space<vmem>>, vector<512x2048xf32>
    tpu.vector_store %arg4[%swap3A, %swap3A_10], %add3A_9 {strides = array<i32>} : memref<512x2048xf32, #tpu.memory_space<vmem>>, vector<512x2048xf32>,
    return
  }
  func.func @transform_0(%arg0: i32) -> (i32, i32) {
    %c0_i32 = arith.constant 0 : i32
    %c0_i32_0 = arith.constant 0 : i32
    return %arg0, %c0_i32 : i32, i32
  }
  func.func @transform_1(%arg0: i32) -> (i32, i32) {
    %c0_i32 = arith.constant 0 : i32
    %c0_i32_0 = arith.constant 0 : i32
    %c0_i32_1 = arith.constant 0 : i32
    return %c0_i32, %c0_i32_0 : i32, i32
  }
  func.func @transform_2(%arg0: i32) -> (i32, i32) {
    %c0_i32 = arith.constant 0 : i32
    %c0_i32_0 = arith.constant 0 : i32
    %c0_i32_1 = arith.constant 0 : i32
    return %c0_i32, %c0_i32_0 : i32, i32
  }
  func.func @transform_3(%arg0: i32) -> (i32, i32) {
    %c0_i32 = arith.constant 0 : i32
    %c0_i32_0 = arith.constant 0 : i32
    return %arg0, %c0_i32 : i32, i32
  }
}

module attributes {stable_mosaic.version = 14 : i64} {
  func.func @_lstm_seq_kernel(%arg0: i32, %arg1: memref<512x1xf32, #tpu.memory_space<vmem>>, %arg2: memref<512x2048xf32, #tpu.memory_space<vmem>>, %arg3: memref<512x2048xf32, #tpu.memory_space<vmem>>, %arg4: memref<512x512xf32, #tpu.memory_space<vmem>>, %arg5: memref<1x512xf32, #tpu.memory_space<vmem>>, %arg6: memref<1x512xf32, #tpu.memory_space<vmem>>) attributes {dimension_semantics = [#tpu.dimension_semantics<arbitrary>], iteration_bounds = array<i64: 16>, scalar_prefetch = 0 : i64, scratch_operands = 2 : i64, tpu.core_type = #tpu.core_type<tc>, window_params = [{transform_indices = @transform_0, window_bounds = array<i64: 512, 1>}, {transform_indices = @transform_1, window_bounds = array<i64: 512, 2048>}, {pipeline_mode = #tpu.pipeline_mode<synchronous>, transform_indices = @transform_2, window_bounds = array<i64: 512, 2048>}, {transform_indices = @transform_3, window_bounds = array<i64: 512, 512>}]} {
    %eq3A = arith.constant 0 : i32
    %eq3A_0 = arith.cmpi eq, %arg0, %eq3A : i32
    %convert_element_type3A = arith.extui %eq3A_0 : i1 to i32
    %cond3A = arith.constant 0 : i32
    %cond3A_1 = arith.cmpi ne, %convert_element_type3A, %cond3A : i32
    scf.if %cond3A_1 {
      %broadcast_in_dim3A = arith.constant 0.000000e+00 : f32
      %broadcast_in_dim3A_6 = vector.broadcast %broadcast_in_dim3A : f32 to vector<1x512xf32>
      %swap3A = arith.constant 0 : index
      %swap3A_7 = arith.constant 0 : index
      %swap3A_8 = vector.load %arg5[%swap3A, %swap3A_7] : memref<1x512xf32, #tpu.memory_space<vmem>>, vector<1x512xf32>
      tpu.vector_store %arg5[%swap3A, %swap3A_7], %broadcast_in_dim3A_6 {strides = array<i32>} : memref<1x512xf32, #tpu.memory_space<vmem>>, vector<1x512xf32>,
      %broadcast_in_dim3A_9 = arith.constant 0.000000e+00 : f32
      %broadcast_in_dim3A_10 = vector.broadcast %broadcast_in_dim3A_9 : f32 to vector<1x512xf32>
      %swap3A_11 = arith.constant 0 : index
      %swap3A_12 = arith.constant 0 : index
      %swap3A_13 = vector.load %arg6[%swap3A_11, %swap3A_12] : memref<1x512xf32, #tpu.memory_space<vmem>>, vector<1x512xf32>
      tpu.vector_store %arg6[%swap3A_11, %swap3A_12], %broadcast_in_dim3A_10 {strides = array<i32>} : memref<1x512xf32, #tpu.memory_space<vmem>>, vector<1x512xf32>,
    } else {
    }
    %scan3A = arith.constant 0 : i32
    %scan3A_2 = arith.constant 512 : i32
    %scan3A_3 = arith.addi %scan3A, %scan3A_2 : i32
    %scan3A_4 = arith.constant 1 : i32
    scf.for %scan3A_6 = %scan3A to %scan3A_3 step %scan3A_4  : i32 {
      %get3A = arith.index_cast %scan3A_6 : i32 to index
      %get3A_7 = arith.constant 0 : index
      %get3A_8 = vector.load %arg1[%get3A, %get3A_7] : memref<512x1xf32, #tpu.memory_space<vmem>>, vector<1x1xf32>
      %sub3A = arith.constant 1.000000e+00 : f32
      %sub3A_9 = vector.broadcast %sub3A : f32 to vector<1x1xf32>
      %sub3A_10 = arith.subf %sub3A_9, %get3A_8 : vector<1x1xf32>
      %get3A_11 = arith.constant 0 : index
      %get3A_12 = arith.constant 0 : index
      %get3A_13 = vector.load %arg5[%get3A_11, %get3A_12] : memref<1x512xf32, #tpu.memory_space<vmem>>, vector<1x512xf32>
      %mul3A = vector.broadcast %sub3A_10 : vector<1x1xf32> to vector<1x512xf32>
      %mul3A_14 = arith.mulf %get3A_13, %mul3A : vector<1x512xf32>
      %get3A_15 = arith.constant 0 : index
      %get3A_16 = arith.constant 0 : index
      %get3A_17 = vector.load %arg6[%get3A_15, %get3A_16] : memref<1x512xf32, #tpu.memory_space<vmem>>, vector<1x512xf32>
      %mul3A_18 = vector.broadcast %sub3A_10 : vector<1x1xf32> to vector<1x512xf32>
      %mul3A_19 = arith.mulf %get3A_17, %mul3A_18 : vector<1x512xf32>
      %get3A_20 = arith.index_cast %scan3A_6 : i32 to index
      %get3A_21 = arith.constant 0 : index
      %get3A_22 = vector.load %arg2[%get3A_20, %get3A_21] : memref<512x2048xf32, #tpu.memory_space<vmem>>, vector<1x2048xf32>
      %get3A_23 = arith.constant 0 : index
      %get3A_24 = arith.constant 0 : index
      %get3A_25 = vector.load %arg3[%get3A_23, %get3A_24] : memref<512x2048xf32, #tpu.memory_space<vmem>>, vector<512x2048xf32>
      %dot_general3A = arith.constant dense<0.000000e+00> : vector<1x2048xf32>
      %dot_general3A_26 = tpu.matmul %mul3A_14, %get3A_25, %dot_general3A {dimension_numbers = #tpu.dot_dimension_numbers<[1], [0], [0], [1], [0, 0, 1, 1], [], []>, transpose_lhs_hint = false} : vector<1x512xf32>, vector<512x2048xf32>, vector<1x2048xf32> -> vector<1x2048xf32>
      %add3A = arith.addf %get3A_22, %dot_general3A_26 : vector<1x2048xf32>
      %slice3A = vector.extract_strided_slice %add3A {offsets = [0, 0], sizes = [1, 512], strides = [1, 1]} : vector<1x2048xf32> to vector<1x512xf32>
      %logistic3A = arith.negf %slice3A : vector<1x512xf32>
      %logistic3A_27 = math.exp %logistic3A : vector<1x512xf32>
      %logistic3A_28 = arith.constant 1.000000e+00 : f32
      %logistic3A_29 = vector.broadcast %logistic3A_28 : f32 to vector<1x512xf32>
      %logistic3A_30 = arith.addf %logistic3A_29, %logistic3A_27 : vector<1x512xf32>
      %logistic3A_31 = arith.divf %logistic3A_29, %logistic3A_30 : vector<1x512xf32>
      %slice3A_32 = vector.extract_strided_slice %add3A {offsets = [0, 512], sizes = [1, 512], strides = [1, 1]} : vector<1x2048xf32> to vector<1x512xf32>
      %logistic3A_33 = arith.negf %slice3A_32 : vector<1x512xf32>
      %logistic3A_34 = math.exp %logistic3A_33 : vector<1x512xf32>
      %logistic3A_35 = arith.constant 1.000000e+00 : f32
      %logistic3A_36 = vector.broadcast %logistic3A_35 : f32 to vector<1x512xf32>
      %logistic3A_37 = arith.addf %logistic3A_36, %logistic3A_34 : vector<1x512xf32>
      %logistic3A_38 = arith.divf %logistic3A_36, %logistic3A_37 : vector<1x512xf32>
      %slice3A_39 = vector.extract_strided_slice %add3A {offsets = [0, 1024], sizes = [1, 512], strides = [1, 1]} : vector<1x2048xf32> to vector<1x512xf32>
      %tanh3A = math.tanh %slice3A_39 : vector<1x512xf32>
      %slice3A_40 = vector.extract_strided_slice %add3A {offsets = [0, 1536], sizes = [1, 512], strides = [1, 1]} : vector<1x2048xf32> to vector<1x512xf32>
      %logistic3A_41 = arith.negf %slice3A_40 : vector<1x512xf32>
      %logistic3A_42 = math.exp %logistic3A_41 : vector<1x512xf32>
      %logistic3A_43 = arith.constant 1.000000e+00 : f32
      %logistic3A_44 = vector.broadcast %logistic3A_43 : f32 to vector<1x512xf32>
      %logistic3A_45 = arith.addf %logistic3A_44, %logistic3A_42 : vector<1x512xf32>
      %logistic3A_46 = arith.divf %logistic3A_44, %logistic3A_45 : vector<1x512xf32>
      %mul3A_47 = arith.mulf %logistic3A_38, %mul3A_19 : vector<1x512xf32>
      %mul3A_48 = arith.mulf %logistic3A_31, %tanh3A : vector<1x512xf32>
      %add3A_49 = arith.addf %mul3A_47, %mul3A_48 : vector<1x512xf32>
      %tanh3A_50 = math.tanh %add3A_49 : vector<1x512xf32>
      %mul3A_51 = arith.mulf %logistic3A_46, %tanh3A_50 : vector<1x512xf32>
      %swap3A = arith.constant 0 : index
      %swap3A_52 = arith.constant 0 : index
      %swap3A_53 = vector.load %arg5[%swap3A, %swap3A_52] : memref<1x512xf32, #tpu.memory_space<vmem>>, vector<1x512xf32>
      tpu.vector_store %arg5[%swap3A, %swap3A_52], %mul3A_51 {strides = array<i32>} : memref<1x512xf32, #tpu.memory_space<vmem>>, vector<1x512xf32>,
      %swap3A_54 = arith.constant 0 : index
      %swap3A_55 = arith.constant 0 : index
      %swap3A_56 = vector.load %arg6[%swap3A_54, %swap3A_55] : memref<1x512xf32, #tpu.memory_space<vmem>>, vector<1x512xf32>
      tpu.vector_store %arg6[%swap3A_54, %swap3A_55], %add3A_49 {strides = array<i32>} : memref<1x512xf32, #tpu.memory_space<vmem>>, vector<1x512xf32>,
      %swap3A_57 = arith.index_cast %scan3A_6 : i32 to index
      %swap3A_58 = arith.constant 0 : index
      %swap3A_59 = vector.load %arg4[%swap3A_57, %swap3A_58] : memref<512x512xf32, #tpu.memory_space<vmem>>, vector<1x512xf32>
      tpu.vector_store %arg4[%swap3A_57, %swap3A_58], %mul3A_51 {strides = array<i32>} : memref<512x512xf32, #tpu.memory_space<vmem>>, vector<1x512xf32>,
    }
    %scan3A_5 = arith.constant 512 : i32
    return
  }
  func.func @transform_0(%arg0: i32) -> (i32, i32) {
    %c0_i32 = arith.constant 0 : i32
    %c0_i32_0 = arith.constant 0 : i32
    return %arg0, %c0_i32 : i32, i32
  }
  func.func @transform_1(%arg0: i32) -> (i32, i32) {
    %c0_i32 = arith.constant 0 : i32
    %c0_i32_0 = arith.constant 0 : i32
    return %arg0, %c0_i32 : i32, i32
  }
  func.func @transform_2(%arg0: i32) -> (i32, i32) {
    %c0_i32 = arith.constant 0 : i32
    %c0_i32_0 = arith.constant 0 : i32
    %c0_i32_1 = arith.constant 0 : i32
    return %c0_i32, %c0_i32_0 : i32, i32
  }
  func.func @transform_3(%arg0: i32) -> (i32, i32) {
    %c0_i32 = arith.constant 0 : i32
    %c0_i32_0 = arith.constant 0 : i32
    return %arg0, %c0_i32 : i32, i32
  }
}

module attributes {stable_mosaic.version = 14 : i64} {
  func.func @_post_kernel(%arg0: i32, %arg1: memref<512x512xf32, #tpu.memory_space<vmem>>, %arg2: memref<512x512xf32, #tpu.memory_space<vmem>>, %arg3: memref<1x512xf32, #tpu.memory_space<vmem>>, %arg4: memref<512x128xf32, #tpu.memory_space<vmem>>, %arg5: memref<1x128xf32, #tpu.memory_space<vmem>>, %arg6: memref<512x128xf32, #tpu.memory_space<vmem>>) attributes {dimension_semantics = [#tpu.dimension_semantics<arbitrary>], iteration_bounds = array<i64: 16>, scalar_prefetch = 0 : i64, scratch_operands = 0 : i64, tpu.core_type = #tpu.core_type<tc>, window_params = [{transform_indices = @transform_0, window_bounds = array<i64: 512, 512>}, {pipeline_mode = #tpu.pipeline_mode<synchronous>, transform_indices = @transform_1, window_bounds = array<i64: 512, 512>}, {pipeline_mode = #tpu.pipeline_mode<synchronous>, transform_indices = @transform_2, window_bounds = array<i64: 1, 512>}, {pipeline_mode = #tpu.pipeline_mode<synchronous>, transform_indices = @transform_3, window_bounds = array<i64: 512, 128>}, {pipeline_mode = #tpu.pipeline_mode<synchronous>, transform_indices = @transform_4, window_bounds = array<i64: 1, 128>}, {transform_indices = @transform_5, window_bounds = array<i64: 512, 128>}]} {
    %get3A = arith.constant 0 : index
    %get3A_0 = arith.constant 0 : index
    %get3A_1 = vector.load %arg1[%get3A, %get3A_0] : memref<512x512xf32, #tpu.memory_space<vmem>>, vector<512x512xf32>
    %get3A_2 = arith.constant 0 : index
    %get3A_3 = arith.constant 0 : index
    %get3A_4 = vector.load %arg2[%get3A_2, %get3A_3] : memref<512x512xf32, #tpu.memory_space<vmem>>, vector<512x512xf32>
    %dot_general3A = arith.constant dense<0.000000e+00> : vector<512x512xf32>
    %dot_general3A_5 = tpu.matmul %get3A_1, %get3A_4, %dot_general3A {dimension_numbers = #tpu.dot_dimension_numbers<[1], [0], [0], [1], [0, 0, 1, 1], [], []>, transpose_lhs_hint = false} : vector<512x512xf32>, vector<512x512xf32>, vector<512x512xf32> -> vector<512x512xf32>
    %get3A_6 = arith.constant 0 : index
    %get3A_7 = arith.constant 0 : index
    %get3A_8 = vector.load %arg3[%get3A_6, %get3A_7] : memref<1x512xf32, #tpu.memory_space<vmem>>, vector<1x512xf32>
    %add3A = vector.broadcast %get3A_8 : vector<1x512xf32> to vector<512x512xf32>
    %add3A_9 = arith.addf %dot_general3A_5, %add3A : vector<512x512xf32>
    %tanh3A = math.tanh %add3A_9 : vector<512x512xf32>
    %get3A_10 = arith.constant 0 : index
    %get3A_11 = arith.constant 0 : index
    %get3A_12 = vector.load %arg4[%get3A_10, %get3A_11] : memref<512x128xf32, #tpu.memory_space<vmem>>, vector<512x128xf32>
    %dot_general3A_13 = arith.constant dense<0.000000e+00> : vector<512x128xf32>
    %dot_general3A_14 = tpu.matmul %tanh3A, %get3A_12, %dot_general3A_13 {dimension_numbers = #tpu.dot_dimension_numbers<[1], [0], [0], [1], [0, 0, 1, 1], [], []>, transpose_lhs_hint = false} : vector<512x512xf32>, vector<512x128xf32>, vector<512x128xf32> -> vector<512x128xf32>
    %get3A_15 = arith.constant 0 : index
    %get3A_16 = arith.constant 0 : index
    %get3A_17 = vector.load %arg5[%get3A_15, %get3A_16] : memref<1x128xf32, #tpu.memory_space<vmem>>, vector<1x128xf32>
    %add3A_18 = vector.broadcast %get3A_17 : vector<1x128xf32> to vector<512x128xf32>
    %add3A_19 = arith.addf %dot_general3A_14, %add3A_18 : vector<512x128xf32>
    %swap3A = arith.constant 0 : index
    %swap3A_20 = arith.constant 0 : index
    %swap3A_21 = vector.load %arg6[%swap3A, %swap3A_20] : memref<512x128xf32, #tpu.memory_space<vmem>>, vector<512x128xf32>
    tpu.vector_store %arg6[%swap3A, %swap3A_20], %add3A_19 {strides = array<i32>} : memref<512x128xf32, #tpu.memory_space<vmem>>, vector<512x128xf32>,
    return
  }
  func.func @transform_0(%arg0: i32) -> (i32, i32) {
    %c0_i32 = arith.constant 0 : i32
    %c0_i32_0 = arith.constant 0 : i32
    return %arg0, %c0_i32 : i32, i32
  }
  func.func @transform_1(%arg0: i32) -> (i32, i32) {
    %c0_i32 = arith.constant 0 : i32
    %c0_i32_0 = arith.constant 0 : i32
    %c0_i32_1 = arith.constant 0 : i32
    return %c0_i32, %c0_i32_0 : i32, i32
  }
  func.func @transform_2(%arg0: i32) -> (i32, i32) {
    %c0_i32 = arith.constant 0 : i32
    %c0_i32_0 = arith.constant 0 : i32
    %c0_i32_1 = arith.constant 0 : i32
    return %c0_i32, %c0_i32_0 : i32, i32
  }
  func.func @transform_3(%arg0: i32) -> (i32, i32) {
    %c0_i32 = arith.constant 0 : i32
    %c0_i32_0 = arith.constant 0 : i32
    %c0_i32_1 = arith.constant 0 : i32
    return %c0_i32, %c0_i32_0 : i32, i32
  }
  func.func @transform_4(%arg0: i32) -> (i32, i32) {
    %c0_i32 = arith.constant 0 : i32
    %c0_i32_0 = arith.constant 0 : i32
    %c0_i32_1 = arith.constant 0 : i32
    return %c0_i32, %c0_i32_0 : i32, i32
  }
  func.func @transform_5(%arg0: i32) -> (i32, i32) {
    %c0_i32 = arith.constant 0 : i32
    %c0_i32_0 = arith.constant 0 : i32
    return %arg0, %c0_i32 : i32, i32
  }
}

module attributes {stable_mosaic.version = 14 : i64} {
  func.func @_gates_kernel(%arg0: i32, %arg1: memref<512x512xf32, #tpu.memory_space<vmem>>, %arg2: memref<512x2048xf32, #tpu.memory_space<vmem>>, %arg3: memref<1x2048xf32, #tpu.memory_space<vmem>>, %arg4: memref<512x2048xf32, #tpu.memory_space<vmem>>) attributes {dimension_semantics = [#tpu.dimension_semantics<arbitrary>], iteration_bounds = array<i64: 18>, scalar_prefetch = 0 : i64, scratch_operands = 0 : i64, tpu.core_type = #tpu.core_type<tc>, window_params = [{transform_indices = @transform_0, window_bounds = array<i64: 512, 512>}, {pipeline_mode = #tpu.pipeline_mode<synchronous>, transform_indices = @transform_1, window_bounds = array<i64: 512, 2048>}, {pipeline_mode = #tpu.pipeline_mode<synchronous>, transform_indices = @transform_2, window_bounds = array<i64: 1, 2048>}, {transform_indices = @transform_3, window_bounds = array<i64: 512, 2048>}]} {
    %get3A = arith.constant 0 : index
    %get3A_0 = arith.constant 0 : index
    %get3A_1 = vector.load %arg1[%get3A, %get3A_0] : memref<512x512xf32, #tpu.memory_space<vmem>>, vector<512x512xf32>
    %get3A_2 = arith.constant 0 : index
    %get3A_3 = arith.constant 0 : index
    %get3A_4 = vector.load %arg2[%get3A_2, %get3A_3] : memref<512x2048xf32, #tpu.memory_space<vmem>>, vector<512x2048xf32>
    %dot_general3A = arith.constant dense<0.000000e+00> : vector<512x2048xf32>
    %dot_general3A_5 = tpu.matmul %get3A_1, %get3A_4, %dot_general3A {dimension_numbers = #tpu.dot_dimension_numbers<[1], [0], [0], [1], [0, 0, 1, 1], [], []>, transpose_lhs_hint = false} : vector<512x512xf32>, vector<512x2048xf32>, vector<512x2048xf32> -> vector<512x2048xf32>
    %get3A_6 = arith.constant 0 : index
    %get3A_7 = arith.constant 0 : index
    %get3A_8 = vector.load %arg3[%get3A_6, %get3A_7] : memref<1x2048xf32, #tpu.memory_space<vmem>>, vector<1x2048xf32>
    %add3A = vector.broadcast %get3A_8 : vector<1x2048xf32> to vector<512x2048xf32>
    %add3A_9 = arith.addf %dot_general3A_5, %add3A : vector<512x2048xf32>
    %swap3A = arith.constant 0 : index
    %swap3A_10 = arith.constant 0 : index
    %swap3A_11 = vector.load %arg4[%swap3A, %swap3A_10] : memref<512x2048xf32, #tpu.memory_space<vmem>>, vector<512x2048xf32>
    tpu.vector_store %arg4[%swap3A, %swap3A_10], %add3A_9 {strides = array<i32>} : memref<512x2048xf32, #tpu.memory_space<vmem>>, vector<512x2048xf32>,
    return
  }
  func.func @transform_0(%arg0: i32) -> (i32, i32) {
    %c0_i32 = arith.constant 0 : i32
    %c0_i32_0 = arith.constant 0 : i32
    return %arg0, %c0_i32 : i32, i32
  }
  func.func @transform_1(%arg0: i32) -> (i32, i32) {
    %c0_i32 = arith.constant 0 : i32
    %c0_i32_0 = arith.constant 0 : i32
    %c0_i32_1 = arith.constant 0 : i32
    return %c0_i32, %c0_i32_0 : i32, i32
  }
  func.func @transform_2(%arg0: i32) -> (i32, i32) {
    %c0_i32 = arith.constant 0 : i32
    %c0_i32_0 = arith.constant 0 : i32
    %c0_i32_1 = arith.constant 0 : i32
    return %c0_i32, %c0_i32_0 : i32, i32
  }
  func.func @transform_3(%arg0: i32) -> (i32, i32) {
    %c0_i32 = arith.constant 0 : i32
    %c0_i32_0 = arith.constant 0 : i32
    return %arg0, %c0_i32 : i32, i32
  }
}

module attributes {stable_mosaic.version = 14 : i64} {
  func.func @_rec_kernel(%arg0: memref<8192xi32, #tpu.memory_space<smem>>, %arg1: memref<9216x2048xf32, #tpu.memory_space<any>>, %arg2: memref<512x2048xf32, #tpu.memory_space<vmem>>, %arg3: memref<9216x512xf32, #tpu.memory_space<any>>, %arg4: memref<160xi32, #tpu.memory_space<smem>>, %arg5: memref<160xi32, #tpu.memory_space<smem>>, %arg6: memref<160xi32, #tpu.memory_space<smem>>, %arg7: memref<512x2048xf32, #tpu.memory_space<vmem>>, %arg8: memref<512x2048xf32, #tpu.memory_space<vmem>>, %arg9: memref<512x512xf32, #tpu.memory_space<vmem>>, %arg10: memref<4096x512xf32, #tpu.memory_space<vmem>>, %arg11: memref<4096x512xf32, #tpu.memory_space<vmem>>, %arg12: memref<!tpu.dma_semaphore, #tpu.memory_space<semaphore_mem>>, %arg13: memref<!tpu.dma_semaphore, #tpu.memory_space<semaphore_mem>>, %arg14: memref<!tpu.dma_semaphore, #tpu.memory_space<semaphore_mem>>) attributes {dimension_semantics = [], scalar_prefetch = 0 : i64, scratch_operands = 11 : i64, tpu.core_type = #tpu.core_type<tc>} {
    %while3A = arith.constant 0 : i32
    %while3A_0 = arith.constant 0 : i32
    %while3A_1 = arith.constant 0 : i32
    %while3A_2:3 = scf.while (%while3A_36 = %while3A, %while3A_37 = %while3A_0, %while3A_38 = %while3A_1) : (i32, i32, i32) -> (i32, i32, i32) {
      %lt3A = arith.constant 64 : i32
      %lt3A_39 = arith.cmpi slt, %while3A_37, %lt3A : i32
      %get3A_40 = arith.index_cast %while3A_37 : i32 to index
      %get3A_41 = memref.load %arg0[%get3A_40] : memref<8192xi32, #tpu.memory_space<smem>>
      %gt3A_42 = arith.constant 0 : i32
      %gt3A_43 = arith.cmpi sgt, %get3A_41, %gt3A_42 : i32
      %and3A_44 = arith.andi %lt3A_39, %gt3A_43 : i1
      scf.condition(%and3A_44) %while3A_36, %while3A_37, %while3A_38 : i32, i32, i32
    } do {
    ^bb0(%while3A_36: i32, %while3A_37: i32, %while3A_38: i32):
      %get3A_39 = arith.index_cast %while3A_37 : i32 to index
      %get3A_40 = memref.load %arg0[%get3A_39] : memref<8192xi32, #tpu.memory_space<smem>>
      %add3A_41 = arith.constant 512 : i32
      %add3A_42 = arith.addi %get3A_40, %add3A_41 : i32
      %sub3A_43 = arith.constant 1 : i32
      %sub3A_44 = arith.subi %add3A_42, %sub3A_43 : i32
      %jit3A_45 = arith.constant 512 : i32
      %div3A_46 = arith.divsi %sub3A_44, %jit3A_45 : i32
      %sign3A_47 = arith.constant 0 : i32
      %sign3A_48 = arith.cmpi sgt, %sub3A_44, %sign3A_47 : i32
      %sign3A_49 = arith.extui %sign3A_48 : i1 to i32
      %sign3A_50 = arith.constant 0 : i32
      %sign3A_51 = arith.cmpi slt, %sub3A_44, %sign3A_50 : i32
      %sign3A_52 = arith.extui %sign3A_51 : i1 to i32
      %sign3A_53 = arith.subi %sign3A_49, %sign3A_52 : i32
      %sign3A_54 = arith.constant 0 : i32
      %sign3A_55 = arith.cmpi sgt, %jit3A_45, %sign3A_54 : i32
      %sign3A_56 = arith.extui %sign3A_55 : i1 to i32
      %sign3A_57 = arith.constant 0 : i32
      %sign3A_58 = arith.cmpi slt, %jit3A_45, %sign3A_57 : i32
      %sign3A_59 = arith.extui %sign3A_58 : i1 to i32
      %sign3A_60 = arith.subi %sign3A_56, %sign3A_59 : i32
      %ne3A_61 = arith.cmpi ne, %sign3A_53, %sign3A_60 : i32
      %rem3A_62 = arith.remsi %sub3A_44, %jit3A_45 : i32
      %ne3A_63 = arith.constant 0 : i32
      %ne3A_64 = arith.cmpi ne, %rem3A_62, %ne3A_63 : i32
      %and3A_65 = arith.andi %ne3A_61, %ne3A_64 : i1
      %sub3A_66 = arith.constant 1 : i32
      %sub3A_67 = arith.subi %div3A_46, %sub3A_66 : i32
      %select_n3A_68 = arith.select %and3A_65, %sub3A_67, %div3A_46 : i32
      %while3A_69 = arith.constant 0 : i32
      %while3A_70 = arith.subi %select_n3A_68, %while3A_69 : i32
      %while3A_71 = arith.addi %while3A_69, %while3A_70 : i32
      %while3A_72 = arith.constant 1 : i32
      %while3A_73 = arith.divsi %while3A_70, %while3A_72 : i32
      %while3A_74 = arith.muli %while3A_73, %while3A_72 : i32
      %while3A_75 = arith.addi %while3A_69, %while3A_74 : i32
      %while3A_76 = arith.constant 1 : i32
      %while3A_77 = scf.for %while3A_110 = %while3A_69 to %while3A_75 step %while3A_76 iter_args(%while3A_111 = %while3A_36) -> (i32)  : i32 {
        %mul3A_112 = arith.constant 512 : i32
        %mul3A_113 = arith.muli %while3A_110, %mul3A_112 : i32
        %add3A_114 = arith.addi %while3A_38, %mul3A_113 : i32
        %swap3A = arith.index_cast %while3A_111 : i32 to index
        %swap3A_115 = memref.load %arg4[%swap3A] : memref<160xi32, #tpu.memory_space<smem>>
        memref.store %add3A_114, %arg4[%swap3A] : memref<160xi32, #tpu.memory_space<smem>>
        %mul3A_116 = arith.constant 512 : i32
        %mul3A_117 = arith.muli %while3A_110, %mul3A_116 : i32
        %swap3A_118 = arith.index_cast %while3A_111 : i32 to index
        %swap3A_119 = memref.load %arg5[%swap3A_118] : memref<160xi32, #tpu.memory_space<smem>>
        memref.store %mul3A_117, %arg5[%swap3A_118] : memref<160xi32, #tpu.memory_space<smem>>
        %eq3A = arith.constant 0 : i32
        %eq3A_120 = arith.cmpi eq, %while3A_37, %eq3A : i32
        %jit3A_121 = arith.constant 1 : i32
        %jit3A_122 = arith.constant 0 : i32
        %select_n3A_123 = arith.select %eq3A_120, %jit3A_121, %jit3A_122 : i32
        %swap3A_124 = arith.index_cast %while3A_111 : i32 to index
        %swap3A_125 = memref.load %arg6[%swap3A_124] : memref<160xi32, #tpu.memory_space<smem>>
        memref.store %select_n3A_123, %arg6[%swap3A_124] : memref<160xi32, #tpu.memory_space<smem>>
        %add3A_126 = arith.constant 1 : i32
        %add3A_127 = arith.addi %while3A_111, %add3A_126 : i32
        scf.yield %add3A_127 : i32
      }
      %while3A_78 = arith.constant 1 : i32
      %while3A_79 = scf.for %while3A_110 = %while3A_75 to %while3A_71 step %while3A_78 iter_args(%while3A_111 = %while3A_77) -> (i32)  : i32 {
        %mul3A_112 = arith.constant 512 : i32
        %mul3A_113 = arith.muli %while3A_110, %mul3A_112 : i32
        %add3A_114 = arith.addi %while3A_38, %mul3A_113 : i32
        %swap3A = arith.index_cast %while3A_111 : i32 to index
        %swap3A_115 = memref.load %arg4[%swap3A] : memref<160xi32, #tpu.memory_space<smem>>
        memref.store %add3A_114, %arg4[%swap3A] : memref<160xi32, #tpu.memory_space<smem>>
        %mul3A_116 = arith.constant 512 : i32
        %mul3A_117 = arith.muli %while3A_110, %mul3A_116 : i32
        %swap3A_118 = arith.index_cast %while3A_111 : i32 to index
        %swap3A_119 = memref.load %arg5[%swap3A_118] : memref<160xi32, #tpu.memory_space<smem>>
        memref.store %mul3A_117, %arg5[%swap3A_118] : memref<160xi32, #tpu.memory_space<smem>>
        %eq3A = arith.constant 0 : i32
        %eq3A_120 = arith.cmpi eq, %while3A_37, %eq3A : i32
        %jit3A_121 = arith.constant 1 : i32
        %jit3A_122 = arith.constant 0 : i32
        %select_n3A_123 = arith.select %eq3A_120, %jit3A_121, %jit3A_122 : i32
        %swap3A_124 = arith.index_cast %while3A_111 : i32 to index
        %swap3A_125 = memref.load %arg6[%swap3A_124] : memref<160xi32, #tpu.memory_space<smem>>
        memref.store %select_n3A_123, %arg6[%swap3A_124] : memref<160xi32, #tpu.memory_space<smem>>
        %add3A_126 = arith.constant 1 : i32
        %add3A_127 = arith.addi %while3A_111, %add3A_126 : i32
        scf.yield %add3A_127 : i32
      }
      %add3A_80 = arith.constant 1 : i32
      %add3A_81 = arith.addi %while3A_37, %add3A_80 : i32
      %add3A_82 = arith.constant 7 : i32
      %add3A_83 = arith.addi %get3A_40, %add3A_82 : i32
      %jit3A_84 = arith.constant 8 : i32
      %div3A_85 = arith.divsi %add3A_83, %jit3A_84 : i32
      %sign3A_86 = arith.constant 0 : i32
      %sign3A_87 = arith.cmpi sgt, %add3A_83, %sign3A_86 : i32
      %sign3A_88 = arith.extui %sign3A_87 : i1 to i32
      %sign3A_89 = arith.constant 0 : i32
      %sign3A_90 = arith.cmpi slt, %add3A_83, %sign3A_89 : i32
      %sign3A_91 = arith.extui %sign3A_90 : i1 to i32
      %sign3A_92 = arith.subi %sign3A_88, %sign3A_91 : i32
      %sign3A_93 = arith.constant 0 : i32
      %sign3A_94 = arith.cmpi sgt, %jit3A_84, %sign3A_93 : i32
      %sign3A_95 = arith.extui %sign3A_94 : i1 to i32
      %sign3A_96 = arith.constant 0 : i32
      %sign3A_97 = arith.cmpi slt, %jit3A_84, %sign3A_96 : i32
      %sign3A_98 = arith.extui %sign3A_97 : i1 to i32
      %sign3A_99 = arith.subi %sign3A_95, %sign3A_98 : i32
      %ne3A_100 = arith.cmpi ne, %sign3A_92, %sign3A_99 : i32
      %rem3A_101 = arith.remsi %add3A_83, %jit3A_84 : i32
      %ne3A_102 = arith.constant 0 : i32
      %ne3A_103 = arith.cmpi ne, %rem3A_101, %ne3A_102 : i32
      %and3A_104 = arith.andi %ne3A_100, %ne3A_103 : i1
      %sub3A_105 = arith.constant 1 : i32
      %sub3A_106 = arith.subi %div3A_85, %sub3A_105 : i32
      %select_n3A_107 = arith.select %and3A_104, %sub3A_106, %div3A_85 : i32
      %mul3A = arith.constant 8 : i32
      %mul3A_108 = arith.muli %select_n3A_107, %mul3A : i32
      %add3A_109 = arith.addi %while3A_38, %mul3A_108 : i32
      scf.yield %while3A_79, %add3A_81, %add3A_109 : i32, i32, i32
    }
    %gt3A = arith.constant 0 : i32
    %gt3A_3 = arith.cmpi sgt, %while3A_2#0, %gt3A : i32
    %convert_element_type3A = arith.extui %gt3A_3 : i1 to i32
    %cond3A = arith.constant 0 : i32
    %cond3A_4 = arith.cmpi ne, %convert_element_type3A, %cond3A : i32
    scf.if %cond3A_4 {
      %get3A_36 = arith.constant 0 : index
      %get3A_37 = memref.load %arg4[%get3A_36] : memref<160xi32, #tpu.memory_space<smem>>
      %multiple_of3A_38 = tpu.assume_multiple %get3A_37, 8 : i32
      %dma_start3A = arith.constant 0 : i32
      %dma_start3A_39 = tpu.memref_slice %arg1[%multiple_of3A_38, %dma_start3A] : memref<9216x2048xf32, #tpu.memory_space<any>> -> memref<512x2048xf32, #tpu.memory_space<any>>
      tpu.enqueue_dma source(%dma_start3A_39 : memref<512x2048xf32, #tpu.memory_space<any>>) target(%arg7 : memref<512x2048xf32, #tpu.memory_space<vmem>>) target_semaphore(%arg12 : memref<!tpu.dma_semaphore, #tpu.memory_space<semaphore_mem>>)
    } else {
    }
    %add3A = arith.constant 1 : i32
    %add3A_5 = arith.addi %while3A_2#0, %add3A : i32
    %jit3A = arith.constant 2 : i32
    %div3A = arith.divsi %add3A_5, %jit3A : i32
    %sign3A = arith.constant 0 : i32
    %sign3A_6 = arith.cmpi sgt, %add3A_5, %sign3A : i32
    %sign3A_7 = arith.extui %sign3A_6 : i1 to i32
    %sign3A_8 = arith.constant 0 : i32
    %sign3A_9 = arith.cmpi slt, %add3A_5, %sign3A_8 : i32
    %sign3A_10 = arith.extui %sign3A_9 : i1 to i32
    %sign3A_11 = arith.subi %sign3A_7, %sign3A_10 : i32
    %sign3A_12 = arith.constant 0 : i32
    %sign3A_13 = arith.cmpi sgt, %jit3A, %sign3A_12 : i32
    %sign3A_14 = arith.extui %sign3A_13 : i1 to i32
    %sign3A_15 = arith.constant 0 : i32
    %sign3A_16 = arith.cmpi slt, %jit3A, %sign3A_15 : i32
    %sign3A_17 = arith.extui %sign3A_16 : i1 to i32
    %sign3A_18 = arith.subi %sign3A_14, %sign3A_17 : i32
    %ne3A = arith.cmpi ne, %sign3A_11, %sign3A_18 : i32
    %rem3A = arith.remsi %add3A_5, %jit3A : i32
    %ne3A_19 = arith.constant 0 : i32
    %ne3A_20 = arith.cmpi ne, %rem3A, %ne3A_19 : i32
    %and3A = arith.andi %ne3A, %ne3A_20 : i1
    %sub3A = arith.constant 1 : i32
    %sub3A_21 = arith.subi %div3A, %sub3A : i32
    %select_n3A = arith.select %and3A, %sub3A_21, %div3A : i32
    %while3A_22 = arith.constant 0 : i32
    %while3A_23 = arith.constant 0 : i32
    %while3A_24 = arith.subi %select_n3A, %while3A_23 : i32
    %while3A_25 = arith.addi %while3A_23, %while3A_24 : i32
    %while3A_26 = arith.constant 1 : i32
    %while3A_27 = arith.divsi %while3A_24, %while3A_26 : i32
    %while3A_28 = arith.muli %while3A_27, %while3A_26 : i32
    %while3A_29 = arith.addi %while3A_23, %while3A_28 : i32
    %while3A_30 = arith.constant 1 : i32
    scf.for %while3A_36 = %while3A_23 to %while3A_29 step %while3A_30  : i32 {
      %mul3A = arith.constant 2 : i32
      %mul3A_37 = arith.muli %mul3A, %while3A_36 : i32
      %add3A_38 = arith.constant 1 : i32
      %add3A_39 = arith.addi %mul3A_37, %add3A_38 : i32
      %lt3A = arith.cmpi slt, %add3A_39, %while3A_2#0 : i32
      %convert_element_type3A_40 = arith.extui %lt3A : i1 to i32
      %cond3A_41 = arith.constant 0 : i32
      %cond3A_42 = arith.cmpi ne, %convert_element_type3A_40, %cond3A_41 : i32
      scf.if %cond3A_42 {
        %get3A_124 = arith.index_cast %add3A_39 : i32 to index
        %get3A_125 = memref.load %arg4[%get3A_124] : memref<160xi32, #tpu.memory_space<smem>>
        %multiple_of3A_126 = tpu.assume_multiple %get3A_125, 8 : i32
        %dma_start3A_127 = arith.constant 0 : i32
        %dma_start3A_128 = tpu.memref_slice %arg1[%multiple_of3A_126, %dma_start3A_127] : memref<9216x2048xf32, #tpu.memory_space<any>> -> memref<512x2048xf32, #tpu.memory_space<any>>
        tpu.enqueue_dma source(%dma_start3A_128 : memref<512x2048xf32, #tpu.memory_space<any>>) target(%arg8 : memref<512x2048xf32, #tpu.memory_space<vmem>>) target_semaphore(%arg13 : memref<!tpu.dma_semaphore, #tpu.memory_space<semaphore_mem>>)
      } else {
      }
      %get3A_43 = arith.index_cast %mul3A_37 : i32 to index
      %get3A_44 = memref.load %arg4[%get3A_43] : memref<160xi32, #tpu.memory_space<smem>>
      %multiple_of3A_45 = tpu.assume_multiple %get3A_44, 8 : i32
      %dma_wait3A_46 = arith.constant 0 : i32
      %dma_wait3A_47 = tpu.memref_slice %arg1[%multiple_of3A_45, %dma_wait3A_46] : memref<9216x2048xf32, #tpu.memory_space<any>> -> memref<512x2048xf32, #tpu.memory_space<any>>
      tpu.wait_dma2 semaphore(%arg12 : memref<!tpu.dma_semaphore, #tpu.memory_space<semaphore_mem>>) src(%dma_wait3A_47 : memref<512x2048xf32, #tpu.memory_space<any>>) dst(%arg7 : memref<512x2048xf32, #tpu.memory_space<vmem>>)
      %get3A_48 = arith.index_cast %mul3A_37 : i32 to index
      %get3A_49 = memref.load %arg5[%get3A_48] : memref<160xi32, #tpu.memory_space<smem>>
      %min3A = arith.constant 3584 : i32
      %min3A_50 = arith.minsi %get3A_49, %min3A : i32
      %multiple_of3A_51 = tpu.assume_multiple %min3A_50, 8 : i32
      %get3A_52 = arith.index_cast %mul3A_37 : i32 to index
      %get3A_53 = memref.load %arg6[%get3A_52] : memref<160xi32, #tpu.memory_space<smem>>
      %eq3A = arith.constant 0 : i32
      %eq3A_54 = arith.cmpi eq, %get3A_53, %eq3A : i32
      %get3A_55 = arith.index_cast %multiple_of3A_51 : i32 to index
      %get3A_56 = arith.constant 0 : index
      %get3A_57 = vector.load %arg10[%get3A_55, %get3A_56] : memref<4096x512xf32, #tpu.memory_space<vmem>>, vector<512x512xf32>
      %jit3A_58 = arith.constant 0.000000e+00 : f32
      %broadcast_in_dim3A = vector.broadcast %jit3A_58 : f32 to vector<512x512xf32>
      %select_n3A_59 = arith.select %eq3A_54, %get3A_57, %broadcast_in_dim3A : vector<512x512xf32>
      %get3A_60 = arith.index_cast %multiple_of3A_51 : i32 to index
      %get3A_61 = arith.constant 0 : index
      %get3A_62 = vector.load %arg11[%get3A_60, %get3A_61] : memref<4096x512xf32, #tpu.memory_space<vmem>>, vector<512x512xf32>
      %jit3A_63 = arith.constant 0.000000e+00 : f32
      %broadcast_in_dim3A_64 = vector.broadcast %jit3A_63 : f32 to vector<512x512xf32>
      %select_n3A_65 = arith.select %eq3A_54, %get3A_62, %broadcast_in_dim3A_64 : vector<512x512xf32>
      %get3A_66 = arith.constant 0 : index
      %get3A_67 = arith.constant 0 : index
      %get3A_68 = vector.load %arg7[%get3A_66, %get3A_67] : memref<512x2048xf32, #tpu.memory_space<vmem>>, vector<512x2048xf32>
      %get3A_69 = arith.constant 0 : index
      %get3A_70 = arith.constant 0 : index
      %get3A_71 = vector.load %arg2[%get3A_69, %get3A_70] : memref<512x2048xf32, #tpu.memory_space<vmem>>, vector<512x2048xf32>
      %dot_general3A = arith.constant dense<0.000000e+00> : vector<512x2048xf32>
      %dot_general3A_72 = tpu.matmul %select_n3A_59, %get3A_71, %dot_general3A {dimension_numbers = #tpu.dot_dimension_numbers<[1], [0], [0], [1], [0, 0, 1, 1], [], []>, transpose_lhs_hint = false} : vector<512x512xf32>, vector<512x2048xf32>, vector<512x2048xf32> -> vector<512x2048xf32>
      %add3A_73 = arith.addf %get3A_68, %dot_general3A_72 : vector<512x2048xf32>
      %slice3A = vector.extract_strided_slice %add3A_73 {offsets = [0, 0], sizes = [512, 512], strides = [1, 1]} : vector<512x2048xf32> to vector<512x512xf32>
      %logistic3A = arith.negf %slice3A : vector<512x512xf32>
      %logistic3A_74 = math.exp %logistic3A : vector<512x512xf32>
      %logistic3A_75 = arith.constant 1.000000e+00 : f32
      %logistic3A_76 = vector.broadcast %logistic3A_75 : f32 to vector<512x512xf32>
      %logistic3A_77 = arith.addf %logistic3A_76, %logistic3A_74 : vector<512x512xf32>
      %logistic3A_78 = arith.divf %logistic3A_76, %logistic3A_77 : vector<512x512xf32>
      %slice3A_79 = vector.extract_strided_slice %add3A_73 {offsets = [0, 512], sizes = [512, 512], strides = [1, 1]} : vector<512x2048xf32> to vector<512x512xf32>
      %logistic3A_80 = arith.negf %slice3A_79 : vector<512x512xf32>
      %logistic3A_81 = math.exp %logistic3A_80 : vector<512x512xf32>
      %logistic3A_82 = arith.constant 1.000000e+00 : f32
      %logistic3A_83 = vector.broadcast %logistic3A_82 : f32 to vector<512x512xf32>
      %logistic3A_84 = arith.addf %logistic3A_83, %logistic3A_81 : vector<512x512xf32>
      %logistic3A_85 = arith.divf %logistic3A_83, %logistic3A_84 : vector<512x512xf32>
      %slice3A_86 = vector.extract_strided_slice %add3A_73 {offsets = [0, 1024], sizes = [512, 512], strides = [1, 1]} : vector<512x2048xf32> to vector<512x512xf32>
      %tanh3A = math.tanh %slice3A_86 : vector<512x512xf32>
      %slice3A_87 = vector.extract_strided_slice %add3A_73 {offsets = [0, 1536], sizes = [512, 512], strides = [1, 1]} : vector<512x2048xf32> to vector<512x512xf32>
      %logistic3A_88 = arith.negf %slice3A_87 : vector<512x512xf32>
      %logistic3A_89 = math.exp %logistic3A_88 : vector<512x512xf32>
      %logistic3A_90 = arith.constant 1.000000e+00 : f32
      %logistic3A_91 = vector.broadcast %logistic3A_90 : f32 to vector<512x512xf32>
      %logistic3A_92 = arith.addf %logistic3A_91, %logistic3A_89 : vector<512x512xf32>
      %logistic3A_93 = arith.divf %logistic3A_91, %logistic3A_92 : vector<512x512xf32>
      %mul3A_94 = arith.mulf %logistic3A_85, %select_n3A_65 : vector<512x512xf32>
      %mul3A_95 = arith.mulf %logistic3A_78, %tanh3A : vector<512x512xf32>
      %add3A_96 = arith.addf %mul3A_94, %mul3A_95 : vector<512x512xf32>
      %tanh3A_97 = math.tanh %add3A_96 : vector<512x512xf32>
      %mul3A_98 = arith.mulf %logistic3A_93, %tanh3A_97 : vector<512x512xf32>
      %lt3A_99 = arith.constant 4096 : i32
      %lt3A_100 = arith.cmpi slt, %get3A_49, %lt3A_99 : i32
      %convert_element_type3A_101 = arith.extui %lt3A_100 : i1 to i32
      %cond3A_102 = arith.constant 0 : i32
      %cond3A_103 = arith.cmpi ne, %convert_element_type3A_101, %cond3A_102 : i32
      scf.if %cond3A_103 {
        %swap3A_124 = arith.index_cast %multiple_of3A_51 : i32 to index
        %swap3A_125 = arith.constant 0 : index
        %swap3A_126 = vector.load %arg10[%swap3A_124, %swap3A_125] : memref<4096x512xf32, #tpu.memory_space<vmem>>, vector<512x512xf32>
        tpu.vector_store %arg10[%swap3A_124, %swap3A_125], %mul3A_98 {strides = array<i32>} : memref<4096x512xf32, #tpu.memory_space<vmem>>, vector<512x512xf32>,
        %swap3A_127 = arith.index_cast %multiple_of3A_51 : i32 to index
        %swap3A_128 = arith.constant 0 : index
        %swap3A_129 = vector.load %arg11[%swap3A_127, %swap3A_128] : memref<4096x512xf32, #tpu.memory_space<vmem>>, vector<512x512xf32>
        tpu.vector_store %arg11[%swap3A_127, %swap3A_128], %add3A_96 {strides = array<i32>} : memref<4096x512xf32, #tpu.memory_space<vmem>>, vector<512x512xf32>,
      } else {
      }
      %ge3A = arith.constant 1 : i32
      %ge3A_104 = arith.cmpi sge, %mul3A_37, %ge3A : i32
      %convert_element_type3A_105 = arith.extui %ge3A_104 : i1 to i32
      %cond3A_106 = arith.constant 0 : i32
      %cond3A_107 = arith.cmpi ne, %convert_element_type3A_105, %cond3A_106 : i32
      scf.if %cond3A_107 {
        %sub3A_124 = arith.constant 1 : i32
        %sub3A_125 = arith.subi %mul3A_37, %sub3A_124 : i32
        %get3A_126 = arith.index_cast %sub3A_125 : i32 to index
        %get3A_127 = memref.load %arg4[%get3A_126] : memref<160xi32, #tpu.memory_space<smem>>
        %multiple_of3A_128 = tpu.assume_multiple %get3A_127, 8 : i32
        %dma_wait3A_129 = arith.constant 0 : i32
        %dma_wait3A_130 = tpu.memref_slice %arg3[%multiple_of3A_128, %dma_wait3A_129] : memref<9216x512xf32, #tpu.memory_space<any>> -> memref<512x512xf32, #tpu.memory_space<any>>
        tpu.wait_dma2 semaphore(%arg14 : memref<!tpu.dma_semaphore, #tpu.memory_space<semaphore_mem>>) src(%arg9 : memref<512x512xf32, #tpu.memory_space<vmem>>) dst(%dma_wait3A_130 : memref<512x512xf32, #tpu.memory_space<any>>)
      } else {
      }
      %swap3A = arith.constant 0 : index
      %swap3A_108 = arith.constant 0 : index
      %swap3A_109 = vector.load %arg9[%swap3A, %swap3A_108] : memref<512x512xf32, #tpu.memory_space<vmem>>, vector<512x512xf32>
      tpu.vector_store %arg9[%swap3A, %swap3A_108], %mul3A_98 {strides = array<i32>} : memref<512x512xf32, #tpu.memory_space<vmem>>, vector<512x512xf32>,
      %get3A_110 = arith.index_cast %mul3A_37 : i32 to index
      %get3A_111 = memref.load %arg4[%get3A_110] : memref<160xi32, #tpu.memory_space<smem>>
      %multiple_of3A_112 = tpu.assume_multiple %get3A_111, 8 : i32
      %dma_start3A = arith.constant 0 : i32
      %dma_start3A_113 = tpu.memref_slice %arg3[%multiple_of3A_112, %dma_start3A] : memref<9216x512xf32, #tpu.memory_space<any>> -> memref<512x512xf32, #tpu.memory_space<any>>
      tpu.enqueue_dma source(%arg9 : memref<512x512xf32, #tpu.memory_space<vmem>>) target(%dma_start3A_113 : memref<512x512xf32, #tpu.memory_space<any>>) target_semaphore(%arg14 : memref<!tpu.dma_semaphore, #tpu.memory_space<semaphore_mem>>)
      %add3A_114 = arith.constant 2 : i32
      %add3A_115 = arith.addi %mul3A_37, %add3A_114 : i32
      %lt3A_116 = arith.cmpi slt, %add3A_115, %while3A_2#0 : i32
      %convert_element_type3A_117 = arith.extui %lt3A_116 : i1 to i32
      %cond3A_118 = arith.constant 0 : i32
      %cond3A_119 = arith.cmpi ne, %convert_element_type3A_117, %cond3A_118 : i32
      scf.if %cond3A_119 {
        %add3A_124 = arith.constant 2 : i32
        %add3A_125 = arith.addi %mul3A_37, %add3A_124 : i32
        %get3A_126 = arith.index_cast %add3A_125 : i32 to index
        %get3A_127 = memref.load %arg4[%get3A_126] : memref<160xi32, #tpu.memory_space<smem>>
        %multiple_of3A_128 = tpu.assume_multiple %get3A_127, 8 : i32
        %dma_start3A_129 = arith.constant 0 : i32
        %dma_start3A_130 = tpu.memref_slice %arg1[%multiple_of3A_128, %dma_start3A_129] : memref<9216x2048xf32, #tpu.memory_space<any>> -> memref<512x2048xf32, #tpu.memory_space<any>>
        tpu.enqueue_dma source(%dma_start3A_130 : memref<512x2048xf32, #tpu.memory_space<any>>) target(%arg7 : memref<512x2048xf32, #tpu.memory_space<vmem>>) target_semaphore(%arg12 : memref<!tpu.dma_semaphore, #tpu.memory_space<semaphore_mem>>)
      } else {
      }
      %lt3A_120 = arith.cmpi slt, %add3A_39, %while3A_2#0 : i32
      %convert_element_type3A_121 = arith.extui %lt3A_120 : i1 to i32
      %cond3A_122 = arith.constant 0 : i32
      %cond3A_123 = arith.cmpi ne, %convert_element_type3A_121, %cond3A_122 : i32
      scf.if %cond3A_123 {
        %get3A_124 = arith.index_cast %add3A_39 : i32 to index
        %get3A_125 = memref.load %arg4[%get3A_124] : memref<160xi32, #tpu.memory_space<smem>>
        %multiple_of3A_126 = tpu.assume_multiple %get3A_125, 8 : i32
        %dma_wait3A_127 = arith.constant 0 : i32
        %dma_wait3A_128 = tpu.memref_slice %arg1[%multiple_of3A_126, %dma_wait3A_127] : memref<9216x2048xf32, #tpu.memory_space<any>> -> memref<512x2048xf32, #tpu.memory_space<any>>
        tpu.wait_dma2 semaphore(%arg13 : memref<!tpu.dma_semaphore, #tpu.memory_space<semaphore_mem>>) src(%dma_wait3A_128 : memref<512x2048xf32, #tpu.memory_space<any>>) dst(%arg8 : memref<512x2048xf32, #tpu.memory_space<vmem>>)
        %get3A_129 = arith.index_cast %add3A_39 : i32 to index
        %get3A_130 = memref.load %arg5[%get3A_129] : memref<160xi32, #tpu.memory_space<smem>>
        %min3A_131 = arith.constant 3584 : i32
        %min3A_132 = arith.minsi %get3A_130, %min3A_131 : i32
        %multiple_of3A_133 = tpu.assume_multiple %min3A_132, 8 : i32
        %get3A_134 = arith.index_cast %add3A_39 : i32 to index
        %get3A_135 = memref.load %arg6[%get3A_134] : memref<160xi32, #tpu.memory_space<smem>>
        %eq3A_136 = arith.constant 0 : i32
        %eq3A_137 = arith.cmpi eq, %get3A_135, %eq3A_136 : i32
        %get3A_138 = arith.index_cast %multiple_of3A_133 : i32 to index
        %get3A_139 = arith.constant 0 : index
        %get3A_140 = vector.load %arg10[%get3A_138, %get3A_139] : memref<4096x512xf32, #tpu.memory_space<vmem>>, vector<512x512xf32>
        %jit3A_141 = arith.constant 0.000000e+00 : f32
        %broadcast_in_dim3A_142 = vector.broadcast %jit3A_141 : f32 to vector<512x512xf32>
        %select_n3A_143 = arith.select %eq3A_137, %get3A_140, %broadcast_in_dim3A_142 : vector<512x512xf32>
        %get3A_144 = arith.index_cast %multiple_of3A_133 : i32 to index
        %get3A_145 = arith.constant 0 : index
        %get3A_146 = vector.load %arg11[%get3A_144, %get3A_145] : memref<4096x512xf32, #tpu.memory_space<vmem>>, vector<512x512xf32>
        %jit3A_147 = arith.constant 0.000000e+00 : f32
        %broadcast_in_dim3A_148 = vector.broadcast %jit3A_147 : f32 to vector<512x512xf32>
        %select_n3A_149 = arith.select %eq3A_137, %get3A_146, %broadcast_in_dim3A_148 : vector<512x512xf32>
        %get3A_150 = arith.constant 0 : index
        %get3A_151 = arith.constant 0 : index
        %get3A_152 = vector.load %arg8[%get3A_150, %get3A_151] : memref<512x2048xf32, #tpu.memory_space<vmem>>, vector<512x2048xf32>
        %get3A_153 = arith.constant 0 : index
        %get3A_154 = arith.constant 0 : index
        %get3A_155 = vector.load %arg2[%get3A_153, %get3A_154] : memref<512x2048xf32, #tpu.memory_space<vmem>>, vector<512x2048xf32>
        %dot_general3A_156 = arith.constant dense<0.000000e+00> : vector<512x2048xf32>
        %dot_general3A_157 = tpu.matmul %select_n3A_143, %get3A_155, %dot_general3A_156 {dimension_numbers = #tpu.dot_dimension_numbers<[1], [0], [0], [1], [0, 0, 1, 1], [], []>, transpose_lhs_hint = false} : vector<512x512xf32>, vector<512x2048xf32>, vector<512x2048xf32> -> vector<512x2048xf32>
        %add3A_158 = arith.addf %get3A_152, %dot_general3A_157 : vector<512x2048xf32>
        %slice3A_159 = vector.extract_strided_slice %add3A_158 {offsets = [0, 0], sizes = [512, 512], strides = [1, 1]} : vector<512x2048xf32> to vector<512x512xf32>
        %logistic3A_160 = arith.negf %slice3A_159 : vector<512x512xf32>
        %logistic3A_161 = math.exp %logistic3A_160 : vector<512x512xf32>
        %logistic3A_162 = arith.constant 1.000000e+00 : f32
        %logistic3A_163 = vector.broadcast %logistic3A_162 : f32 to vector<512x512xf32>
        %logistic3A_164 = arith.addf %logistic3A_163, %logistic3A_161 : vector<512x512xf32>
        %logistic3A_165 = arith.divf %logistic3A_163, %logistic3A_164 : vector<512x512xf32>
        %slice3A_166 = vector.extract_strided_slice %add3A_158 {offsets = [0, 512], sizes = [512, 512], strides = [1, 1]} : vector<512x2048xf32> to vector<512x512xf32>
        %logistic3A_167 = arith.negf %slice3A_166 : vector<512x512xf32>
        %logistic3A_168 = math.exp %logistic3A_167 : vector<512x512xf32>
        %logistic3A_169 = arith.constant 1.000000e+00 : f32
        %logistic3A_170 = vector.broadcast %logistic3A_169 : f32 to vector<512x512xf32>
        %logistic3A_171 = arith.addf %logistic3A_170, %logistic3A_168 : vector<512x512xf32>
        %logistic3A_172 = arith.divf %logistic3A_170, %logistic3A_171 : vector<512x512xf32>
        %slice3A_173 = vector.extract_strided_slice %add3A_158 {offsets = [0, 1024], sizes = [512, 512], strides = [1, 1]} : vector<512x2048xf32> to vector<512x512xf32>
        %tanh3A_174 = math.tanh %slice3A_173 : vector<512x512xf32>
        %slice3A_175 = vector.extract_strided_slice %add3A_158 {offsets = [0, 1536], sizes = [512, 512], strides = [1, 1]} : vector<512x2048xf32> to vector<512x512xf32>
        %logistic3A_176 = arith.negf %slice3A_175 : vector<512x512xf32>
        %logistic3A_177 = math.exp %logistic3A_176 : vector<512x512xf32>
        %logistic3A_178 = arith.constant 1.000000e+00 : f32
        %logistic3A_179 = vector.broadcast %logistic3A_178 : f32 to vector<512x512xf32>
        %logistic3A_180 = arith.addf %logistic3A_179, %logistic3A_177 : vector<512x512xf32>
        %logistic3A_181 = arith.divf %logistic3A_179, %logistic3A_180 : vector<512x512xf32>
        %mul3A_182 = arith.mulf %logistic3A_172, %select_n3A_149 : vector<512x512xf32>
        %mul3A_183 = arith.mulf %logistic3A_165, %tanh3A_174 : vector<512x512xf32>
        %add3A_184 = arith.addf %mul3A_182, %mul3A_183 : vector<512x512xf32>
        %tanh3A_185 = math.tanh %add3A_184 : vector<512x512xf32>
        %mul3A_186 = arith.mulf %logistic3A_181, %tanh3A_185 : vector<512x512xf32>
        %lt3A_187 = arith.constant 4096 : i32
        %lt3A_188 = arith.cmpi slt, %get3A_130, %lt3A_187 : i32
        %convert_element_type3A_189 = arith.extui %lt3A_188 : i1 to i32
        %cond3A_190 = arith.constant 0 : i32
        %cond3A_191 = arith.cmpi ne, %convert_element_type3A_189, %cond3A_190 : i32
        scf.if %cond3A_191 {
          %swap3A_205 = arith.index_cast %multiple_of3A_133 : i32 to index
          %swap3A_206 = arith.constant 0 : index
          %swap3A_207 = vector.load %arg10[%swap3A_205, %swap3A_206] : memref<4096x512xf32, #tpu.memory_space<vmem>>, vector<512x512xf32>
          tpu.vector_store %arg10[%swap3A_205, %swap3A_206], %mul3A_186 {strides = array<i32>} : memref<4096x512xf32, #tpu.memory_space<vmem>>, vector<512x512xf32>,
          %swap3A_208 = arith.index_cast %multiple_of3A_133 : i32 to index
          %swap3A_209 = arith.constant 0 : index
          %swap3A_210 = vector.load %arg11[%swap3A_208, %swap3A_209] : memref<4096x512xf32, #tpu.memory_space<vmem>>, vector<512x512xf32>
          tpu.vector_store %arg11[%swap3A_208, %swap3A_209], %add3A_184 {strides = array<i32>} : memref<4096x512xf32, #tpu.memory_space<vmem>>, vector<512x512xf32>,
        } else {
        }
        %get3A_192 = arith.index_cast %mul3A_37 : i32 to index
        %get3A_193 = memref.load %arg4[%get3A_192] : memref<160xi32, #tpu.memory_space<smem>>
        %multiple_of3A_194 = tpu.assume_multiple %get3A_193, 8 : i32
        %dma_wait3A_195 = arith.constant 0 : i32
        %dma_wait3A_196 = tpu.memref_slice %arg3[%multiple_of3A_194, %dma_wait3A_195] : memref<9216x512xf32, #tpu.memory_space<any>> -> memref<512x512xf32, #tpu.memory_space<any>>
        tpu.wait_dma2 semaphore(%arg14 : memref<!tpu.dma_semaphore, #tpu.memory_space<semaphore_mem>>) src(%arg9 : memref<512x512xf32, #tpu.memory_space<vmem>>) dst(%dma_wait3A_196 : memref<512x512xf32, #tpu.memory_space<any>>)
        %swap3A_197 = arith.constant 0 : index
        %swap3A_198 = arith.constant 0 : index
        %swap3A_199 = vector.load %arg9[%swap3A_197, %swap3A_198] : memref<512x512xf32, #tpu.memory_space<vmem>>, vector<512x512xf32>
        tpu.vector_store %arg9[%swap3A_197, %swap3A_198], %mul3A_186 {strides = array<i32>} : memref<512x512xf32, #tpu.memory_space<vmem>>, vector<512x512xf32>,
        %get3A_200 = arith.index_cast %add3A_39 : i32 to index
        %get3A_201 = memref.load %arg4[%get3A_200] : memref<160xi32, #tpu.memory_space<smem>>
        %multiple_of3A_202 = tpu.assume_multiple %get3A_201, 8 : i32
        %dma_start3A_203 = arith.constant 0 : i32
        %dma_start3A_204 = tpu.memref_slice %arg3[%multiple_of3A_202, %dma_start3A_203] : memref<9216x512xf32, #tpu.memory_space<any>> -> memref<512x512xf32, #tpu.memory_space<any>>
        tpu.enqueue_dma source(%arg9 : memref<512x512xf32, #tpu.memory_space<vmem>>) target(%dma_start3A_204 : memref<512x512xf32, #tpu.memory_space<any>>) target_semaphore(%arg14 : memref<!tpu.dma_semaphore, #tpu.memory_space<semaphore_mem>>)
      } else {
      }
    }
    %while3A_31 = arith.constant 1 : i32
    scf.for %while3A_36 = %while3A_29 to %while3A_25 step %while3A_31  : i32 {
      %mul3A = arith.constant 2 : i32
      %mul3A_37 = arith.muli %mul3A, %while3A_36 : i32
      %add3A_38 = arith.constant 1 : i32
      %add3A_39 = arith.addi %mul3A_37, %add3A_38 : i32
      %lt3A = arith.cmpi slt, %add3A_39, %while3A_2#0 : i32
      %convert_element_type3A_40 = arith.extui %lt3A : i1 to i32
      %cond3A_41 = arith.constant 0 : i32
      %cond3A_42 = arith.cmpi ne, %convert_element_type3A_40, %cond3A_41 : i32
      scf.if %cond3A_42 {
        %get3A_124 = arith.index_cast %add3A_39 : i32 to index
        %get3A_125 = memref.load %arg4[%get3A_124] : memref<160xi32, #tpu.memory_space<smem>>
        %multiple_of3A_126 = tpu.assume_multiple %get3A_125, 8 : i32
        %dma_start3A_127 = arith.constant 0 : i32
        %dma_start3A_128 = tpu.memref_slice %arg1[%multiple_of3A_126, %dma_start3A_127] : memref<9216x2048xf32, #tpu.memory_space<any>> -> memref<512x2048xf32, #tpu.memory_space<any>>
        tpu.enqueue_dma source(%dma_start3A_128 : memref<512x2048xf32, #tpu.memory_space<any>>) target(%arg8 : memref<512x2048xf32, #tpu.memory_space<vmem>>) target_semaphore(%arg13 : memref<!tpu.dma_semaphore, #tpu.memory_space<semaphore_mem>>)
      } else {
      }
      %get3A_43 = arith.index_cast %mul3A_37 : i32 to index
      %get3A_44 = memref.load %arg4[%get3A_43] : memref<160xi32, #tpu.memory_space<smem>>
      %multiple_of3A_45 = tpu.assume_multiple %get3A_44, 8 : i32
      %dma_wait3A_46 = arith.constant 0 : i32
      %dma_wait3A_47 = tpu.memref_slice %arg1[%multiple_of3A_45, %dma_wait3A_46] : memref<9216x2048xf32, #tpu.memory_space<any>> -> memref<512x2048xf32, #tpu.memory_space<any>>
      tpu.wait_dma2 semaphore(%arg12 : memref<!tpu.dma_semaphore, #tpu.memory_space<semaphore_mem>>) src(%dma_wait3A_47 : memref<512x2048xf32, #tpu.memory_space<any>>) dst(%arg7 : memref<512x2048xf32, #tpu.memory_space<vmem>>)
      %get3A_48 = arith.index_cast %mul3A_37 : i32 to index
      %get3A_49 = memref.load %arg5[%get3A_48] : memref<160xi32, #tpu.memory_space<smem>>
      %min3A = arith.constant 3584 : i32
      %min3A_50 = arith.minsi %get3A_49, %min3A : i32
      %multiple_of3A_51 = tpu.assume_multiple %min3A_50, 8 : i32
      %get3A_52 = arith.index_cast %mul3A_37 : i32 to index
      %get3A_53 = memref.load %arg6[%get3A_52] : memref<160xi32, #tpu.memory_space<smem>>
      %eq3A = arith.constant 0 : i32
      %eq3A_54 = arith.cmpi eq, %get3A_53, %eq3A : i32
      %get3A_55 = arith.index_cast %multiple_of3A_51 : i32 to index
      %get3A_56 = arith.constant 0 : index
      %get3A_57 = vector.load %arg10[%get3A_55, %get3A_56] : memref<4096x512xf32, #tpu.memory_space<vmem>>, vector<512x512xf32>
      %jit3A_58 = arith.constant 0.000000e+00 : f32
      %broadcast_in_dim3A = vector.broadcast %jit3A_58 : f32 to vector<512x512xf32>
      %select_n3A_59 = arith.select %eq3A_54, %get3A_57, %broadcast_in_dim3A : vector<512x512xf32>
      %get3A_60 = arith.index_cast %multiple_of3A_51 : i32 to index
      %get3A_61 = arith.constant 0 : index
      %get3A_62 = vector.load %arg11[%get3A_60, %get3A_61] : memref<4096x512xf32, #tpu.memory_space<vmem>>, vector<512x512xf32>
      %jit3A_63 = arith.constant 0.000000e+00 : f32
      %broadcast_in_dim3A_64 = vector.broadcast %jit3A_63 : f32 to vector<512x512xf32>
      %select_n3A_65 = arith.select %eq3A_54, %get3A_62, %broadcast_in_dim3A_64 : vector<512x512xf32>
      %get3A_66 = arith.constant 0 : index
      %get3A_67 = arith.constant 0 : index
      %get3A_68 = vector.load %arg7[%get3A_66, %get3A_67] : memref<512x2048xf32, #tpu.memory_space<vmem>>, vector<512x2048xf32>
      %get3A_69 = arith.constant 0 : index
      %get3A_70 = arith.constant 0 : index
      %get3A_71 = vector.load %arg2[%get3A_69, %get3A_70] : memref<512x2048xf32, #tpu.memory_space<vmem>>, vector<512x2048xf32>
      %dot_general3A = arith.constant dense<0.000000e+00> : vector<512x2048xf32>
      %dot_general3A_72 = tpu.matmul %select_n3A_59, %get3A_71, %dot_general3A {dimension_numbers = #tpu.dot_dimension_numbers<[1], [0], [0], [1], [0, 0, 1, 1], [], []>, transpose_lhs_hint = false} : vector<512x512xf32>, vector<512x2048xf32>, vector<512x2048xf32> -> vector<512x2048xf32>
      %add3A_73 = arith.addf %get3A_68, %dot_general3A_72 : vector<512x2048xf32>
      %slice3A = vector.extract_strided_slice %add3A_73 {offsets = [0, 0], sizes = [512, 512], strides = [1, 1]} : vector<512x2048xf32> to vector<512x512xf32>
      %logistic3A = arith.negf %slice3A : vector<512x512xf32>
      %logistic3A_74 = math.exp %logistic3A : vector<512x512xf32>
      %logistic3A_75 = arith.constant 1.000000e+00 : f32
      %logistic3A_76 = vector.broadcast %logistic3A_75 : f32 to vector<512x512xf32>
      %logistic3A_77 = arith.addf %logistic3A_76, %logistic3A_74 : vector<512x512xf32>
      %logistic3A_78 = arith.divf %logistic3A_76, %logistic3A_77 : vector<512x512xf32>
      %slice3A_79 = vector.extract_strided_slice %add3A_73 {offsets = [0, 512], sizes = [512, 512], strides = [1, 1]} : vector<512x2048xf32> to vector<512x512xf32>
      %logistic3A_80 = arith.negf %slice3A_79 : vector<512x512xf32>
      %logistic3A_81 = math.exp %logistic3A_80 : vector<512x512xf32>
      %logistic3A_82 = arith.constant 1.000000e+00 : f32
      %logistic3A_83 = vector.broadcast %logistic3A_82 : f32 to vector<512x512xf32>
      %logistic3A_84 = arith.addf %logistic3A_83, %logistic3A_81 : vector<512x512xf32>
      %logistic3A_85 = arith.divf %logistic3A_83, %logistic3A_84 : vector<512x512xf32>
      %slice3A_86 = vector.extract_strided_slice %add3A_73 {offsets = [0, 1024], sizes = [512, 512], strides = [1, 1]} : vector<512x2048xf32> to vector<512x512xf32>
      %tanh3A = math.tanh %slice3A_86 : vector<512x512xf32>
      %slice3A_87 = vector.extract_strided_slice %add3A_73 {offsets = [0, 1536], sizes = [512, 512], strides = [1, 1]} : vector<512x2048xf32> to vector<512x512xf32>
      %logistic3A_88 = arith.negf %slice3A_87 : vector<512x512xf32>
      %logistic3A_89 = math.exp %logistic3A_88 : vector<512x512xf32>
      %logistic3A_90 = arith.constant 1.000000e+00 : f32
      %logistic3A_91 = vector.broadcast %logistic3A_90 : f32 to vector<512x512xf32>
      %logistic3A_92 = arith.addf %logistic3A_91, %logistic3A_89 : vector<512x512xf32>
      %logistic3A_93 = arith.divf %logistic3A_91, %logistic3A_92 : vector<512x512xf32>
      %mul3A_94 = arith.mulf %logistic3A_85, %select_n3A_65 : vector<512x512xf32>
      %mul3A_95 = arith.mulf %logistic3A_78, %tanh3A : vector<512x512xf32>
      %add3A_96 = arith.addf %mul3A_94, %mul3A_95 : vector<512x512xf32>
      %tanh3A_97 = math.tanh %add3A_96 : vector<512x512xf32>
      %mul3A_98 = arith.mulf %logistic3A_93, %tanh3A_97 : vector<512x512xf32>
      %lt3A_99 = arith.constant 4096 : i32
      %lt3A_100 = arith.cmpi slt, %get3A_49, %lt3A_99 : i32
      %convert_element_type3A_101 = arith.extui %lt3A_100 : i1 to i32
      %cond3A_102 = arith.constant 0 : i32
      %cond3A_103 = arith.cmpi ne, %convert_element_type3A_101, %cond3A_102 : i32
      scf.if %cond3A_103 {
        %swap3A_124 = arith.index_cast %multiple_of3A_51 : i32 to index
        %swap3A_125 = arith.constant 0 : index
        %swap3A_126 = vector.load %arg10[%swap3A_124, %swap3A_125] : memref<4096x512xf32, #tpu.memory_space<vmem>>, vector<512x512xf32>
        tpu.vector_store %arg10[%swap3A_124, %swap3A_125], %mul3A_98 {strides = array<i32>} : memref<4096x512xf32, #tpu.memory_space<vmem>>, vector<512x512xf32>,
        %swap3A_127 = arith.index_cast %multiple_of3A_51 : i32 to index
        %swap3A_128 = arith.constant 0 : index
        %swap3A_129 = vector.load %arg11[%swap3A_127, %swap3A_128] : memref<4096x512xf32, #tpu.memory_space<vmem>>, vector<512x512xf32>
        tpu.vector_store %arg11[%swap3A_127, %swap3A_128], %add3A_96 {strides = array<i32>} : memref<4096x512xf32, #tpu.memory_space<vmem>>, vector<512x512xf32>,
      } else {
      }
      %ge3A = arith.constant 1 : i32
      %ge3A_104 = arith.cmpi sge, %mul3A_37, %ge3A : i32
      %convert_element_type3A_105 = arith.extui %ge3A_104 : i1 to i32
      %cond3A_106 = arith.constant 0 : i32
      %cond3A_107 = arith.cmpi ne, %convert_element_type3A_105, %cond3A_106 : i32
      scf.if %cond3A_107 {
        %sub3A_124 = arith.constant 1 : i32
        %sub3A_125 = arith.subi %mul3A_37, %sub3A_124 : i32
        %get3A_126 = arith.index_cast %sub3A_125 : i32 to index
        %get3A_127 = memref.load %arg4[%get3A_126] : memref<160xi32, #tpu.memory_space<smem>>
        %multiple_of3A_128 = tpu.assume_multiple %get3A_127, 8 : i32
        %dma_wait3A_129 = arith.constant 0 : i32
        %dma_wait3A_130 = tpu.memref_slice %arg3[%multiple_of3A_128, %dma_wait3A_129] : memref<9216x512xf32, #tpu.memory_space<any>> -> memref<512x512xf32, #tpu.memory_space<any>>
        tpu.wait_dma2 semaphore(%arg14 : memref<!tpu.dma_semaphore, #tpu.memory_space<semaphore_mem>>) src(%arg9 : memref<512x512xf32, #tpu.memory_space<vmem>>) dst(%dma_wait3A_130 : memref<512x512xf32, #tpu.memory_space<any>>)
      } else {
      }
      %swap3A = arith.constant 0 : index
      %swap3A_108 = arith.constant 0 : index
      %swap3A_109 = vector.load %arg9[%swap3A, %swap3A_108] : memref<512x512xf32, #tpu.memory_space<vmem>>, vector<512x512xf32>
      tpu.vector_store %arg9[%swap3A, %swap3A_108], %mul3A_98 {strides = array<i32>} : memref<512x512xf32, #tpu.memory_space<vmem>>, vector<512x512xf32>,
      %get3A_110 = arith.index_cast %mul3A_37 : i32 to index
      %get3A_111 = memref.load %arg4[%get3A_110] : memref<160xi32, #tpu.memory_space<smem>>
      %multiple_of3A_112 = tpu.assume_multiple %get3A_111, 8 : i32
      %dma_start3A = arith.constant 0 : i32
      %dma_start3A_113 = tpu.memref_slice %arg3[%multiple_of3A_112, %dma_start3A] : memref<9216x512xf32, #tpu.memory_space<any>> -> memref<512x512xf32, #tpu.memory_space<any>>
      tpu.enqueue_dma source(%arg9 : memref<512x512xf32, #tpu.memory_space<vmem>>) target(%dma_start3A_113 : memref<512x512xf32, #tpu.memory_space<any>>) target_semaphore(%arg14 : memref<!tpu.dma_semaphore, #tpu.memory_space<semaphore_mem>>)
      %add3A_114 = arith.constant 2 : i32
      %add3A_115 = arith.addi %mul3A_37, %add3A_114 : i32
      %lt3A_116 = arith.cmpi slt, %add3A_115, %while3A_2#0 : i32
      %convert_element_type3A_117 = arith.extui %lt3A_116 : i1 to i32
      %cond3A_118 = arith.constant 0 : i32
      %cond3A_119 = arith.cmpi ne, %convert_element_type3A_117, %cond3A_118 : i32
      scf.if %cond3A_119 {
        %add3A_124 = arith.constant 2 : i32
        %add3A_125 = arith.addi %mul3A_37, %add3A_124 : i32
        %get3A_126 = arith.index_cast %add3A_125 : i32 to index
        %get3A_127 = memref.load %arg4[%get3A_126] : memref<160xi32, #tpu.memory_space<smem>>
        %multiple_of3A_128 = tpu.assume_multiple %get3A_127, 8 : i32
        %dma_start3A_129 = arith.constant 0 : i32
        %dma_start3A_130 = tpu.memref_slice %arg1[%multiple_of3A_128, %dma_start3A_129] : memref<9216x2048xf32, #tpu.memory_space<any>> -> memref<512x2048xf32, #tpu.memory_space<any>>
        tpu.enqueue_dma source(%dma_start3A_130 : memref<512x2048xf32, #tpu.memory_space<any>>) target(%arg7 : memref<512x2048xf32, #tpu.memory_space<vmem>>) target_semaphore(%arg12 : memref<!tpu.dma_semaphore, #tpu.memory_space<semaphore_mem>>)
      } else {
      }
      %lt3A_120 = arith.cmpi slt, %add3A_39, %while3A_2#0 : i32
      %convert_element_type3A_121 = arith.extui %lt3A_120 : i1 to i32
      %cond3A_122 = arith.constant 0 : i32
      %cond3A_123 = arith.cmpi ne, %convert_element_type3A_121, %cond3A_122 : i32
      scf.if %cond3A_123 {
        %get3A_124 = arith.index_cast %add3A_39 : i32 to index
        %get3A_125 = memref.load %arg4[%get3A_124] : memref<160xi32, #tpu.memory_space<smem>>
        %multiple_of3A_126 = tpu.assume_multiple %get3A_125, 8 : i32
        %dma_wait3A_127 = arith.constant 0 : i32
        %dma_wait3A_128 = tpu.memref_slice %arg1[%multiple_of3A_126, %dma_wait3A_127] : memref<9216x2048xf32, #tpu.memory_space<any>> -> memref<512x2048xf32, #tpu.memory_space<any>>
        tpu.wait_dma2 semaphore(%arg13 : memref<!tpu.dma_semaphore, #tpu.memory_space<semaphore_mem>>) src(%dma_wait3A_128 : memref<512x2048xf32, #tpu.memory_space<any>>) dst(%arg8 : memref<512x2048xf32, #tpu.memory_space<vmem>>)
        %get3A_129 = arith.index_cast %add3A_39 : i32 to index
        %get3A_130 = memref.load %arg5[%get3A_129] : memref<160xi32, #tpu.memory_space<smem>>
        %min3A_131 = arith.constant 3584 : i32
        %min3A_132 = arith.minsi %get3A_130, %min3A_131 : i32
        %multiple_of3A_133 = tpu.assume_multiple %min3A_132, 8 : i32
        %get3A_134 = arith.index_cast %add3A_39 : i32 to index
        %get3A_135 = memref.load %arg6[%get3A_134] : memref<160xi32, #tpu.memory_space<smem>>
        %eq3A_136 = arith.constant 0 : i32
        %eq3A_137 = arith.cmpi eq, %get3A_135, %eq3A_136 : i32
        %get3A_138 = arith.index_cast %multiple_of3A_133 : i32 to index
        %get3A_139 = arith.constant 0 : index
        %get3A_140 = vector.load %arg10[%get3A_138, %get3A_139] : memref<4096x512xf32, #tpu.memory_space<vmem>>, vector<512x512xf32>
        %jit3A_141 = arith.constant 0.000000e+00 : f32
        %broadcast_in_dim3A_142 = vector.broadcast %jit3A_141 : f32 to vector<512x512xf32>
        %select_n3A_143 = arith.select %eq3A_137, %get3A_140, %broadcast_in_dim3A_142 : vector<512x512xf32>
        %get3A_144 = arith.index_cast %multiple_of3A_133 : i32 to index
        %get3A_145 = arith.constant 0 : index
        %get3A_146 = vector.load %arg11[%get3A_144, %get3A_145] : memref<4096x512xf32, #tpu.memory_space<vmem>>, vector<512x512xf32>
        %jit3A_147 = arith.constant 0.000000e+00 : f32
        %broadcast_in_dim3A_148 = vector.broadcast %jit3A_147 : f32 to vector<512x512xf32>
        %select_n3A_149 = arith.select %eq3A_137, %get3A_146, %broadcast_in_dim3A_148 : vector<512x512xf32>
        %get3A_150 = arith.constant 0 : index
        %get3A_151 = arith.constant 0 : index
        %get3A_152 = vector.load %arg8[%get3A_150, %get3A_151] : memref<512x2048xf32, #tpu.memory_space<vmem>>, vector<512x2048xf32>
        %get3A_153 = arith.constant 0 : index
        %get3A_154 = arith.constant 0 : index
        %get3A_155 = vector.load %arg2[%get3A_153, %get3A_154] : memref<512x2048xf32, #tpu.memory_space<vmem>>, vector<512x2048xf32>
        %dot_general3A_156 = arith.constant dense<0.000000e+00> : vector<512x2048xf32>
        %dot_general3A_157 = tpu.matmul %select_n3A_143, %get3A_155, %dot_general3A_156 {dimension_numbers = #tpu.dot_dimension_numbers<[1], [0], [0], [1], [0, 0, 1, 1], [], []>, transpose_lhs_hint = false} : vector<512x512xf32>, vector<512x2048xf32>, vector<512x2048xf32> -> vector<512x2048xf32>
        %add3A_158 = arith.addf %get3A_152, %dot_general3A_157 : vector<512x2048xf32>
        %slice3A_159 = vector.extract_strided_slice %add3A_158 {offsets = [0, 0], sizes = [512, 512], strides = [1, 1]} : vector<512x2048xf32> to vector<512x512xf32>
        %logistic3A_160 = arith.negf %slice3A_159 : vector<512x512xf32>
        %logistic3A_161 = math.exp %logistic3A_160 : vector<512x512xf32>
        %logistic3A_162 = arith.constant 1.000000e+00 : f32
        %logistic3A_163 = vector.broadcast %logistic3A_162 : f32 to vector<512x512xf32>
        %logistic3A_164 = arith.addf %logistic3A_163, %logistic3A_161 : vector<512x512xf32>
        %logistic3A_165 = arith.divf %logistic3A_163, %logistic3A_164 : vector<512x512xf32>
        %slice3A_166 = vector.extract_strided_slice %add3A_158 {offsets = [0, 512], sizes = [512, 512], strides = [1, 1]} : vector<512x2048xf32> to vector<512x512xf32>
        %logistic3A_167 = arith.negf %slice3A_166 : vector<512x512xf32>
        %logistic3A_168 = math.exp %logistic3A_167 : vector<512x512xf32>
        %logistic3A_169 = arith.constant 1.000000e+00 : f32
        %logistic3A_170 = vector.broadcast %logistic3A_169 : f32 to vector<512x512xf32>
        %logistic3A_171 = arith.addf %logistic3A_170, %logistic3A_168 : vector<512x512xf32>
        %logistic3A_172 = arith.divf %logistic3A_170, %logistic3A_171 : vector<512x512xf32>
        %slice3A_173 = vector.extract_strided_slice %add3A_158 {offsets = [0, 1024], sizes = [512, 512], strides = [1, 1]} : vector<512x2048xf32> to vector<512x512xf32>
        %tanh3A_174 = math.tanh %slice3A_173 : vector<512x512xf32>
        %slice3A_175 = vector.extract_strided_slice %add3A_158 {offsets = [0, 1536], sizes = [512, 512], strides = [1, 1]} : vector<512x2048xf32> to vector<512x512xf32>
        %logistic3A_176 = arith.negf %slice3A_175 : vector<512x512xf32>
        %logistic3A_177 = math.exp %logistic3A_176 : vector<512x512xf32>
        %logistic3A_178 = arith.constant 1.000000e+00 : f32
        %logistic3A_179 = vector.broadcast %logistic3A_178 : f32 to vector<512x512xf32>
        %logistic3A_180 = arith.addf %logistic3A_179, %logistic3A_177 : vector<512x512xf32>
        %logistic3A_181 = arith.divf %logistic3A_179, %logistic3A_180 : vector<512x512xf32>
        %mul3A_182 = arith.mulf %logistic3A_172, %select_n3A_149 : vector<512x512xf32>
        %mul3A_183 = arith.mulf %logistic3A_165, %tanh3A_174 : vector<512x512xf32>
        %add3A_184 = arith.addf %mul3A_182, %mul3A_183 : vector<512x512xf32>
        %tanh3A_185 = math.tanh %add3A_184 : vector<512x512xf32>
        %mul3A_186 = arith.mulf %logistic3A_181, %tanh3A_185 : vector<512x512xf32>
        %lt3A_187 = arith.constant 4096 : i32
        %lt3A_188 = arith.cmpi slt, %get3A_130, %lt3A_187 : i32
        %convert_element_type3A_189 = arith.extui %lt3A_188 : i1 to i32
        %cond3A_190 = arith.constant 0 : i32
        %cond3A_191 = arith.cmpi ne, %convert_element_type3A_189, %cond3A_190 : i32
        scf.if %cond3A_191 {
          %swap3A_205 = arith.index_cast %multiple_of3A_133 : i32 to index
          %swap3A_206 = arith.constant 0 : index
          %swap3A_207 = vector.load %arg10[%swap3A_205, %swap3A_206] : memref<4096x512xf32, #tpu.memory_space<vmem>>, vector<512x512xf32>
          tpu.vector_store %arg10[%swap3A_205, %swap3A_206], %mul3A_186 {strides = array<i32>} : memref<4096x512xf32, #tpu.memory_space<vmem>>, vector<512x512xf32>,
          %swap3A_208 = arith.index_cast %multiple_of3A_133 : i32 to index
          %swap3A_209 = arith.constant 0 : index
          %swap3A_210 = vector.load %arg11[%swap3A_208, %swap3A_209] : memref<4096x512xf32, #tpu.memory_space<vmem>>, vector<512x512xf32>
          tpu.vector_store %arg11[%swap3A_208, %swap3A_209], %add3A_184 {strides = array<i32>} : memref<4096x512xf32, #tpu.memory_space<vmem>>, vector<512x512xf32>,
        } else {
        }
        %get3A_192 = arith.index_cast %mul3A_37 : i32 to index
        %get3A_193 = memref.load %arg4[%get3A_192] : memref<160xi32, #tpu.memory_space<smem>>
        %multiple_of3A_194 = tpu.assume_multiple %get3A_193, 8 : i32
        %dma_wait3A_195 = arith.constant 0 : i32
        %dma_wait3A_196 = tpu.memref_slice %arg3[%multiple_of3A_194, %dma_wait3A_195] : memref<9216x512xf32, #tpu.memory_space<any>> -> memref<512x512xf32, #tpu.memory_space<any>>
        tpu.wait_dma2 semaphore(%arg14 : memref<!tpu.dma_semaphore, #tpu.memory_space<semaphore_mem>>) src(%arg9 : memref<512x512xf32, #tpu.memory_space<vmem>>) dst(%dma_wait3A_196 : memref<512x512xf32, #tpu.memory_space<any>>)
        %swap3A_197 = arith.constant 0 : index
        %swap3A_198 = arith.constant 0 : index
        %swap3A_199 = vector.load %arg9[%swap3A_197, %swap3A_198] : memref<512x512xf32, #tpu.memory_space<vmem>>, vector<512x512xf32>
        tpu.vector_store %arg9[%swap3A_197, %swap3A_198], %mul3A_186 {strides = array<i32>} : memref<512x512xf32, #tpu.memory_space<vmem>>, vector<512x512xf32>,
        %get3A_200 = arith.index_cast %add3A_39 : i32 to index
        %get3A_201 = memref.load %arg4[%get3A_200] : memref<160xi32, #tpu.memory_space<smem>>
        %multiple_of3A_202 = tpu.assume_multiple %get3A_201, 8 : i32
        %dma_start3A_203 = arith.constant 0 : i32
        %dma_start3A_204 = tpu.memref_slice %arg3[%multiple_of3A_202, %dma_start3A_203] : memref<9216x512xf32, #tpu.memory_space<any>> -> memref<512x512xf32, #tpu.memory_space<any>>
        tpu.enqueue_dma source(%arg9 : memref<512x512xf32, #tpu.memory_space<vmem>>) target(%dma_start3A_204 : memref<512x512xf32, #tpu.memory_space<any>>) target_semaphore(%arg14 : memref<!tpu.dma_semaphore, #tpu.memory_space<semaphore_mem>>)
      } else {
      }
    }
    %sub3A_32 = arith.constant 1 : i32
    %sub3A_33 = arith.subi %while3A_2#0, %sub3A_32 : i32
    %get3A = arith.index_cast %sub3A_33 : i32 to index
    %get3A_34 = memref.load %arg4[%get3A] : memref<160xi32, #tpu.memory_space<smem>>
    %multiple_of3A = tpu.assume_multiple %get3A_34, 8 : i32
    %dma_wait3A = arith.constant 0 : i32
    %dma_wait3A_35 = tpu.memref_slice %arg3[%multiple_of3A, %dma_wait3A] : memref<9216x512xf32, #tpu.memory_space<any>> -> memref<512x512xf32, #tpu.memory_space<any>>
    tpu.wait_dma2 semaphore(%arg14 : memref<!tpu.dma_semaphore, #tpu.memory_space<semaphore_mem>>) src(%arg9 : memref<512x512xf32, #tpu.memory_space<vmem>>) dst(%dma_wait3A_35 : memref<512x512xf32, #tpu.memory_space<any>>)
    return
  }
}

module attributes {stable_mosaic.version = 14 : i64} {
  func.func @_post_kernel(%arg0: i32, %arg1: memref<512x512xf32, #tpu.memory_space<vmem>>, %arg2: memref<512x512xf32, #tpu.memory_space<vmem>>, %arg3: memref<1x512xf32, #tpu.memory_space<vmem>>, %arg4: memref<512x128xf32, #tpu.memory_space<vmem>>, %arg5: memref<1x128xf32, #tpu.memory_space<vmem>>, %arg6: memref<512x128xf32, #tpu.memory_space<vmem>>) attributes {dimension_semantics = [#tpu.dimension_semantics<arbitrary>], iteration_bounds = array<i64: 18>, scalar_prefetch = 0 : i64, scratch_operands = 0 : i64, tpu.core_type = #tpu.core_type<tc>, window_params = [{transform_indices = @transform_0, window_bounds = array<i64: 512, 512>}, {pipeline_mode = #tpu.pipeline_mode<synchronous>, transform_indices = @transform_1, window_bounds = array<i64: 512, 512>}, {pipeline_mode = #tpu.pipeline_mode<synchronous>, transform_indices = @transform_2, window_bounds = array<i64: 1, 512>}, {pipeline_mode = #tpu.pipeline_mode<synchronous>, transform_indices = @transform_3, window_bounds = array<i64: 512, 128>}, {pipeline_mode = #tpu.pipeline_mode<synchronous>, transform_indices = @transform_4, window_bounds = array<i64: 1, 128>}, {transform_indices = @transform_5, window_bounds = array<i64: 512, 128>}]} {
    %get3A = arith.constant 0 : index
    %get3A_0 = arith.constant 0 : index
    %get3A_1 = vector.load %arg1[%get3A, %get3A_0] : memref<512x512xf32, #tpu.memory_space<vmem>>, vector<512x512xf32>
    %get3A_2 = arith.constant 0 : index
    %get3A_3 = arith.constant 0 : index
    %get3A_4 = vector.load %arg2[%get3A_2, %get3A_3] : memref<512x512xf32, #tpu.memory_space<vmem>>, vector<512x512xf32>
    %dot_general3A = arith.constant dense<0.000000e+00> : vector<512x512xf32>
    %dot_general3A_5 = tpu.matmul %get3A_1, %get3A_4, %dot_general3A {dimension_numbers = #tpu.dot_dimension_numbers<[1], [0], [0], [1], [0, 0, 1, 1], [], []>, transpose_lhs_hint = false} : vector<512x512xf32>, vector<512x512xf32>, vector<512x512xf32> -> vector<512x512xf32>
    %get3A_6 = arith.constant 0 : index
    %get3A_7 = arith.constant 0 : index
    %get3A_8 = vector.load %arg3[%get3A_6, %get3A_7] : memref<1x512xf32, #tpu.memory_space<vmem>>, vector<1x512xf32>
    %add3A = vector.broadcast %get3A_8 : vector<1x512xf32> to vector<512x512xf32>
    %add3A_9 = arith.addf %dot_general3A_5, %add3A : vector<512x512xf32>
    %tanh3A = math.tanh %add3A_9 : vector<512x512xf32>
    %get3A_10 = arith.constant 0 : index
    %get3A_11 = arith.constant 0 : index
    %get3A_12 = vector.load %arg4[%get3A_10, %get3A_11] : memref<512x128xf32, #tpu.memory_space<vmem>>, vector<512x128xf32>
    %dot_general3A_13 = arith.constant dense<0.000000e+00> : vector<512x128xf32>
    %dot_general3A_14 = tpu.matmul %tanh3A, %get3A_12, %dot_general3A_13 {dimension_numbers = #tpu.dot_dimension_numbers<[1], [0], [0], [1], [0, 0, 1, 1], [], []>, transpose_lhs_hint = false} : vector<512x512xf32>, vector<512x128xf32>, vector<512x128xf32> -> vector<512x128xf32>
    %get3A_15 = arith.constant 0 : index
    %get3A_16 = arith.constant 0 : index
    %get3A_17 = vector.load %arg5[%get3A_15, %get3A_16] : memref<1x128xf32, #tpu.memory_space<vmem>>, vector<1x128xf32>
    %add3A_18 = vector.broadcast %get3A_17 : vector<1x128xf32> to vector<512x128xf32>
    %add3A_19 = arith.addf %dot_general3A_14, %add3A_18 : vector<512x128xf32>
    %swap3A = arith.constant 0 : index
    %swap3A_20 = arith.constant 0 : index
    %swap3A_21 = vector.load %arg6[%swap3A, %swap3A_20] : memref<512x128xf32, #tpu.memory_space<vmem>>, vector<512x128xf32>
    tpu.vector_store %arg6[%swap3A, %swap3A_20], %add3A_19 {strides = array<i32>} : memref<512x128xf32, #tpu.memory_space<vmem>>, vector<512x128xf32>,
    return
  }
  func.func @transform_0(%arg0: i32) -> (i32, i32) {
    %c0_i32 = arith.constant 0 : i32
    %c0_i32_0 = arith.constant 0 : i32
    return %arg0, %c0_i32 : i32, i32
  }
  func.func @transform_1(%arg0: i32) -> (i32, i32) {
    %c0_i32 = arith.constant 0 : i32
    %c0_i32_0 = arith.constant 0 : i32
    %c0_i32_1 = arith.constant 0 : i32
    return %c0_i32, %c0_i32_0 : i32, i32
  }
  func.func @transform_2(%arg0: i32) -> (i32, i32) {
    %c0_i32 = arith.constant 0 : i32
    %c0_i32_0 = arith.constant 0 : i32
    %c0_i32_1 = arith.constant 0 : i32
    return %c0_i32, %c0_i32_0 : i32, i32
  }
  func.func @transform_3(%arg0: i32) -> (i32, i32) {
    %c0_i32 = arith.constant 0 : i32
    %c0_i32_0 = arith.constant 0 : i32
    %c0_i32_1 = arith.constant 0 : i32
    return %c0_i32, %c0_i32_0 : i32, i32
  }
  func.func @transform_4(%arg0: i32) -> (i32, i32) {
    %c0_i32 = arith.constant 0 : i32
    %c0_i32_0 = arith.constant 0 : i32
    %c0_i32_1 = arith.constant 0 : i32
    return %c0_i32, %c0_i32_0 : i32, i32
  }
  func.func @transform_5(%arg0: i32) -> (i32, i32) {
    %c0_i32 = arith.constant 0 : i32
    %c0_i32_0 = arith.constant 0 : i32
    return %arg0, %c0_i32 : i32, i32
  }
}

</mosaic_0001>

<sc_bundles>
// kernel: branch_1_fun.10.cloned.1.call-start
scs
__scs_entry_jumppad:
0x0: {  	(pc) =	sbr.rel $0x88, $3  }
0x1: {  	(tag) =	ssettag $0x0;
	lr =	simm.s32 $0x1  }
0x2: {  	[smem:$0x3F96] =	sst lr;
	_ =	strace $0xD0000000  }
0x3: {  	_ = 	snop  }
0x4: {  	_ = 	snop  }
0x5: {  	_ = 	snop  }
0x6: {  	_ = 	snop  }
0x7: {  	_ = 	snop  }
__scs_overlays_trampoline_lowered:
0x8: {  	[smem:$0x3FA5] =	sst s0  }
0x9: {  	[smem:$0x3FA6] =	sst s1  }
0xa: {  	[smem:$0x3FA7] =	sst s2  }
0xb: {  	[smem:$0x3FA8] =	sst s3  }
0xc: {  	[smem:$0x3FA9] =	sst s4  }
0xd: {  	[smem:$0x3FAA] =	sst s5  }
0xe: {  	[smem:$0x3FAB] =	sst s6  }
0xf: {  	[smem:$0x3FAC] =	sst s7  }
0x10: {  	[smem:$0x3FAD] =	sst s8  }
0x11: {  	[smem:$0x3FAE] =	sst s9;
	s0 =	simm.s32 @!p0 $0x0  }
0x12: {  	s1 =	sld [smem:$0x3F94];
	s0 =	simm.s32 @p0 $0x1  }
0x13: {  	[smem:$0x3FAF] =	sst s0;
	s0 =	simm.s32 @!p1 $0x0  }
0x14: {  	s2 =	sld [smem:$0x3F93];
	s0 =	simm.s32 @p1 $0x1  }
0x15: {  	[smem:$0x3FB0] =	sst s0;
	s0 =	simm.s32 @!p2 $0x0  }
0x16: {  	s3 =	sld [smem:$0x3FDB];
	s0 =	simm.s32 @p2 $0x1  }
0x17: {  	s4 =	simm.s32 $0x1BF5;
	[smem:$0x3FB2] =	sst s0  }
0x18: {  	s0 =	sld [smem:$0x3F95];
	_ =	swait.ge [sflag:s4], $0x0  }
0x19: {  	s7 =	sld [smem:$0x3F96]  }
0x1a: {  	s8 =	sadd.s32 $0xFFFFE003, lr  }
0x1b: {  	s9 =	sadd.s32 $0xFFFFFEF7, lr;
	s5 =	simm.s32 $0xFFFFFFFF;
	p2 =	slt.u32 s8, $0xFFFFF086  }
0x1c: {  	p1 =	slt.u32 s9, $0xF7A;
	s5 =	simm.s32 @!p2 $0x0  }
0x1d: {  	s5 =	simm.s32 @p1 $0x1;
	p0 =	seq.s32 s7, s2  }
0x1e: {  	s7 =	smul.u32 @!p0 $0xF7A, s2;
	p2 =	seq.s32 @!p0 s5, $0x0  }
0x1f: {  	s9 =	smul.u32 $0xF7A, s1;
	s8 =	simm.s32 @!p0 $0x1BF5;
	p2 =	por !p2, p0  }
0x20: {  	[sflag:s8] =	ssyncset.s32 @!p0 $0xFFFFF086;
	s6 =	sadd.s32 @!p0 s3, s7;
	s7 =	simm.s32 @!p0 $0x108  }
0x21: {  	s3 =	sadd.s32 s3, s9;
	s6 =	sadd.s32 @!p0 $0x88, s6;
	s7 =	simm.s32 @p2 $0x1082  }
0x22: {  	[simem:s7], [sflag:s8] =	dma.local @!p0 [hbm:s6], $0xF7A  }
0x23: {  	s9 =	sor.u32 $0xD0000000, s2;
	s6 =	simm.s32 $0x108;
	_ =	swait.ge @!p0 [sflag:s8], $0x0  }
0x24: {  	s3 =	sadd.s32 $0x88, s3;
	s6 =	simm.s32 @!p1 $0x1082;
	[sflag:s4] =	ssyncset.s32 $0xFFFFF086  }
0x25: {  	[simem:s6], [sflag:s4] =	dma.local [hbm:s3], $0xF7A  }
0x26: {  	[smem:$0x3F96] =	sst s1;
	(tag) =	ssettag s2;
	_ =	strace s9  }
0x27: {  	s1 =	sld [smem:$0x3FA6]  }
0x28: {  	s2 =	sld [smem:$0x3FA7]  }
0x29: {  	s4 =	sld [smem:$0x3FA9]  }
0x2a: {  	p0 =	seq.s32 s5, $0x0;
	s5 =	sld [smem:$0x3FAA]  }
0x2b: {  	s6 =	sld [smem:$0x3FAB]  }
0x2c: {  	s7 =	sld [smem:$0x3FAC]  }
0x2d: {  	s3 =	simm.s32 $0x108;
	s8 =	sld [smem:$0x3FAD]  }
0x2e: {  	s3 =	simm.s32 @!p0 $0x1082;
	s9 =	sld [smem:$0x3FAE]  }
0x2f: {  	lr =	sadd.s32 s0, s3;
	s0 =	sld [smem:$0x3FA5]  }
0x30: {  	s3 =	sld [smem:$0x3FA8]  }
0x31: {  	[smem:$0x3FB1] =	sst s10  }
0x32: {  	s10 =	sld [smem:$0x3FAF];
	_ =	sdelay $0x3  }
0x33: {  	p0 =	seq.s32 s10, $0x1;
	s10 =	sld [smem:$0x3FB1];
	_ =	sdelay $0x3  }
0x34: {  	[smem:$0x3FB1] =	sst s10  }
0x35: {  	s10 =	sld [smem:$0x3FB0];
	_ =	sdelay $0x3  }
0x36: {  	p1 =	seq.s32 s10, $0x1;
	s10 =	sld [smem:$0x3FB1];
	_ =	sdelay $0x3  }
0x37: {  	[smem:$0x3FB1] =	sst s10  }
0x38: {  	s10 =	sld [smem:$0x3FB2]  }
0x39: {  	_ = 	snop;
	(pc) =	sbr.ind lr, $3  }
0x3a: {  	_ = 	snop  }
0x3b: {  	_ = 	snop  }
0x3c: {  	p2 =	seq.s32 s10, $0x1;
	s10 =	sld [smem:$0x3FB1]  }
0x3d: {  	_ =	shalt  }
0x3e: {  	_ =	shalt  }
0x3f: {  	_ =	shalt  }
0x40: {  	_ =	shalt  }
0x41: {  	_ =	shalt  }
0x42: {  	_ =	shalt  }
0x43: {  	_ =	shalt  }
0x44: {  	_ =	shalt  }
0x45: {  	_ =	shalt  }
0x46: {  	_ =	shalt  }
0x47: {  	_ =	shalt  }
0x48: {  	_ =	shalt  }
0x49: {  	_ =	shalt  }
0x4a: {  	_ =	shalt  }
0x4b: {  	_ =	shalt  }
0x4c: {  	_ =	shalt  }
0x4d: {  	_ =	shalt  }
0x4e: {  	_ =	shalt  }
0x4f: {  	_ =	shalt  }
0x50: {  	_ =	shalt  }
0x51: {  	_ =	shalt  }
0x52: {  	_ =	shalt  }
0x53: {  	_ =	shalt  }
0x54: {  	_ =	shalt  }
0x55: {  	_ =	shalt  }
0x56: {  	_ =	shalt  }
0x57: {  	_ =	shalt  }
0x58: {  	_ =	shalt  }
0x59: {  	_ =	shalt  }
0x5a: {  	_ =	shalt  }
0x5b: {  	_ =	shalt  }
0x5c: {  	_ =	shalt  }
0x5d: {  	_ =	shalt  }
0x5e: {  	_ =	shalt  }
0x5f: {  	_ =	shalt  }
0x60: {  	_ =	shalt  }
0x61: {  	_ =	shalt  }
0x62: {  	_ =	shalt  }
0x63: {  	_ =	shalt  }
0x64: {  	_ =	shalt  }
0x65: {  	_ =	shalt  }
0x66: {  	_ =	shalt  }
0x67: {  	_ =	shalt  }
0x68: {  	_ =	shalt  }
0x69: {  	_ =	shalt  }
0x6a: {  	_ =	shalt  }
0x6b: {  	_ =	shalt  }
0x6c: {  	_ =	shalt  }
0x6d: {  	_ =	shalt  }
0x6e: {  	_ =	shalt  }
0x6f: {  	_ =	shalt  }
0x70: {  	_ =	shalt  }
0x71: {  	_ =	shalt  }
0x72: {  	_ =	shalt  }
0x73: {  	_ =	shalt  }
0x74: {  	_ =	shalt  }
0x75: {  	_ =	shalt  }
0x76: {  	_ =	shalt  }
0x77: {  	_ =	shalt  }
0x78: {  	_ =	shalt  }
0x79: {  	_ =	shalt  }
0x7a: {  	_ =	shalt  }
0x7b: {  	_ =	shalt  }
0x7c: {  	_ =	shalt  }
0x7d: {  	_ =	shalt  }
0x7e: {  	_ =	shalt  }
0x7f: {  	_ =	shalt  }
0x80: {  	_ =	shalt  }
0x81: {  	_ =	shalt  }
0x82: {  	_ =	shalt  }
0x83: {  	_ =	shalt  }
0x84: {  	_ =	shalt  }
0x85: {  	_ =	shalt  }
0x86: {  	_ =	shalt  }
0x87: {  	_ =	shalt  }
.Lfunc_end0:
.L_simem_size_0:
called_computation.3_lowered:
.L_overlay_start_0:
0x88: {  	s2 =	sld [smem:$0x3FD9]  }
0x89: {  	s3 =	sld [smem:$0x3FFE];
	_ =	sdelay $0x1  }
0x8a: {  	s1 =	srdreg.scid  }
0x8b: {  	s0 =	sand.u32 $0x1, s1  }
0x8c: {  	s14 =	sshll.u32 s0, $0xA;
	s2 =	sadd.s32 s3, s2  }
0x8d: {  	s2 =	sadd.s32 s2, s14  }
0x8e: {  	[smem:$0x3FBD] =	sst s2  }
0x8f: {  	_ = 	snop  }
0x90: {  	s2 =	sld [smem:$0x3FD0];
	_ =	sdelay $0x2  }
0x91: {  	s15 =	simm.s32 $0xA;
	s4 =	simm.s32 $0x10  }
0x92: {  	[smem:s4], [sflag:s15] =	dma.local [hbm:s2], $0x1  }
0x93: {  	_ =	swait.eq [sflag:s15], $0x1  }
0x94: {  	[sflag:s15] =	ssyncset.done $0x0  }
0x95: {  	[sflag:s15] =	ssyncadd.s32 $0xFFFFFFFF  }
0x96: {  	s16 =	sld [smem:$0x10];
	(tm) =	ssettm $0x1  }
0x97: {  	s17 =	sld [smem:$0x3FFB];
	_ =	sdelay $0x3  }
0x98: {  	_ =	strace s17  }
0x99: {  	s3 =	sld [smem:$0x3FFC];
	_ =	sdelay $0x3  }
0x9a: {  	_ =	strace s3  }
0x9b: {  	s3 =	sld [smem:$0x3FFD];
	_ =	sdelay $0x3  }
0x9c: {  	_ =	strace s3  }
0x9d: {  	_ =	strace $0x8FFFFFFF  }
0x9e: {  	s18 =	sld [smem:$0x3FDB];
	_ =	sdelay $0x1  }
0x9f: {  	s19 =	simm.s32 $_scs_section_size  }
0xa0: {  	s5 =	simm.s32 $_size__tile_overlayer_lowered;
	s6 =	simm.s32 $_tile_overlayer_lowered  }
0xa1: {  	s22 =	simm.s32 $0x1BFF;
	s21 =	sshll.u32 s6, $0x1;
	s3 =	sadd.s32 s19, s18  }
0xa2: {  	s7 =	simm.s32 $0x0;
	s20 =	sshll.u32 s5, $0x1;
	s5 =	sadd.s32 s21, s3  }
0xa3: {  	[timem:s7], [sflag:s22] =	dma.local [hbm:s5], s20  }
0xa4: {  	_ =	swait.ge [sflag:s22], s20  }
0xa5: {  	s4 =	ssub.s32 $0x0, s20;
	[sflag:s22] =	ssyncset.done $0x0  }
0xa6: {  	[sflag:s22] =	ssyncadd.s32 s4;
	_ =	sdelay $0x1  }
0xa7: {  	s23 =	simm.s32 $0x1B8B  }
0xa8: {  	_ =	swait.ge [sflag:s23], $0x1  }
0xa9: {  	[sflag:s23] =	ssyncset.done $0x0  }
0xaa: {  	s25 =	simm.s32 $0x1B8E;
	s24 =	sld [smem:$0x3FFE];
	[sflag:s23] =	ssyncadd.s32 $0xFFFFFFFF  }
0xab: {  	s26 =	simm.s32 $execute0_lowered;
	[smem:$0x3FD2] =	sst s25  }
0xac: {  	s5 =	sshll.u32 s26, $0x1;
	_ =	strace $0x80000049;
	[dreg:$0x1] =	wrdreg $0xFFFFFFFF  }
0xad: {  	s28 =	simm.s32 $_size_execute0_lowered;
	s3 =	sadd.s32 s3, s5;
	[dreg:$0x0] =	wrdreg $0x0  }
0xae: {  	s5 =	sshll.u32 s28, $0x1;
	[dreg:$0x2] =	wrdreg s3  }
0xaf: {  	[dreg:$0x3] =	wrdreg s5  }
0xb0: {  	[dreg:$0x4] =	wrdreg $0xC0  }
0xb1: {  	_ =	task [dreg:s7], $0x5FFFF  }
0xb2: {  	[dreg:$0x1] =	wrdreg $0xFFFFFFFF  }
0xb3: {  	[dreg:$0x0] =	wrdreg $0x60  }
0xb4: {  	[dreg:$0x2] =	wrdreg s24  }
0xb5: {  	[dreg:$0x3] =	wrdreg s16  }
0xb6: {  	[dreg:$0x4] =	wrdreg $0x9  }
0xb7: {  	_ =	task.clear_ibuf [dreg:s7], $0x5FFFF;
	_ =	strace $0x90000049  }
0xb8: {  	s29 =	simm.s32 $0x9;
	_ =	strace $0x8000004B  }
0xb9: {  	_ =	swait.ge [sflag:s29], $0x1  }
0xba: {  	[sflag:s29] =	ssyncadd.s32 $0xFFFFFFFF  }
0xbb: {  	_ =	strace $0x9000004B  }
0xbc: {  	_ =	sfence  }
0xbd: {  	s30 =	sld [smem:$0x0];
	_ =	sdelay $0x2  }
0xbe: {  	s31 =	sshll.u32 s1, $0xD;
	s1 =	sshrl.u32 s1, $0x2  }
0xbf: {  	s3 =	sand.u32 $0x4000, s31;
	s1 =	sadd.s32 s1, s30  }
0xc0: {  	s0 =	sor.u32 s3, s0;
	s1 =	sshll.u32 s1, $0x11  }
0xc1: {  	s0 =	sor.u32 s1, s0  }
0xc2: {  	s0 =	sadd.s32 $0x8F2B, s0  }
0xc3: {  	[sflag:s0] =	ssyncadd.remote.s32 $0x1  }
0xc4: {  	_ =	sfence.sel $0xFFFF  }
0xc5: {  	[dreg:$0x0] =	wrdreg $0xFFFFFFFF;
	(pc) =	sbr.abs _section_cstart, $3  }
0xc6: {  	[dreg:$0x1] =	wrdreg $0xFFFFFFFF  }
0xc7: {  	_ =	task.clear_ibuf [dreg:s7], $0x2FFFF;
	_ =	strace $0x9FFFFFFF  }
0xc8: {  	(tm) =	ssettm $0x7FFFFFFF  }
0xc9: {  	_ =	shalt  }
tec
execute0_lowered:
.L_overlay_start_1:
0x0: {  	(tag) =	ssettag $0x1  }
0x1: {  	s10 =	rddreg [dreg:$0x0]  }
0x2: {  	s12 =	rddreg [dreg:$0x1];
	s2 =	srdreg.scid  }
0x3: {  	s0 =	rddreg [dreg:$0x2];
	s1 =	stileid.u32;
	s14 =	sand.u32 $0x1, s2  }
0x4: {  	s2 =	simm.s32 $0x0;
	s3 =	sshll.u32 s1, $0x6;
	s4 =	sshll.u32 s14, $0x5  }
0x5: {  	[smem:$0x7FF] =	sst s2;
	s13 =	sor.u32 s4, s3  }
0x6: {  	_ =	strace $0x8000004A;
	s4 =	simm.s32 $0x3;
	s3 =	sadd.s32 s12, s13  }
0x7: {  	[tilespmem:s2], [sflag:$0x3] =	stream.linear.gather [hbm4b:s3+s2], $0x80, $0x38;
	[tilespmem:$0x4100] =	vst v63  }
0x8: {  	_ =	swait.ge [sflag:s4], $0x80  }
0x9: {  	s15 =	sadd.s32 $0x200, s10;
	[sflag:s4] =	ssyncset.done $0x0  }
0xa: {  	s6 =	simm.s32 $0x80;
	s5 =	sadd.s32 s15, s13;
	[sflag:s4] =	ssyncadd.s32 $0xFFFFFF80  }
0xb: {  	[tilespmem:s6], [sflag:$0x3] =	stream.linear.gather [hbm4b:s5+s2], $0x80, $0x38;
	[tilespmem:$0x4100] =	vst v63  }
0xc: {  	_ =	swait.ge [sflag:s4], $0x80  }
0xd: {  	s8 =	simm.s32 $0x100;
	[sflag:s4] =	ssyncset.done $0x0  }
0xe: {  	s9 =	simm.s32 $0x1;
	s7 =	sadd.s32 $0x600, s10;
	[sflag:s4] =	ssyncadd.s32 $0xFFFFFF80  }
0xf: {  	[tilespmem:s8], [sflag:$0x1] =	stream.indirect.gather [hbm4b:s7+s6], $0x80, s2, s6, $0xb8;
	[tilespmem:$0x4100] =	vst v63  }
0x10: {  	_ =	swait.ge [sflag:s9], $0x4000  }
0x11: {  	[sflag:s9] =	ssyncset.done $0x0  }
0x12: {  	s11 =	sadd.s32 $0x24600, s10;
	s10 =	simm.s32 $0x2;
	[sflag:s9] =	ssyncadd.s32 $0xFFFFC000  }
0x13: {  	[hbm4b:s11+s6] =	stream.indirect.scatter [tilespmem:s8], [sflag:$0x2], $0x80, s6, s6, $0xb8;
	[tilespmem:$0x4100] =	vst v63  }
0x14: {  	_ =	swait.ge [sflag:s10], $0x4000  }
0x15: {  	s13 =	sor.u32 $0x10, s13;
	[sflag:s10] =	ssyncset.done $0x0  }
0x16: {  	s12 =	sadd.s32 s12, s13;
	[sflag:s10] =	ssyncadd.s32 $0xFFFFC000  }
0x17: {  	[tilespmem:s2], [sflag:$0x3] =	stream.linear.gather [hbm4b:s12+s2], $0x80, $0x38;
	[tilespmem:$0x4100] =	vst v63  }
0x18: {  	_ =	swait.ge [sflag:s4], $0x80  }
0x19: {  	[sflag:s4] =	ssyncset.done $0x0  }
0x1a: {  	s14 =	ssub.s32 $0x2, s14;
	s13 =	sadd.s32 s15, s13;
	[sflag:s4] =	ssyncadd.s32 $0xFFFFFF80  }
0x1b: {  	[tilespmem:s6], [sflag:$0x3] =	stream.linear.gather [hbm4b:s13+s2], $0x80, $0x38;
	[tilespmem:$0x4100] =	vst v63  }
0x1c: {  	s31 =	sshrl.u32 s14, $0x1;
	_ =	swait.ge [sflag:s4], $0x80  }
0x1d: {  	s14 =	ssub.s32 s14, s31;
	[sflag:s4] =	ssyncset.done $0x0  }
0x1e: {  	s14 =	smax.u32 s14, $0x1;
	[sflag:s4] =	ssyncadd.s32 $0xFFFFFF80  }
0x1f: {  	[tilespmem:s8], [sflag:$0x1] =	stream.indirect.gather [hbm4b:s7+s6], $0x80, s2, s6, $0xb8;
	[tilespmem:$0x4100] =	vst v63  }
0x20: {  	p0 =	sne.s32 s14, $0x1;
	_ =	swait.ge [sflag:s9], $0x4000  }
.Ltmp0:
0x21: {  	[sflag:s9] =	ssyncset.done $0x0;
	(pc) =	sbr.rel @!p0 .LBB2_2-.Ltmp0, $4  }
0x22: {  	[sflag:s9] =	ssyncadd.s32 $0xFFFFC000  }
0x23: {  	[hbm4b:s11+s6] =	stream.indirect.scatter [tilespmem:s8], [sflag:$0x2], $0x80, s6, s6, $0xb8;
	[tilespmem:$0x4100] =	vst v63  }
0x24: {  	_ =	swait.ge [sflag:s10], $0x4000  }
0x25: {  	s14 =	sadd.s32 $0xFFFFFFFF, s14;
	[sflag:s10] =	ssyncset.done $0x0  }
.LBB2_1:
0x26: {  	p0 =	sne.s32 s14, $0x1;
	s14 =	sadd.s32 $0xFFFFFFFF, s14;
	[sflag:s10] =	ssyncadd.s32 $0xFFFFC000  }
0x27: {  	[tilespmem:s2], [sflag:$0x3] =	stream.linear.gather [hbm4b:s3+s2], $0x80, $0x38;
	[tilespmem:$0x4100] =	vst v63  }
0x28: {  	_ =	swait.ge [sflag:s4], $0x80  }
0x29: {  	[sflag:s4] =	ssyncset.done $0x0  }
0x2a: {  	[sflag:s4] =	ssyncadd.s32 $0xFFFFFF80  }
0x2b: {  	[tilespmem:s6], [sflag:$0x3] =	stream.linear.gather [hbm4b:s5+s2], $0x80, $0x38;
	[tilespmem:$0x4100] =	vst v63  }
0x2c: {  	_ =	swait.ge [sflag:s4], $0x80  }
0x2d: {  	[sflag:s4] =	ssyncset.done $0x0  }
0x2e: {  	[sflag:s4] =	ssyncadd.s32 $0xFFFFFF80  }
0x2f: {  	[tilespmem:s8], [sflag:$0x1] =	stream.indirect.gather [hbm4b:s7+s6], $0x80, s2, s6, $0xb8;
	[tilespmem:$0x4100] =	vst v63  }
0x30: {  	_ =	swait.ge [sflag:s9], $0x4000  }
0x31: {  	[sflag:s9] =	ssyncset.done $0x0  }
0x32: {  	[sflag:s9] =	ssyncadd.s32 $0xFFFFC000  }
0x33: {  	[hbm4b:s11+s6] =	stream.indirect.scatter [tilespmem:s8], [sflag:$0x2], $0x80, s6, s6, $0xb8;
	[tilespmem:$0x4100] =	vst v63  }
0x34: {  	_ =	swait.ge [sflag:s10], $0x4000  }
0x35: {  	[sflag:s10] =	ssyncset.done $0x0  }
0x36: {  	[sflag:s10] =	ssyncadd.s32 $0xFFFFC000  }
0x37: {  	[tilespmem:s2], [sflag:$0x3] =	stream.linear.gather [hbm4b:s12+s2], $0x80, $0x38;
	[tilespmem:$0x4100] =	vst v63  }
0x38: {  	_ =	swait.ge [sflag:s4], $0x80  }
0x39: {  	[sflag:s4] =	ssyncset.done $0x0  }
0x3a: {  	[sflag:s4] =	ssyncadd.s32 $0xFFFFFF80  }
0x3b: {  	[tilespmem:s6], [sflag:$0x3] =	stream.linear.gather [hbm4b:s13+s2], $0x80, $0x38;
	[tilespmem:$0x4100] =	vst v63  }
0x3c: {  	_ =	swait.ge [sflag:s4], $0x80  }
0x3d: {  	[sflag:s4] =	ssyncset.done $0x0  }
0x3e: {  	[sflag:s4] =	ssyncadd.s32 $0xFFFFFF80  }
0x3f: {  	[tilespmem:s8], [sflag:$0x1] =	stream.indirect.gather [hbm4b:s7+s6], $0x80, s2, s6, $0xb8;
	[tilespmem:$0x4100] =	vst v63  }
0x40: {  	_ =	swait.ge [sflag:s9], $0x4000  }
.Ltmp1:
0x41: {  	[sflag:s9] =	ssyncset.done $0x0;
	(pc) =	sbr.rel @p0 .LBB2_1-.Ltmp1, $4  }
0x42: {  	[sflag:s9] =	ssyncadd.s32 $0xFFFFC000  }
0x43: {  	[hbm4b:s11+s6] =	stream.indirect.scatter [tilespmem:s8], [sflag:$0x2], $0x80, s6, s6, $0xb8;
	[tilespmem:$0x4100] =	vst v63  }
0x44: {  	_ =	swait.ge [sflag:s10], $0x4000  }
0x45: {  	[sflag:s10] =	ssyncset.done $0x0  }
.LBB2_2:
0x46: {  	[sflag:s10] =	ssyncadd.s32 $0xFFFFC000  }
0x47: {  	_ =	sfence.sel $0x180000  }
0x48: {  	[bflag:$0x0] =	sbarrier.arrive $0xFFFF  }
0x49: {  	p0 =	sne.s32 s1, $0x0;
	_ =	strace $0x9000004A  }
0x4a: {  	s0 =	sadd.s32 @!p0 $0x100000, s0;
	[bflag:$0x2] =	sbarrier.arrive $0xFFFF  }
0x4b: {  	[sflag:s0] =	ssyncadd.tile.s32 @!p0 $0x1;
	_ =	shalt  }
.Lfunc_end2:
_tile_overlayer_lowered:
.L_overlay_start_2:
0x4c: {  	(tag) =	ssettag $0x2  }
0x4d: {  	s0 =	rddreg [dreg:$0x0];
	s2 =	stileid.u32  }
0x4e: {  	s1 =	rddreg [dreg:$0x1];
	p0 =	sne.s32 s2, $0x0  }
0x4f: {  	s3 =	rddreg [dreg:$0x2];
	[bflag:$0x3] =	sbarrier.arrive $0xFFFF;
	s2 =	simm.s32 @!p0 $0x1C03  }
0x50: {  	[timem:s3], [sflag:s2] =	dma.local @!p0 [hbm:s0], s1  }
0x51: {  	s0 =	simm.s32 @!p0 $0x3  }
0x52: {  	_ =	swait.ge @!p0 [sflag:s0], s1  }
0x53: {  	s1 =	ssub.s32 @!p0 $0x0, s1;
	[sflag:s0] =	ssyncset.done @!p0 $0x0  }
0x54: {  	[sflag:s0] =	ssyncadd.s32 @!p0 s1  }
0x55: {  	[bflag:$0x3] =	sbarrier.arrive $0xFFFF  }
0x56: {  	_ =	shalt  }

// kernel: branch_1_fun.7.cloned.1.call-start
scs
__scs_entry_jumppad:
0x0: {  	(pc) =	sbr.rel $0x88, $3  }
0x1: {  	(tag) =	ssettag $0x0;
	lr =	simm.s32 $0x1  }
0x2: {  	[smem:$0x3F96] =	sst lr;
	_ =	strace $0xD0000000  }
0x3: {  	_ = 	snop  }
0x4: {  	_ = 	snop  }
0x5: {  	_ = 	snop  }
0x6: {  	_ = 	snop  }
0x7: {  	_ = 	snop  }
__scs_overlays_trampoline_lowered:
0x8: {  	[smem:$0x3FA5] =	sst s0  }
0x9: {  	[smem:$0x3FA6] =	sst s1  }
0xa: {  	[smem:$0x3FA7] =	sst s2  }
0xb: {  	[smem:$0x3FA8] =	sst s3  }
0xc: {  	[smem:$0x3FA9] =	sst s4  }
0xd: {  	[smem:$0x3FAA] =	sst s5  }
0xe: {  	[smem:$0x3FAB] =	sst s6  }
0xf: {  	[smem:$0x3FAC] =	sst s7  }
0x10: {  	[smem:$0x3FAD] =	sst s8  }
0x11: {  	[smem:$0x3FAE] =	sst s9;
	s0 =	simm.s32 @!p0 $0x0  }
0x12: {  	s1 =	sld [smem:$0x3F94];
	s0 =	simm.s32 @p0 $0x1  }
0x13: {  	[smem:$0x3FAF] =	sst s0;
	s0 =	simm.s32 @!p1 $0x0  }
0x14: {  	s2 =	sld [smem:$0x3F93];
	s0 =	simm.s32 @p1 $0x1  }
0x15: {  	[smem:$0x3FB0] =	sst s0;
	s0 =	simm.s32 @!p2 $0x0  }
0x16: {  	s3 =	sld [smem:$0x3FDB];
	s0 =	simm.s32 @p2 $0x1  }
0x17: {  	s4 =	simm.s32 $0x1BF5;
	[smem:$0x3FB2] =	sst s0  }
0x18: {  	s0 =	sld [smem:$0x3F95];
	_ =	swait.ge [sflag:s4], $0x0  }
0x19: {  	s7 =	sld [smem:$0x3F96]  }
0x1a: {  	s8 =	sadd.s32 $0xFFFFE003, lr  }
0x1b: {  	s9 =	sadd.s32 $0xFFFFFEF7, lr;
	s5 =	simm.s32 $0xFFFFFFFF;
	p2 =	slt.u32 s8, $0xFFFFF086  }
0x1c: {  	p1 =	slt.u32 s9, $0xF7A;
	s5 =	simm.s32 @!p2 $0x0  }
0x1d: {  	s5 =	simm.s32 @p1 $0x1;
	p0 =	seq.s32 s7, s2  }
0x1e: {  	s7 =	smul.u32 @!p0 $0xF7A, s2;
	p2 =	seq.s32 @!p0 s5, $0x0  }
0x1f: {  	s9 =	smul.u32 $0xF7A, s1;
	s8 =	simm.s32 @!p0 $0x1BF5;
	p2 =	por !p2, p0  }
0x20: {  	[sflag:s8] =	ssyncset.s32 @!p0 $0xFFFFF086;
	s6 =	sadd.s32 @!p0 s3, s7;
	s7 =	simm.s32 @!p0 $0x108  }
0x21: {  	s3 =	sadd.s32 s3, s9;
	s6 =	sadd.s32 @!p0 $0x88, s6;
	s7 =	simm.s32 @p2 $0x1082  }
0x22: {  	[simem:s7], [sflag:s8] =	dma.local @!p0 [hbm:s6], $0xF7A  }
0x23: {  	s9 =	sor.u32 $0xD0000000, s2;
	s6 =	simm.s32 $0x108;
	_ =	swait.ge @!p0 [sflag:s8], $0x0  }
0x24: {  	s3 =	sadd.s32 $0x88, s3;
	s6 =	simm.s32 @!p1 $0x1082;
	[sflag:s4] =	ssyncset.s32 $0xFFFFF086  }
0x25: {  	[simem:s6], [sflag:s4] =	dma.local [hbm:s3], $0xF7A  }
0x26: {  	[smem:$0x3F96] =	sst s1;
	(tag) =	ssettag s2;
	_ =	strace s9  }
0x27: {  	s1 =	sld [smem:$0x3FA6]  }
0x28: {  	s2 =	sld [smem:$0x3FA7]  }
0x29: {  	s4 =	sld [smem:$0x3FA9]  }
0x2a: {  	p0 =	seq.s32 s5, $0x0;
	s5 =	sld [smem:$0x3FAA]  }
0x2b: {  	s6 =	sld [smem:$0x3FAB]  }
0x2c: {  	s7 =	sld [smem:$0x3FAC]  }
0x2d: {  	s3 =	simm.s32 $0x108;
	s8 =	sld [smem:$0x3FAD]  }
0x2e: {  	s3 =	simm.s32 @!p0 $0x1082;
	s9 =	sld [smem:$0x3FAE]  }
0x2f: {  	lr =	sadd.s32 s0, s3;
	s0 =	sld [smem:$0x3FA5]  }
0x30: {  	s3 =	sld [smem:$0x3FA8]  }
0x31: {  	[smem:$0x3FB1] =	sst s10  }
0x32: {  	s10 =	sld [smem:$0x3FAF];
	_ =	sdelay $0x3  }
0x33: {  	p0 =	seq.s32 s10, $0x1;
	s10 =	sld [smem:$0x3FB1];
	_ =	sdelay $0x3  }
0x34: {  	[smem:$0x3FB1] =	sst s10  }
0x35: {  	s10 =	sld [smem:$0x3FB0];
	_ =	sdelay $0x3  }
0x36: {  	p1 =	seq.s32 s10, $0x1;
	s10 =	sld [smem:$0x3FB1];
	_ =	sdelay $0x3  }
0x37: {  	[smem:$0x3FB1] =	sst s10  }
0x38: {  	s10 =	sld [smem:$0x3FB2]  }
0x39: {  	_ = 	snop;
	(pc) =	sbr.ind lr, $3  }
0x3a: {  	_ = 	snop  }
0x3b: {  	_ = 	snop  }
0x3c: {  	p2 =	seq.s32 s10, $0x1;
	s10 =	sld [smem:$0x3FB1]  }
0x3d: {  	_ =	shalt  }
0x3e: {  	_ =	shalt  }
0x3f: {  	_ =	shalt  }
0x40: {  	_ =	shalt  }
0x41: {  	_ =	shalt  }
0x42: {  	_ =	shalt  }
0x43: {  	_ =	shalt  }
0x44: {  	_ =	shalt  }
0x45: {  	_ =	shalt  }
0x46: {  	_ =	shalt  }
0x47: {  	_ =	shalt  }
0x48: {  	_ =	shalt  }
0x49: {  	_ =	shalt  }
0x4a: {  	_ =	shalt  }
0x4b: {  	_ =	shalt  }
0x4c: {  	_ =	shalt  }
0x4d: {  	_ =	shalt  }
0x4e: {  	_ =	shalt  }
0x4f: {  	_ =	shalt  }
0x50: {  	_ =	shalt  }
0x51: {  	_ =	shalt  }
0x52: {  	_ =	shalt  }
0x53: {  	_ =	shalt  }
0x54: {  	_ =	shalt  }
0x55: {  	_ =	shalt  }
0x56: {  	_ =	shalt  }
0x57: {  	_ =	shalt  }
0x58: {  	_ =	shalt  }
0x59: {  	_ =	shalt  }
0x5a: {  	_ =	shalt  }
0x5b: {  	_ =	shalt  }
0x5c: {  	_ =	shalt  }
0x5d: {  	_ =	shalt  }
0x5e: {  	_ =	shalt  }
0x5f: {  	_ =	shalt  }
0x60: {  	_ =	shalt  }
0x61: {  	_ =	shalt  }
0x62: {  	_ =	shalt  }
0x63: {  	_ =	shalt  }
0x64: {  	_ =	shalt  }
0x65: {  	_ =	shalt  }
0x66: {  	_ =	shalt  }
0x67: {  	_ =	shalt  }
0x68: {  	_ =	shalt  }
0x69: {  	_ =	shalt  }
0x6a: {  	_ =	shalt  }
0x6b: {  	_ =	shalt  }
0x6c: {  	_ =	shalt  }
0x6d: {  	_ =	shalt  }
0x6e: {  	_ =	shalt  }
0x6f: {  	_ =	shalt  }
0x70: {  	_ =	shalt  }
0x71: {  	_ =	shalt  }
0x72: {  	_ =	shalt  }
0x73: {  	_ =	shalt  }
0x74: {  	_ =	shalt  }
0x75: {  	_ =	shalt  }
0x76: {  	_ =	shalt  }
0x77: {  	_ =	shalt  }
0x78: {  	_ =	shalt  }
0x79: {  	_ =	shalt  }
0x7a: {  	_ =	shalt  }
0x7b: {  	_ =	shalt  }
0x7c: {  	_ =	shalt  }
0x7d: {  	_ =	shalt  }
0x7e: {  	_ =	shalt  }
0x7f: {  	_ =	shalt  }
0x80: {  	_ =	shalt  }
0x81: {  	_ =	shalt  }
0x82: {  	_ =	shalt  }
0x83: {  	_ =	shalt  }
0x84: {  	_ =	shalt  }
0x85: {  	_ =	shalt  }
0x86: {  	_ =	shalt  }
0x87: {  	_ =	shalt  }
.Lfunc_end0:
.L_simem_size_0:
called_computation.2_lowered:
.L_overlay_start_0:
0x88: {  	s2 =	sld [smem:$0x3FD9]  }
0x89: {  	s3 =	sld [smem:$0x3FFE];
	_ =	sdelay $0x1  }
0x8a: {  	s1 =	srdreg.scid  }
0x8b: {  	s0 =	sand.u32 $0x1, s1  }
0x8c: {  	s14 =	sshll.u32 s0, $0xA;
	s2 =	sadd.s32 s3, s2  }
0x8d: {  	s2 =	sadd.s32 s2, s14  }
0x8e: {  	[smem:$0x3FBD] =	sst s2  }
0x8f: {  	_ = 	snop  }
0x90: {  	s2 =	sld [smem:$0x3FD0];
	_ =	sdelay $0x2  }
0x91: {  	s15 =	simm.s32 $0xA;
	s4 =	simm.s32 $0x10  }
0x92: {  	[smem:s4], [sflag:s15] =	dma.local [hbm:s2], $0x1  }
0x93: {  	_ =	swait.eq [sflag:s15], $0x1  }
0x94: {  	[sflag:s15] =	ssyncset.done $0x0  }
0x95: {  	[sflag:s15] =	ssyncadd.s32 $0xFFFFFFFF  }
0x96: {  	s16 =	sld [smem:$0x10];
	(tm) =	ssettm $0x1  }
0x97: {  	s17 =	sld [smem:$0x3FFB];
	_ =	sdelay $0x3  }
0x98: {  	_ =	strace s17  }
0x99: {  	s3 =	sld [smem:$0x3FFC];
	_ =	sdelay $0x3  }
0x9a: {  	_ =	strace s3  }
0x9b: {  	s3 =	sld [smem:$0x3FFD];
	_ =	sdelay $0x3  }
0x9c: {  	_ =	strace s3  }
0x9d: {  	_ =	strace $0x8FFFFFFF  }
0x9e: {  	s18 =	sld [smem:$0x3FDB];
	_ =	sdelay $0x1  }
0x9f: {  	s19 =	simm.s32 $_scs_section_size  }
0xa0: {  	s5 =	simm.s32 $_size__tile_overlayer_lowered;
	s6 =	simm.s32 $_tile_overlayer_lowered  }
0xa1: {  	s22 =	simm.s32 $0x1BFF;
	s21 =	sshll.u32 s6, $0x1;
	s3 =	sadd.s32 s19, s18  }
0xa2: {  	s7 =	simm.s32 $0x0;
	s20 =	sshll.u32 s5, $0x1;
	s5 =	sadd.s32 s21, s3  }
0xa3: {  	[timem:s7], [sflag:s22] =	dma.local [hbm:s5], s20  }
0xa4: {  	_ =	swait.ge [sflag:s22], s20  }
0xa5: {  	s4 =	ssub.s32 $0x0, s20;
	[sflag:s22] =	ssyncset.done $0x0  }
0xa6: {  	[sflag:s22] =	ssyncadd.s32 s4;
	_ =	sdelay $0x1  }
0xa7: {  	s23 =	simm.s32 $0x1B8B  }
0xa8: {  	_ =	swait.ge [sflag:s23], $0x1  }
0xa9: {  	[sflag:s23] =	ssyncset.done $0x0  }
0xaa: {  	s25 =	simm.s32 $0x1B8E;
	s24 =	sld [smem:$0x3FFE];
	[sflag:s23] =	ssyncadd.s32 $0xFFFFFFFF  }
0xab: {  	s26 =	simm.s32 $execute0_lowered;
	[smem:$0x3FD2] =	sst s25  }
0xac: {  	s5 =	sshll.u32 s26, $0x1;
	_ =	strace $0x80000046;
	[dreg:$0x1] =	wrdreg $0xFFFFFFFF  }
0xad: {  	s28 =	simm.s32 $_size_execute0_lowered;
	s3 =	sadd.s32 s3, s5;
	[dreg:$0x0] =	wrdreg $0x0  }
0xae: {  	s5 =	sshll.u32 s28, $0x1;
	[dreg:$0x2] =	wrdreg s3  }
0xaf: {  	[dreg:$0x3] =	wrdreg s5  }
0xb0: {  	[dreg:$0x4] =	wrdreg $0xC0  }
0xb1: {  	_ =	task [dreg:s7], $0x5FFFF  }
0xb2: {  	[dreg:$0x1] =	wrdreg $0xFFFFFFFF  }
0xb3: {  	[dreg:$0x0] =	wrdreg $0x60  }
0xb4: {  	[dreg:$0x2] =	wrdreg s24  }
0xb5: {  	[dreg:$0x3] =	wrdreg s16  }
0xb6: {  	[dreg:$0x4] =	wrdreg $0x9  }
0xb7: {  	_ =	task.clear_ibuf [dreg:s7], $0x5FFFF;
	_ =	strace $0x90000046  }
0xb8: {  	s29 =	simm.s32 $0x9;
	_ =	strace $0x80000048  }
0xb9: {  	_ =	swait.ge [sflag:s29], $0x1  }
0xba: {  	[sflag:s29] =	ssyncadd.s32 $0xFFFFFFFF  }
0xbb: {  	_ =	strace $0x90000048  }
0xbc: {  	_ =	sfence  }
0xbd: {  	s30 =	sld [smem:$0x0];
	_ =	sdelay $0x2  }
0xbe: {  	s31 =	sshll.u32 s1, $0xD;
	s1 =	sshrl.u32 s1, $0x2  }
0xbf: {  	s3 =	sand.u32 $0x4000, s31;
	s1 =	sadd.s32 s1, s30  }
0xc0: {  	s0 =	sor.u32 s3, s0;
	s1 =	sshll.u32 s1, $0x11  }
0xc1: {  	s0 =	sor.u32 s1, s0  }
0xc2: {  	s0 =	sadd.s32 $0x8F2B, s0  }
0xc3: {  	[sflag:s0] =	ssyncadd.remote.s32 $0x1  }
0xc4: {  	_ =	sfence.sel $0xFFFF  }
0xc5: {  	[dreg:$0x0] =	wrdreg $0xFFFFFFFF;
	(pc) =	sbr.abs _section_cstart, $3  }
0xc6: {  	[dreg:$0x1] =	wrdreg $0xFFFFFFFF  }
0xc7: {  	_ =	task.clear_ibuf [dreg:s7], $0x2FFFF;
	_ =	strace $0x9FFFFFFF  }
0xc8: {  	(tm) =	ssettm $0x7FFFFFFF  }
0xc9: {  	_ =	shalt  }
tec
execute0_lowered:
.L_overlay_start_1:
0x0: {  	(tag) =	ssettag $0x1  }
0x1: {  	s0 =	rddreg [dreg:$0x0]  }
0x2: {  	s1 =	rddreg [dreg:$0x1];
	s2 =	simm.s32 $0x0;
	s3 =	srdreg.scid  }
0x3: {  	s5 =	stileid.u32;
	[smem:$0x7FF] =	sst s2  }
0x4: {  	s4 =	sand.u32 $0x1, s3;
	s3 =	sadd.s32 $0x600, s0;
	s5 =	sshll.u32 s5, $0x6  }
0x5: {  	s7 =	sadd.s32 $0x200, s0;
	_ =	strace $0x80000047;
	s6 =	sshll.u32 s4, $0x5  }
0x6: {  	s8 =	ssub.s32 $0x2, s4;
	s4 =	sadd.s32 $0x80600, s0;
	s5 =	sor.u32 s6, s5  }
0x7: {  	s29 =	sshrl.u32 s8, $0x1;
	s6 =	sadd.s32 $0x80700, s0;
	s9 =	sadd.s32 s7, s5  }
0x8: {  	s30 =	sadd.s32 s1, s5;
	s10 =	sor.u32 $0x10, s5;
	[dreg:$0x3] =	wrdreg s9  }
0x9: {  	v2 =	vlaneseq.u32;
	s8 =	ssub.s32 s8, s29;
	[dreg:$0x4] =	wrdreg s30;
	s31 =	sadd.s32 s7, s10  }
0xa: {  	vm0 =	vmmov $0xffff;
	v1 =	vshrl.u32 v2, $0x3;
	s5 =	sadd.s32 $0x700, s0;
	s1 =	sadd.s32 s1, s10;
	[dreg:$0x5] =	wrdreg s31  }
0xb: {  	v0 =	vand.u32 $0x7, v2;
	v2 =	vor.u32 $0x8, v2;
	v1 =	vmul.u32 $0x8, v1;
	s7 =	smax.u32 s8, $0x1;
	s8 =	simm.s32 $0x3;
	[dreg:$0x6] =	wrdreg s1  }
.LBB2_1:
0xc: {  	s20 =	rddreg [dreg:$0x3]  }
0xd: {  	[tilespmem:s2], [sflag:$0x3] =	stream.linear.gather [hbm4b:s20+s2], $0x80, $0x38;
	[tilespmem:$0x10100] =	vst v63  }
0xe: {  	_ =	swait.ge [sflag:s8], $0x80  }
0xf: {  	[sflag:s8] =	ssyncset.done $0x0  }
0x10: {  	s0 =	simm.s32 $0x80;
	s14 =	rddreg [dreg:$0x4];
	[sflag:s8] =	ssyncadd.s32 $0xFFFFFF80  }
0x11: {  	[tilespmem:s0], [sflag:$0x3] =	stream.linear.gather [hbm4b:s14+s2], $0x80, $0x38;
	[tilespmem:$0x10100] =	vst v63  }
0x12: {  	_ =	swait.ge [sflag:s8], $0x80  }
0x13: {  	[sflag:s8] =	ssyncset.done $0x0  }
0x14: {  	[sflag:s8] =	ssyncadd.s32 $0xFFFFFF80  }
0x15: {  	v3 =	vld [tilespmem:$0x0];
	_ =	sdelay $0x4  }
0x16: {  	v4 =	vshll.u32 v3, $0x2  }
0x17: {  	v3 =	vand.u32 $0x7, v3;
	v4 =	vand.u32 $0xFFFFFFE0, v4  }
0x18: {  	v3 =	vor.u32 v3, v4  }
0x19: {  	v4 =	vperm.xlane v3, v0;
	_ =	sdelay $0x1  }
0x1a: {  	v4 =	vadd.s32 v1, v4;
	_ =	sdelay $0x1  }
0x1b: {  	v3 =	vperm.xlane v3, v2;
	_ =	sdelay $0x1  }
0x1c: {  	s15 =	simm.s32 $0x100;
	v3 =	vadd.s32 v1, v3  }
0x1d: {  	[tilespmem:s15], [sflag:$0x1] =	stream.indirect_vreg.gather [hbm4b:s3+s2], $0x80, v4, vm0, $0xb8;
	[tilespmem:$0x10100] =	vst v63  }
0x1e: {  	s16 =	simm.s32 $0x900  }
0x1f: {  	[tilespmem:s16], [sflag:$0x1] =	stream.indirect_vreg.gather [hbm4b:s5+s2], $0x80, v4, vm0, $0xb8;
	[tilespmem:$0x10100] =	vst v63  }
0x20: {  	s17 =	simm.s32 $0x1100  }
0x21: {  	[tilespmem:s17], [sflag:$0x1] =	stream.indirect_vreg.gather [hbm4b:s3+s2], $0x80, v3, vm0, $0xb8;
	[tilespmem:$0x10100] =	vst v63  }
0x22: {  	s18 =	simm.s32 $0x1900  }
0x23: {  	[tilespmem:s18], [sflag:$0x1] =	stream.indirect_vreg.gather [hbm4b:s5+s2], $0x80, v3, vm0, $0xb8;
	[tilespmem:$0x10100] =	vst v63  }
0x24: {  	v3 =	vld [tilespmem:$0x10];
	_ =	sdelay $0x4  }
0x25: {  	v33 =	vshll.u32 v3, $0x2  }
0x26: {  	v3 =	vand.u32 $0x7, v3;
	v4 =	vand.u32 $0xFFFFFFE0, v33  }
0x27: {  	v3 =	vor.u32 v3, v4  }
0x28: {  	v4 =	vperm.xlane v3, v0;
	_ =	sdelay $0x1  }
0x29: {  	v4 =	vadd.s32 v1, v4;
	_ =	sdelay $0x1  }
0x2a: {  	v3 =	vperm.xlane v3, v2;
	_ =	sdelay $0x1  }
0x2b: {  	s19 =	simm.s32 $0x2100;
	v3 =	vadd.s32 v1, v3  }
0x2c: {  	[tilespmem:s19], [sflag:$0x1] =	stream.indirect_vreg.gather [hbm4b:s3+s2], $0x80, v4, vm0, $0xb8;
	[tilespmem:$0x10100] =	vst v63  }
0x2d: {  	s20 =	simm.s32 $0x2900  }
0x2e: {  	[tilespmem:s20], [sflag:$0x1] =	stream.indirect_vreg.gather [hbm4b:s5+s2], $0x80, v4, vm0, $0xb8;
	[tilespmem:$0x10100] =	vst v63  }
0x2f: {  	s21 =	simm.s32 $0x3100  }
0x30: {  	[tilespmem:s21], [sflag:$0x1] =	stream.indirect_vreg.gather [hbm4b:s3+s2], $0x80, v3, vm0, $0xb8;
	[tilespmem:$0x10100] =	vst v63  }
0x31: {  	s22 =	simm.s32 $0x3900  }
0x32: {  	[tilespmem:s22], [sflag:$0x1] =	stream.indirect_vreg.gather [hbm4b:s5+s2], $0x80, v3, vm0, $0xb8;
	[tilespmem:$0x10100] =	vst v63  }
0x33: {  	v3 =	vld [tilespmem:$0x20];
	_ =	sdelay $0x4  }
0x34: {  	v34 =	vshll.u32 v3, $0x2  }
0x35: {  	v3 =	vand.u32 $0x7, v3;
	v4 =	vand.u32 $0xFFFFFFE0, v34  }
0x36: {  	v3 =	vor.u32 v3, v4  }
0x37: {  	v4 =	vperm.xlane v3, v0;
	_ =	sdelay $0x1  }
0x38: {  	v4 =	vadd.s32 v1, v4;
	_ =	sdelay $0x1  }
0x39: {  	v3 =	vperm.xlane v3, v2;
	_ =	sdelay $0x1  }
0x3a: {  	s23 =	simm.s32 $0x4100;
	v3 =	vadd.s32 v1, v3  }
0x3b: {  	[tilespmem:s23], [sflag:$0x1] =	stream.indirect_vreg.gather [hbm4b:s3+s2], $0x80, v4, vm0, $0xb8;
	[tilespmem:$0x10100] =	vst v63  }
0x3c: {  	s24 =	simm.s32 $0x4900  }
0x3d: {  	[tilespmem:s24], [sflag:$0x1] =	stream.indirect_vreg.gather [hbm4b:s5+s2], $0x80, v4, vm0, $0xb8;
	[tilespmem:$0x10100] =	vst v63  }
0x3e: {  	s25 =	simm.s32 $0x5100  }
0x3f: {  	[tilespmem:s25], [sflag:$0x1] =	stream.indirect_vreg.gather [hbm4b:s3+s2], $0x80, v3, vm0, $0xb8;
	[tilespmem:$0x10100] =	vst v63  }
0x40: {  	s1 =	simm.s32 $0x5900  }
0x41: {  	[tilespmem:s1], [sflag:$0x1] =	stream.indirect_vreg.gather [hbm4b:s5+s2], $0x80, v3, vm0, $0xb8;
	[tilespmem:$0x10100] =	vst v63  }
0x42: {  	v3 =	vld [tilespmem:$0x30];
	_ =	sdelay $0x4  }
0x43: {  	v35 =	vshll.u32 v3, $0x2  }
0x44: {  	v3 =	vand.u32 $0x7, v3;
	v4 =	vand.u32 $0xFFFFFFE0, v35  }
0x45: {  	v3 =	vor.u32 v3, v4  }
0x46: {  	v4 =	vperm.xlane v3, v0;
	_ =	sdelay $0x1  }
0x47: {  	v4 =	vadd.s32 v1, v4;
	_ =	sdelay $0x1  }
0x48: {  	v3 =	vperm.xlane v3, v2;
	_ =	sdelay $0x1  }
0x49: {  	s9 =	simm.s32 $0x6100;
	v3 =	vadd.s32 v1, v3  }
0x4a: {  	[tilespmem:s9], [sflag:$0x1] =	stream.indirect_vreg.gather [hbm4b:s3+s2], $0x80, v4, vm0, $0xb8;
	[tilespmem:$0x10100] =	vst v63  }
0x4b: {  	s11 =	simm.s32 $0x6900  }
0x4c: {  	[tilespmem:s11], [sflag:$0x1] =	stream.indirect_vreg.gather [hbm4b:s5+s2], $0x80, v4, vm0, $0xb8;
	[tilespmem:$0x10100] =	vst v63  }
0x4d: {  	s12 =	simm.s32 $0x7100  }
0x4e: {  	[tilespmem:s12], [sflag:$0x1] =	stream.indirect_vreg.gather [hbm4b:s3+s2], $0x80, v3, vm0, $0xb8;
	[tilespmem:$0x10100] =	vst v63  }
0x4f: {  	s15 =	simm.s32 $0x7900  }
0x50: {  	[tilespmem:s15], [sflag:$0x1] =	stream.indirect_vreg.gather [hbm4b:s5+s2], $0x80, v3, vm0, $0xb8;
	[tilespmem:$0x10100] =	vst v63  }
0x51: {  	v3 =	vld [tilespmem:$0x40];
	_ =	sdelay $0x4  }
0x52: {  	v36 =	vshll.u32 v3, $0x2  }
0x53: {  	v3 =	vand.u32 $0x7, v3;
	v4 =	vand.u32 $0xFFFFFFE0, v36  }
0x54: {  	v3 =	vor.u32 v3, v4  }
0x55: {  	v4 =	vperm.xlane v3, v0;
	_ =	sdelay $0x1  }
0x56: {  	v4 =	vadd.s32 v1, v4;
	_ =	sdelay $0x1  }
0x57: {  	v3 =	vperm.xlane v3, v2;
	_ =	sdelay $0x1  }
0x58: {  	s19 =	simm.s32 $0x8100;
	v3 =	vadd.s32 v1, v3  }
0x59: {  	[tilespmem:s19], [sflag:$0x1] =	stream.indirect_vreg.gather [hbm4b:s3+s2], $0x80, v4, vm0, $0xb8;
	[tilespmem:$0x10100] =	vst v63  }
0x5a: {  	s21 =	simm.s32 $0x8900  }
0x5b: {  	[tilespmem:s21], [sflag:$0x1] =	stream.indirect_vreg.gather [hbm4b:s5+s2], $0x80, v4, vm0, $0xb8;
	[tilespmem:$0x10100] =	vst v63  }
0x5c: {  	s22 =	simm.s32 $0x9100  }
0x5d: {  	[tilespmem:s22], [sflag:$0x1] =	stream.indirect_vreg.gather [hbm4b:s3+s2], $0x80, v3, vm0, $0xb8;
	[tilespmem:$0x10100] =	vst v63  }
0x5e: {  	s23 =	simm.s32 $0x9900  }
0x5f: {  	[tilespmem:s23], [sflag:$0x1] =	stream.indirect_vreg.gather [hbm4b:s5+s2], $0x80, v3, vm0, $0xb8;
	[tilespmem:$0x10100] =	vst v63  }
0x60: {  	v3 =	vld [tilespmem:$0x50];
	_ =	sdelay $0x4  }
0x61: {  	v37 =	vshll.u32 v3, $0x2  }
0x62: {  	v3 =	vand.u32 $0x7, v3;
	v4 =	vand.u32 $0xFFFFFFE0, v37  }
0x63: {  	v3 =	vor.u32 v3, v4  }
0x64: {  	v4 =	vperm.xlane v3, v0;
	_ =	sdelay $0x1  }
0x65: {  	v4 =	vadd.s32 v1, v4;
	_ =	sdelay $0x1  }
0x66: {  	v3 =	vperm.xlane v3, v2;
	_ =	sdelay $0x1  }
0x67: {  	s24 =	simm.s32 $0xA100;
	v3 =	vadd.s32 v1, v3  }
0x68: {  	[tilespmem:s24], [sflag:$0x1] =	stream.indirect_vreg.gather [hbm4b:s3+s2], $0x80, v4, vm0, $0xb8;
	[tilespmem:$0x10100] =	vst v63  }
0x69: {  	s25 =	simm.s32 $0xA900  }
0x6a: {  	[tilespmem:s25], [sflag:$0x1] =	stream.indirect_vreg.gather [hbm4b:s5+s2], $0x80, v4, vm0, $0xb8;
	[tilespmem:$0x10100] =	vst v63  }
0x6b: {  	s1 =	simm.s32 $0xB100  }
0x6c: {  	[tilespmem:s1], [sflag:$0x1] =	stream.indirect_vreg.gather [hbm4b:s3+s2], $0x80, v3, vm0, $0xb8;
	[tilespmem:$0x10100] =	vst v63  }
0x6d: {  	s9 =	simm.s32 $0xB900  }
0x6e: {  	[tilespmem:s9], [sflag:$0x1] =	stream.indirect_vreg.gather [hbm4b:s5+s2], $0x80, v3, vm0, $0xb8;
	[tilespmem:$0x10100] =	vst v63  }
0x6f: {  	v3 =	vld [tilespmem:$0x60];
	_ =	sdelay $0x4  }
0x70: {  	v38 =	vshll.u32 v3, $0x2  }
0x71: {  	v3 =	vand.u32 $0x7, v3;
	v4 =	vand.u32 $0xFFFFFFE0, v38  }
0x72: {  	v3 =	vor.u32 v3, v4  }
0x73: {  	v4 =	vperm.xlane v3, v0;
	_ =	sdelay $0x1  }
0x74: {  	v4 =	vadd.s32 v1, v4;
	_ =	sdelay $0x1  }
0x75: {  	v3 =	vperm.xlane v3, v2;
	_ =	sdelay $0x1  }
0x76: {  	s15 =	simm.s32 $0xC100;
	v3 =	vadd.s32 v1, v3  }
0x77: {  	[tilespmem:s15], [sflag:$0x1] =	stream.indirect_vreg.gather [hbm4b:s3+s2], $0x80, v4, vm0, $0xb8;
	[tilespmem:$0x10100] =	vst v63  }
0x78: {  	s9 =	simm.s32 $0xC900  }
0x79: {  	[tilespmem:s9], [sflag:$0x1] =	stream.indirect_vreg.gather [hbm4b:s5+s2], $0x80, v4, vm0, $0xb8;
	[tilespmem:$0x10100] =	vst v63  }
0x7a: {  	s15 =	simm.s32 $0xD100  }
0x7b: {  	[tilespmem:s15], [sflag:$0x1] =	stream.indirect_vreg.gather [hbm4b:s3+s2], $0x80, v3, vm0, $0xb8;
	[tilespmem:$0x10100] =	vst v63  }
0x7c: {  	s9 =	simm.s32 $0xD900  }
0x7d: {  	[tilespmem:s9], [sflag:$0x1] =	stream.indirect_vreg.gather [hbm4b:s5+s2], $0x80, v3, vm0, $0xb8;
	[tilespmem:$0x10100] =	vst v63  }
0x7e: {  	v3 =	vld [tilespmem:$0x70];
	_ =	sdelay $0x4  }
0x7f: {  	v39 =	vshll.u32 v3, $0x2  }
0x80: {  	v3 =	vand.u32 $0x7, v3;
	v4 =	vand.u32 $0xFFFFFFE0, v39  }
0x81: {  	v3 =	vor.u32 v3, v4  }
0x82: {  	v4 =	vperm.xlane v3, v0;
	_ =	sdelay $0x1  }
0x83: {  	v4 =	vadd.s32 v1, v4;
	_ =	sdelay $0x1  }
0x84: {  	v3 =	vperm.xlane v3, v2;
	_ =	sdelay $0x1  }
0x85: {  	s15 =	simm.s32 $0xE100;
	v3 =	vadd.s32 v1, v3  }
0x86: {  	[tilespmem:s15], [sflag:$0x1] =	stream.indirect_vreg.gather [hbm4b:s3+s2], $0x80, v4, vm0, $0xb8;
	[tilespmem:$0x10100] =	vst v63  }
0x87: {  	s15 =	simm.s32 $0xE900  }
0x88: {  	[tilespmem:s15], [sflag:$0x1] =	stream.indirect_vreg.gather [hbm4b:s5+s2], $0x80, v4, vm0, $0xb8;
	[tilespmem:$0x10100] =	vst v63  }
0x89: {  	s15 =	simm.s32 $0xF100  }
0x8a: {  	[tilespmem:s15], [sflag:$0x1] =	stream.indirect_vreg.gather [hbm4b:s3+s2], $0x80, v3, vm0, $0xb8;
	[tilespmem:$0x10100] =	vst v63  }
0x8b: {  	s0 =	simm.s32 $0x1;
	s15 =	simm.s32 $0xF900  }
0x8c: {  	[tilespmem:s15], [sflag:$0x1] =	stream.indirect_vreg.gather [hbm4b:s5+s2], $0x80, v3, vm0, $0xb8;
	[tilespmem:$0x10100] =	vst v63  }
0x8d: {  	_ =	swait.ge [sflag:s0], $0x10000  }
0x8e: {  	[sflag:s0] =	ssyncset.done $0x0  }
0x8f: {  	[sflag:s0] =	ssyncadd.s32 $0xFFFF0000  }
0x90: {  	v3 =	vld [tilespmem:$0x80];
	_ =	sdelay $0x4  }
0x91: {  	v40 =	vshll.u32 v3, $0x2  }
0x92: {  	v3 =	vand.u32 $0x7, v3;
	v4 =	vand.u32 $0xFFFFFFE0, v40  }
0x93: {  	v3 =	vor.u32 v3, v4  }
0x94: {  	v4 =	vperm.xlane v3, v0;
	_ =	sdelay $0x1  }
0x95: {  	v4 =	vadd.s32 v1, v4;
	_ =	sdelay $0x1  }
0x96: {  	v3 =	vperm.xlane v3, v2;
	_ =	sdelay $0x1  }
0x97: {  	s26 =	simm.s32 $0x100;
	v3 =	vadd.s32 v1, v3  }
0x98: {  	[hbm4b:s4+s2] =	stream.indirect_vreg.scatter [tilespmem:s26], [sflag:$0x2], $0x80, v4, vm0, $0xb8;
	[tilespmem:$0x10100] =	vst v63  }
0x99: {  	s28 =	simm.s32 $0x900  }
0x9a: {  	[hbm4b:s6+s2] =	stream.indirect_vreg.scatter [tilespmem:s28], [sflag:$0x2], $0x80, v4, vm0, $0xb8;
	[tilespmem:$0x10100] =	vst v63  }
0x9b: {  	s29 =	simm.s32 $0x1100  }
0x9c: {  	[hbm4b:s4+s2] =	stream.indirect_vreg.scatter [tilespmem:s29], [sflag:$0x2], $0x80, v3, vm0, $0xb8;
	[tilespmem:$0x10100] =	vst v63  }
0x9d: {  	s13 =	simm.s32 $0x1900  }
0x9e: {  	[hbm4b:s6+s2] =	stream.indirect_vreg.scatter [tilespmem:s13], [sflag:$0x2], $0x80, v3, vm0, $0xb8;
	[tilespmem:$0x10100] =	vst v63  }
0x9f: {  	v3 =	vld [tilespmem:$0x90];
	_ =	sdelay $0x4  }
0xa0: {  	v41 =	vshll.u32 v3, $0x2  }
0xa1: {  	v3 =	vand.u32 $0x7, v3;
	v4 =	vand.u32 $0xFFFFFFE0, v41  }
0xa2: {  	v3 =	vor.u32 v3, v4  }
0xa3: {  	v4 =	vperm.xlane v3, v0;
	_ =	sdelay $0x1  }
0xa4: {  	v4 =	vadd.s32 v1, v4;
	_ =	sdelay $0x1  }
0xa5: {  	v3 =	vperm.xlane v3, v2;
	_ =	sdelay $0x1  }
0xa6: {  	s30 =	simm.s32 $0x2100;
	v3 =	vadd.s32 v1, v3  }
0xa7: {  	[hbm4b:s4+s2] =	stream.indirect_vreg.scatter [tilespmem:s30], [sflag:$0x2], $0x80, v4, vm0, $0xb8;
	[tilespmem:$0x10100] =	vst v63  }
0xa8: {  	s31 =	simm.s32 $0x2900  }
0xa9: {  	[hbm4b:s6+s2] =	stream.indirect_vreg.scatter [tilespmem:s31], [sflag:$0x2], $0x80, v4, vm0, $0xb8;
	[tilespmem:$0x10100] =	vst v63  }
0xaa: {  	s28 =	simm.s32 $0x3100  }
0xab: {  	[hbm4b:s4+s2] =	stream.indirect_vreg.scatter [tilespmem:s28], [sflag:$0x2], $0x80, v3, vm0, $0xb8;
	[tilespmem:$0x10100] =	vst v63  }
0xac: {  	s14 =	simm.s32 $0x3900  }
0xad: {  	[hbm4b:s6+s2] =	stream.indirect_vreg.scatter [tilespmem:s14], [sflag:$0x2], $0x80, v3, vm0, $0xb8;
	[tilespmem:$0x10100] =	vst v63  }
0xae: {  	v3 =	vld [tilespmem:$0xA0];
	_ =	sdelay $0x4  }
0xaf: {  	v42 =	vshll.u32 v3, $0x2  }
0xb0: {  	v3 =	vand.u32 $0x7, v3;
	v4 =	vand.u32 $0xFFFFFFE0, v42  }
0xb1: {  	v3 =	vor.u32 v3, v4  }
0xb2: {  	v4 =	vperm.xlane v3, v0;
	_ =	sdelay $0x1  }
0xb3: {  	v4 =	vadd.s32 v1, v4;
	_ =	sdelay $0x1  }
0xb4: {  	v3 =	vperm.xlane v3, v2;
	_ =	sdelay $0x1  }
0xb5: {  	s30 =	simm.s32 $0x4100;
	v3 =	vadd.s32 v1, v3  }
0xb6: {  	[hbm4b:s4+s2] =	stream.indirect_vreg.scatter [tilespmem:s30], [sflag:$0x2], $0x80, v4, vm0, $0xb8;
	[tilespmem:$0x10100] =	vst v63  }
0xb7: {  	s31 =	simm.s32 $0x4900  }
0xb8: {  	[hbm4b:s6+s2] =	stream.indirect_vreg.scatter [tilespmem:s31], [sflag:$0x2], $0x80, v4, vm0, $0xb8;
	[tilespmem:$0x10100] =	vst v63  }
0xb9: {  	s20 =	simm.s32 $0x5100  }
0xba: {  	[hbm4b:s4+s2] =	stream.indirect_vreg.scatter [tilespmem:s20], [sflag:$0x2], $0x80, v3, vm0, $0xb8;
	[tilespmem:$0x10100] =	vst v63  }
0xbb: {  	s10 =	simm.s32 $0x5900  }
0xbc: {  	[hbm4b:s6+s2] =	stream.indirect_vreg.scatter [tilespmem:s10], [sflag:$0x2], $0x80, v3, vm0, $0xb8;
	[tilespmem:$0x10100] =	vst v63  }
0xbd: {  	v3 =	vld [tilespmem:$0xB0];
	_ =	sdelay $0x4  }
0xbe: {  	v43 =	vshll.u32 v3, $0x2  }
0xbf: {  	v3 =	vand.u32 $0x7, v3;
	v4 =	vand.u32 $0xFFFFFFE0, v43  }
0xc0: {  	v3 =	vor.u32 v3, v4  }
0xc1: {  	v4 =	vperm.xlane v3, v0;
	_ =	sdelay $0x1  }
0xc2: {  	v4 =	vadd.s32 v1, v4;
	_ =	sdelay $0x1  }
0xc3: {  	v3 =	vperm.xlane v3, v2;
	_ =	sdelay $0x1  }
0xc4: {  	s16 =	simm.s32 $0x6100;
	v3 =	vadd.s32 v1, v3  }
0xc5: {  	[hbm4b:s4+s2] =	stream.indirect_vreg.scatter [tilespmem:s16], [sflag:$0x2], $0x80, v4, vm0, $0xb8;
	[tilespmem:$0x10100] =	vst v63  }
0xc6: {  	s17 =	simm.s32 $0x6900  }
0xc7: {  	[hbm4b:s6+s2] =	stream.indirect_vreg.scatter [tilespmem:s17], [sflag:$0x2], $0x80, v4, vm0, $0xb8;
	[tilespmem:$0x10100] =	vst v63  }
0xc8: {  	s18 =	simm.s32 $0x7100  }
0xc9: {  	[hbm4b:s4+s2] =	stream.indirect_vreg.scatter [tilespmem:s18], [sflag:$0x2], $0x80, v3, vm0, $0xb8;
	[tilespmem:$0x10100] =	vst v63  }
0xca: {  	s11 =	simm.s32 $0x7900  }
0xcb: {  	[hbm4b:s6+s2] =	stream.indirect_vreg.scatter [tilespmem:s11], [sflag:$0x2], $0x80, v3, vm0, $0xb8;
	[tilespmem:$0x10100] =	vst v63  }
0xcc: {  	v3 =	vld [tilespmem:$0xC0];
	_ =	sdelay $0x4  }
0xcd: {  	v44 =	vshll.u32 v3, $0x2  }
0xce: {  	v3 =	vand.u32 $0x7, v3;
	v4 =	vand.u32 $0xFFFFFFE0, v44  }
0xcf: {  	v3 =	vor.u32 v3, v4  }
0xd0: {  	v4 =	vperm.xlane v3, v0;
	_ =	sdelay $0x1  }
0xd1: {  	v4 =	vadd.s32 v1, v4;
	_ =	sdelay $0x1  }
0xd2: {  	v3 =	vperm.xlane v3, v2;
	_ =	sdelay $0x1  }
0xd3: {  	s19 =	simm.s32 $0x8100;
	v3 =	vadd.s32 v1, v3  }
0xd4: {  	[hbm4b:s4+s2] =	stream.indirect_vreg.scatter [tilespmem:s19], [sflag:$0x2], $0x80, v4, vm0, $0xb8;
	[tilespmem:$0x10100] =	vst v63  }
0xd5: {  	s21 =	simm.s32 $0x8900  }
0xd6: {  	[hbm4b:s6+s2] =	stream.indirect_vreg.scatter [tilespmem:s21], [sflag:$0x2], $0x80, v4, vm0, $0xb8;
	[tilespmem:$0x10100] =	vst v63  }
0xd7: {  	s22 =	simm.s32 $0x9100  }
0xd8: {  	[hbm4b:s4+s2] =	stream.indirect_vreg.scatter [tilespmem:s22], [sflag:$0x2], $0x80, v3, vm0, $0xb8;
	[tilespmem:$0x10100] =	vst v63  }
0xd9: {  	s12 =	simm.s32 $0x9900  }
0xda: {  	[hbm4b:s6+s2] =	stream.indirect_vreg.scatter [tilespmem:s12], [sflag:$0x2], $0x80, v3, vm0, $0xb8;
	[tilespmem:$0x10100] =	vst v63  }
0xdb: {  	v3 =	vld [tilespmem:$0xD0];
	_ =	sdelay $0x4  }
0xdc: {  	v45 =	vshll.u32 v3, $0x2  }
0xdd: {  	v3 =	vand.u32 $0x7, v3;
	v4 =	vand.u32 $0xFFFFFFE0, v45  }
0xde: {  	v3 =	vor.u32 v3, v4  }
0xdf: {  	v4 =	vperm.xlane v3, v0;
	_ =	sdelay $0x1  }
0xe0: {  	v4 =	vadd.s32 v1, v4;
	_ =	sdelay $0x1  }
0xe1: {  	v3 =	vperm.xlane v3, v2;
	_ =	sdelay $0x1  }
0xe2: {  	s23 =	simm.s32 $0xA100;
	v3 =	vadd.s32 v1, v3  }
0xe3: {  	[hbm4b:s4+s2] =	stream.indirect_vreg.scatter [tilespmem:s23], [sflag:$0x2], $0x80, v4, vm0, $0xb8;
	[tilespmem:$0x10100] =	vst v63  }
0xe4: {  	s25 =	simm.s32 $0xA900  }
0xe5: {  	[hbm4b:s6+s2] =	stream.indirect_vreg.scatter [tilespmem:s25], [sflag:$0x2], $0x80, v4, vm0, $0xb8;
	[tilespmem:$0x10100] =	vst v63  }
0xe6: {  	s24 =	simm.s32 $0xB100  }
0xe7: {  	[hbm4b:s4+s2] =	stream.indirect_vreg.scatter [tilespmem:s24], [sflag:$0x2], $0x80, v3, vm0, $0xb8;
	[tilespmem:$0x10100] =	vst v63  }
0xe8: {  	s1 =	simm.s32 $0xB900  }
0xe9: {  	[hbm4b:s6+s2] =	stream.indirect_vreg.scatter [tilespmem:s1], [sflag:$0x2], $0x80, v3, vm0, $0xb8;
	[tilespmem:$0x10100] =	vst v63  }
0xea: {  	v3 =	vld [tilespmem:$0xE0];
	_ =	sdelay $0x4  }
0xeb: {  	v46 =	vshll.u32 v3, $0x2  }
0xec: {  	v3 =	vand.u32 $0x7, v3;
	v4 =	vand.u32 $0xFFFFFFE0, v46  }
0xed: {  	v3 =	vor.u32 v3, v4  }
0xee: {  	v4 =	vperm.xlane v3, v0;
	_ =	sdelay $0x1  }
0xef: {  	v4 =	vadd.s32 v1, v4;
	_ =	sdelay $0x1  }
0xf0: {  	v3 =	vperm.xlane v3, v2;
	_ =	sdelay $0x1  }
0xf1: {  	s11 =	simm.s32 $0xC100;
	v3 =	vadd.s32 v1, v3  }
0xf2: {  	[hbm4b:s4+s2] =	stream.indirect_vreg.scatter [tilespmem:s11], [sflag:$0x2], $0x80, v4, vm0, $0xb8;
	[tilespmem:$0x10100] =	vst v63  }
0xf3: {  	s14 =	simm.s32 $0xC900  }
0xf4: {  	[hbm4b:s6+s2] =	stream.indirect_vreg.scatter [tilespmem:s14], [sflag:$0x2], $0x80, v4, vm0, $0xb8;
	[tilespmem:$0x10100] =	vst v63  }
0xf5: {  	s16 =	simm.s32 $0xD100  }
0xf6: {  	[hbm4b:s4+s2] =	stream.indirect_vreg.scatter [tilespmem:s16], [sflag:$0x2], $0x80, v3, vm0, $0xb8;
	[tilespmem:$0x10100] =	vst v63  }
0xf7: {  	s9 =	simm.s32 $0xD900  }
0xf8: {  	[hbm4b:s6+s2] =	stream.indirect_vreg.scatter [tilespmem:s9], [sflag:$0x2], $0x80, v3, vm0, $0xb8;
	[tilespmem:$0x10100] =	vst v63  }
0xf9: {  	v3 =	vld [tilespmem:$0xF0];
	_ =	sdelay $0x4  }
0xfa: {  	v47 =	vshll.u32 v3, $0x2  }
0xfb: {  	v3 =	vand.u32 $0x7, v3;
	v4 =	vand.u32 $0xFFFFFFE0, v47  }
0xfc: {  	v3 =	vor.u32 v3, v4  }
0xfd: {  	v4 =	vperm.xlane v3, v0;
	_ =	sdelay $0x1  }
0xfe: {  	v4 =	vadd.s32 v1, v4;
	_ =	sdelay $0x1  }
0xff: {  	v3 =	vperm.xlane v3, v2;
	_ =	sdelay $0x1  }
0x100: {  	s20 =	simm.s32 $0xE100;
	v3 =	vadd.s32 v1, v3  }
0x101: {  	[hbm4b:s4+s2] =	stream.indirect_vreg.scatter [tilespmem:s20], [sflag:$0x2], $0x80, v4, vm0, $0xb8;
	[tilespmem:$0x10100] =	vst v63  }
0x102: {  	s28 =	simm.s32 $0xE900  }
0x103: {  	[hbm4b:s6+s2] =	stream.indirect_vreg.scatter [tilespmem:s28], [sflag:$0x2], $0x80, v4, vm0, $0xb8;
	[tilespmem:$0x10100] =	vst v63  }
0x104: {  	s31 =	simm.s32 $0xF100  }
0x105: {  	[hbm4b:s4+s2] =	stream.indirect_vreg.scatter [tilespmem:s31], [sflag:$0x2], $0x80, v3, vm0, $0xb8;
	[tilespmem:$0x10100] =	vst v63  }
0x106: {  	s15 =	simm.s32 $0xF900;
	s1 =	simm.s32 $0x2  }
0x107: {  	[hbm4b:s6+s2] =	stream.indirect_vreg.scatter [tilespmem:s15], [sflag:$0x2], $0x80, v3, vm0, $0xb8;
	[tilespmem:$0x10100] =	vst v63  }
0x108: {  	_ =	swait.ge [sflag:s1], $0x10000  }
0x109: {  	[sflag:s1] =	ssyncset.done $0x0  }
0x10a: {  	s9 =	rddreg [dreg:$0x5];
	[sflag:s1] =	ssyncadd.s32 $0xFFFF0000  }
0x10b: {  	[tilespmem:s2], [sflag:$0x3] =	stream.linear.gather [hbm4b:s9+s2], $0x80, $0x38;
	[tilespmem:$0x10100] =	vst v63  }
0x10c: {  	_ =	swait.ge [sflag:s8], $0x80  }
0x10d: {  	[sflag:s8] =	ssyncset.done $0x0  }
0x10e: {  	s11 =	simm.s32 $0x80;
	s10 =	rddreg [dreg:$0x6];
	[sflag:s8] =	ssyncadd.s32 $0xFFFFFF80  }
0x10f: {  	[tilespmem:s11], [sflag:$0x3] =	stream.linear.gather [hbm4b:s10+s2], $0x80, $0x38;
	[tilespmem:$0x10100] =	vst v63  }
0x110: {  	_ =	swait.ge [sflag:s8], $0x80  }
0x111: {  	[sflag:s8] =	ssyncset.done $0x0  }
0x112: {  	[sflag:s8] =	ssyncadd.s32 $0xFFFFFF80  }
0x113: {  	v3 =	vld [tilespmem:$0x0];
	_ =	sdelay $0x4  }
0x114: {  	v48 =	vshll.u32 v3, $0x2  }
0x115: {  	v3 =	vand.u32 $0x7, v3;
	v4 =	vand.u32 $0xFFFFFFE0, v48  }
0x116: {  	v3 =	vor.u32 v3, v4  }
0x117: {  	v4 =	vperm.xlane v3, v0;
	_ =	sdelay $0x1  }
0x118: {  	v4 =	vadd.s32 v1, v4;
	_ =	sdelay $0x1  }
0x119: {  	v3 =	vperm.xlane v3, v2;
	_ =	sdelay $0x1  }
0x11a: {  	s14 =	simm.s32 $0x100;
	v3 =	vadd.s32 v1, v3  }
0x11b: {  	[tilespmem:s14], [sflag:$0x1] =	stream.indirect_vreg.gather [hbm4b:s3+s2], $0x80, v4, vm0, $0xb8;
	[tilespmem:$0x10100] =	vst v63  }
0x11c: {  	s9 =	simm.s32 $0x900  }
0x11d: {  	[tilespmem:s9], [sflag:$0x1] =	stream.indirect_vreg.gather [hbm4b:s5+s2], $0x80, v4, vm0, $0xb8;
	[tilespmem:$0x10100] =	vst v63  }
0x11e: {  	s14 =	simm.s32 $0x1100  }
0x11f: {  	[tilespmem:s14], [sflag:$0x1] =	stream.indirect_vreg.gather [hbm4b:s3+s2], $0x80, v3, vm0, $0xb8;
	[tilespmem:$0x10100] =	vst v63  }
0x120: {  	s13 =	simm.s32 $0x1900  }
0x121: {  	[tilespmem:s13], [sflag:$0x1] =	stream.indirect_vreg.gather [hbm4b:s5+s2], $0x80, v3, vm0, $0xb8;
	[tilespmem:$0x10100] =	vst v63  }
0x122: {  	v3 =	vld [tilespmem:$0x10];
	_ =	sdelay $0x4  }
0x123: {  	v49 =	vshll.u32 v3, $0x2  }
0x124: {  	v3 =	vand.u32 $0x7, v3;
	v4 =	vand.u32 $0xFFFFFFE0, v49  }
0x125: {  	v3 =	vor.u32 v3, v4  }
0x126: {  	v4 =	vperm.xlane v3, v0;
	_ =	sdelay $0x1  }
0x127: {  	v4 =	vadd.s32 v1, v4;
	_ =	sdelay $0x1  }
0x128: {  	v3 =	vperm.xlane v3, v2;
	_ =	sdelay $0x1  }
0x129: {  	s29 =	simm.s32 $0x2100;
	v3 =	vadd.s32 v1, v3  }
0x12a: {  	[tilespmem:s29], [sflag:$0x1] =	stream.indirect_vreg.gather [hbm4b:s3+s2], $0x80, v4, vm0, $0xb8;
	[tilespmem:$0x10100] =	vst v63  }
0x12b: {  	s10 =	simm.s32 $0x2900  }
0x12c: {  	[tilespmem:s10], [sflag:$0x1] =	stream.indirect_vreg.gather [hbm4b:s5+s2], $0x80, v4, vm0, $0xb8;
	[tilespmem:$0x10100] =	vst v63  }
0x12d: {  	s15 =	simm.s32 $0x3100  }
0x12e: {  	[tilespmem:s15], [sflag:$0x1] =	stream.indirect_vreg.gather [hbm4b:s3+s2], $0x80, v3, vm0, $0xb8;
	[tilespmem:$0x10100] =	vst v63  }
0x12f: {  	s20 =	simm.s32 $0x3900  }
0x130: {  	[tilespmem:s20], [sflag:$0x1] =	stream.indirect_vreg.gather [hbm4b:s5+s2], $0x80, v3, vm0, $0xb8;
	[tilespmem:$0x10100] =	vst v63  }
0x131: {  	v3 =	vld [tilespmem:$0x20];
	_ =	sdelay $0x4  }
0x132: {  	v50 =	vshll.u32 v3, $0x2  }
0x133: {  	v3 =	vand.u32 $0x7, v3;
	v4 =	vand.u32 $0xFFFFFFE0, v50  }
0x134: {  	v3 =	vor.u32 v3, v4  }
0x135: {  	v4 =	vperm.xlane v3, v0;
	_ =	sdelay $0x1  }
0x136: {  	v4 =	vadd.s32 v1, v4;
	_ =	sdelay $0x1  }
0x137: {  	v3 =	vperm.xlane v3, v2;
	_ =	sdelay $0x1  }
0x138: {  	s13 =	simm.s32 $0x4100;
	v3 =	vadd.s32 v1, v3  }
0x139: {  	[tilespmem:s13], [sflag:$0x1] =	stream.indirect_vreg.gather [hbm4b:s3+s2], $0x80, v4, vm0, $0xb8;
	[tilespmem:$0x10100] =	vst v63  }
0x13a: {  	s20 =	simm.s32 $0x4900  }
0x13b: {  	[tilespmem:s20], [sflag:$0x1] =	stream.indirect_vreg.gather [hbm4b:s5+s2], $0x80, v4, vm0, $0xb8;
	[tilespmem:$0x10100] =	vst v63  }
0x13c: {  	s29 =	simm.s32 $0x5100  }
0x13d: {  	[tilespmem:s29], [sflag:$0x1] =	stream.indirect_vreg.gather [hbm4b:s3+s2], $0x80, v3, vm0, $0xb8;
	[tilespmem:$0x10100] =	vst v63  }
0x13e: {  	s29 =	simm.s32 $0x5900  }
0x13f: {  	[tilespmem:s29], [sflag:$0x1] =	stream.indirect_vreg.gather [hbm4b:s5+s2], $0x80, v3, vm0, $0xb8;
	[tilespmem:$0x10100] =	vst v63  }
0x140: {  	v3 =	vld [tilespmem:$0x30];
	_ =	sdelay $0x4  }
0x141: {  	v51 =	vshll.u32 v3, $0x2  }
0x142: {  	v3 =	vand.u32 $0x7, v3;
	v4 =	vand.u32 $0xFFFFFFE0, v51  }
0x143: {  	v3 =	vor.u32 v3, v4  }
0x144: {  	v4 =	vperm.xlane v3, v0;
	_ =	sdelay $0x1  }
0x145: {  	v4 =	vadd.s32 v1, v4;
	_ =	sdelay $0x1  }
0x146: {  	v3 =	vperm.xlane v3, v2;
	_ =	sdelay $0x1  }
0x147: {  	s26 =	simm.s32 $0x6100;
	v3 =	vadd.s32 v1, v3  }
0x148: {  	[tilespmem:s26], [sflag:$0x1] =	stream.indirect_vreg.gather [hbm4b:s3+s2], $0x80, v4, vm0, $0xb8;
	[tilespmem:$0x10100] =	vst v63  }
0x149: {  	s17 =	simm.s32 $0x6900  }
0x14a: {  	[tilespmem:s17], [sflag:$0x1] =	stream.indirect_vreg.gather [hbm4b:s5+s2], $0x80, v4, vm0, $0xb8;
	[tilespmem:$0x10100] =	vst v63  }
0x14b: {  	s18 =	simm.s32 $0x7100  }
0x14c: {  	[tilespmem:s18], [sflag:$0x1] =	stream.indirect_vreg.gather [hbm4b:s3+s2], $0x80, v3, vm0, $0xb8;
	[tilespmem:$0x10100] =	vst v63  }
0x14d: {  	s29 =	simm.s32 $0x7900  }
0x14e: {  	[tilespmem:s29], [sflag:$0x1] =	stream.indirect_vreg.gather [hbm4b:s5+s2], $0x80, v3, vm0, $0xb8;
	[tilespmem:$0x10100] =	vst v63  }
0x14f: {  	v3 =	vld [tilespmem:$0x40];
	_ =	sdelay $0x4  }
0x150: {  	v52 =	vshll.u32 v3, $0x2  }
0x151: {  	v3 =	vand.u32 $0x7, v3;
	v4 =	vand.u32 $0xFFFFFFE0, v52  }
0x152: {  	v3 =	vor.u32 v3, v4  }
0x153: {  	v4 =	vperm.xlane v3, v0;
	_ =	sdelay $0x1  }
0x154: {  	v4 =	vadd.s32 v1, v4;
	_ =	sdelay $0x1  }
0x155: {  	v3 =	vperm.xlane v3, v2;
	_ =	sdelay $0x1  }
0x156: {  	s19 =	simm.s32 $0x8100;
	v3 =	vadd.s32 v1, v3  }
0x157: {  	[tilespmem:s19], [sflag:$0x1] =	stream.indirect_vreg.gather [hbm4b:s3+s2], $0x80, v4, vm0, $0xb8;
	[tilespmem:$0x10100] =	vst v63  }
0x158: {  	s21 =	simm.s32 $0x8900  }
0x159: {  	[tilespmem:s21], [sflag:$0x1] =	stream.indirect_vreg.gather [hbm4b:s5+s2], $0x80, v4, vm0, $0xb8;
	[tilespmem:$0x10100] =	vst v63  }
0x15a: {  	s22 =	simm.s32 $0x9100  }
0x15b: {  	[tilespmem:s22], [sflag:$0x1] =	stream.indirect_vreg.gather [hbm4b:s3+s2], $0x80, v3, vm0, $0xb8;
	[tilespmem:$0x10100] =	vst v63  }
0x15c: {  	s12 =	simm.s32 $0x9900  }
0x15d: {  	[tilespmem:s12], [sflag:$0x1] =	stream.indirect_vreg.gather [hbm4b:s5+s2], $0x80, v3, vm0, $0xb8;
	[tilespmem:$0x10100] =	vst v63  }
0x15e: {  	v3 =	vld [tilespmem:$0x50];
	_ =	sdelay $0x4  }
0x15f: {  	v53 =	vshll.u32 v3, $0x2  }
0x160: {  	v3 =	vand.u32 $0x7, v3;
	v4 =	vand.u32 $0xFFFFFFE0, v53  }
0x161: {  	v3 =	vor.u32 v3, v4  }
0x162: {  	v4 =	vperm.xlane v3, v0;
	_ =	sdelay $0x1  }
0x163: {  	v4 =	vadd.s32 v1, v4;
	_ =	sdelay $0x1  }
0x164: {  	v3 =	vperm.xlane v3, v2;
	_ =	sdelay $0x1  }
0x165: {  	s23 =	simm.s32 $0xA100;
	v3 =	vadd.s32 v1, v3  }
0x166: {  	[tilespmem:s23], [sflag:$0x1] =	stream.indirect_vreg.gather [hbm4b:s3+s2], $0x80, v4, vm0, $0xb8;
	[tilespmem:$0x10100] =	vst v63  }
0x167: {  	s25 =	simm.s32 $0xA900  }
0x168: {  	[tilespmem:s25], [sflag:$0x1] =	stream.indirect_vreg.gather [hbm4b:s5+s2], $0x80, v4, vm0, $0xb8;
	[tilespmem:$0x10100] =	vst v63  }
0x169: {  	s24 =	simm.s32 $0xB100  }
0x16a: {  	[tilespmem:s24], [sflag:$0x1] =	stream.indirect_vreg.gather [hbm4b:s3+s2], $0x80, v3, vm0, $0xb8;
	[tilespmem:$0x10100] =	vst v63  }
0x16b: {  	s11 =	simm.s32 $0xB900  }
0x16c: {  	[tilespmem:s11], [sflag:$0x1] =	stream.indirect_vreg.gather [hbm4b:s5+s2], $0x80, v3, vm0, $0xb8;
	[tilespmem:$0x10100] =	vst v63  }
0x16d: {  	v3 =	vld [tilespmem:$0x60];
	_ =	sdelay $0x4  }
0x16e: {  	v54 =	vshll.u32 v3, $0x2  }
0x16f: {  	v3 =	vand.u32 $0x7, v3;
	v4 =	vand.u32 $0xFFFFFFE0, v54  }
0x170: {  	v3 =	vor.u32 v3, v4  }
0x171: {  	v4 =	vperm.xlane v3, v0;
	_ =	sdelay $0x1  }
0x172: {  	v4 =	vadd.s32 v1, v4;
	_ =	sdelay $0x1  }
0x173: {  	v3 =	vperm.xlane v3, v2;
	_ =	sdelay $0x1  }
0x174: {  	s30 =	simm.s32 $0xC100;
	v3 =	vadd.s32 v1, v3  }
0x175: {  	[tilespmem:s30], [sflag:$0x1] =	stream.indirect_vreg.gather [hbm4b:s3+s2], $0x80, v4, vm0, $0xb8;
	[tilespmem:$0x10100] =	vst v63  }
0x176: {  	s12 =	simm.s32 $0xC900  }
0x177: {  	[tilespmem:s12], [sflag:$0x1] =	stream.indirect_vreg.gather [hbm4b:s5+s2], $0x80, v4, vm0, $0xb8;
	[tilespmem:$0x10100] =	vst v63  }
0x178: {  	s12 =	simm.s32 $0xD100  }
0x179: {  	[tilespmem:s12], [sflag:$0x1] =	stream.indirect_vreg.gather [hbm4b:s3+s2], $0x80, v3, vm0, $0xb8;
	[tilespmem:$0x10100] =	vst v63  }
0x17a: {  	s12 =	simm.s32 $0xD900  }
0x17b: {  	[tilespmem:s12], [sflag:$0x1] =	stream.indirect_vreg.gather [hbm4b:s5+s2], $0x80, v3, vm0, $0xb8;
	[tilespmem:$0x10100] =	vst v63  }
0x17c: {  	v3 =	vld [tilespmem:$0x70];
	_ =	sdelay $0x4  }
0x17d: {  	v55 =	vshll.u32 v3, $0x2  }
0x17e: {  	v3 =	vand.u32 $0x7, v3;
	v4 =	vand.u32 $0xFFFFFFE0, v55  }
0x17f: {  	v3 =	vor.u32 v3, v4  }
0x180: {  	v4 =	vperm.xlane v3, v0;
	_ =	sdelay $0x1  }
0x181: {  	v4 =	vadd.s32 v1, v4;
	_ =	sdelay $0x1  }
0x182: {  	v3 =	vperm.xlane v3, v2;
	_ =	sdelay $0x1  }
0x183: {  	s30 =	simm.s32 $0xE100;
	v3 =	vadd.s32 v1, v3  }
0x184: {  	[tilespmem:s30], [sflag:$0x1] =	stream.indirect_vreg.gather [hbm4b:s3+s2], $0x80, v4, vm0, $0xb8;
	[tilespmem:$0x10100] =	vst v63  }
0x185: {  	s28 =	simm.s32 $0xE900  }
0x186: {  	[tilespmem:s28], [sflag:$0x1] =	stream.indirect_vreg.gather [hbm4b:s5+s2], $0x80, v4, vm0, $0xb8;
	[tilespmem:$0x10100] =	vst v63  }
0x187: {  	s16 =	simm.s32 $0xF100  }
0x188: {  	[tilespmem:s16], [sflag:$0x1] =	stream.indirect_vreg.gather [hbm4b:s3+s2], $0x80, v3, vm0, $0xb8;
	[tilespmem:$0x10100] =	vst v63  }
0x189: {  	s28 =	simm.s32 $0xF900  }
0x18a: {  	[tilespmem:s28], [sflag:$0x1] =	stream.indirect_vreg.gather [hbm4b:s5+s2], $0x80, v3, vm0, $0xb8;
	[tilespmem:$0x10100] =	vst v63  }
0x18b: {  	_ =	swait.ge [sflag:s0], $0x10000  }
0x18c: {  	[sflag:s0] =	ssyncset.done $0x0  }
0x18d: {  	[sflag:s0] =	ssyncadd.s32 $0xFFFF0000  }
0x18e: {  	v3 =	vld [tilespmem:$0x80];
	_ =	sdelay $0x4  }
0x18f: {  	v56 =	vshll.u32 v3, $0x2  }
0x190: {  	v3 =	vand.u32 $0x7, v3;
	v4 =	vand.u32 $0xFFFFFFE0, v56  }
0x191: {  	v3 =	vor.u32 v3, v4  }
0x192: {  	v4 =	vperm.xlane v3, v0;
	_ =	sdelay $0x1  }
0x193: {  	v4 =	vadd.s32 v1, v4;
	_ =	sdelay $0x1  }
0x194: {  	v3 =	vperm.xlane v3, v2;
	_ =	sdelay $0x1  }
0x195: {  	s0 =	simm.s32 $0x100;
	v3 =	vadd.s32 v1, v3  }
0x196: {  	[hbm4b:s4+s2] =	stream.indirect_vreg.scatter [tilespmem:s0], [sflag:$0x2], $0x80, v4, vm0, $0xb8;
	[tilespmem:$0x10100] =	vst v63  }
0x197: {  	_ = 	snop  }
0x198: {  	[hbm4b:s6+s2] =	stream.indirect_vreg.scatter [tilespmem:s9], [sflag:$0x2], $0x80, v4, vm0, $0xb8;
	[tilespmem:$0x10100] =	vst v63  }
0x199: {  	_ = 	snop  }
0x19a: {  	[hbm4b:s4+s2] =	stream.indirect_vreg.scatter [tilespmem:s14], [sflag:$0x2], $0x80, v3, vm0, $0xb8;
	[tilespmem:$0x10100] =	vst v63  }
0x19b: {  	s9 =	simm.s32 $0x1900  }
0x19c: {  	[hbm4b:s6+s2] =	stream.indirect_vreg.scatter [tilespmem:s9], [sflag:$0x2], $0x80, v3, vm0, $0xb8;
	[tilespmem:$0x10100] =	vst v63  }
0x19d: {  	v3 =	vld [tilespmem:$0x90];
	_ =	sdelay $0x4  }
0x19e: {  	v57 =	vshll.u32 v3, $0x2  }
0x19f: {  	v3 =	vand.u32 $0x7, v3;
	v4 =	vand.u32 $0xFFFFFFE0, v57  }
0x1a0: {  	v3 =	vor.u32 v3, v4  }
0x1a1: {  	v4 =	vperm.xlane v3, v0;
	_ =	sdelay $0x1  }
0x1a2: {  	v4 =	vadd.s32 v1, v4;
	_ =	sdelay $0x1  }
0x1a3: {  	v3 =	vperm.xlane v3, v2;
	_ =	sdelay $0x1  }
0x1a4: {  	s31 =	simm.s32 $0x2100;
	v3 =	vadd.s32 v1, v3  }
0x1a5: {  	[hbm4b:s4+s2] =	stream.indirect_vreg.scatter [tilespmem:s31], [sflag:$0x2], $0x80, v4, vm0, $0xb8;
	[tilespmem:$0x10100] =	vst v63  }
0x1a6: {  	_ = 	snop  }
0x1a7: {  	[hbm4b:s6+s2] =	stream.indirect_vreg.scatter [tilespmem:s10], [sflag:$0x2], $0x80, v4, vm0, $0xb8;
	[tilespmem:$0x10100] =	vst v63  }
0x1a8: {  	_ = 	snop  }
0x1a9: {  	[hbm4b:s4+s2] =	stream.indirect_vreg.scatter [tilespmem:s15], [sflag:$0x2], $0x80, v3, vm0, $0xb8;
	[tilespmem:$0x10100] =	vst v63  }
0x1aa: {  	s10 =	simm.s32 $0x3900  }
0x1ab: {  	[hbm4b:s6+s2] =	stream.indirect_vreg.scatter [tilespmem:s10], [sflag:$0x2], $0x80, v3, vm0, $0xb8;
	[tilespmem:$0x10100] =	vst v63  }
0x1ac: {  	v3 =	vld [tilespmem:$0xA0];
	_ =	sdelay $0x4  }
0x1ad: {  	v58 =	vshll.u32 v3, $0x2  }
0x1ae: {  	v3 =	vand.u32 $0x7, v3;
	v4 =	vand.u32 $0xFFFFFFE0, v58  }
0x1af: {  	v3 =	vor.u32 v3, v4  }
0x1b0: {  	v4 =	vperm.xlane v3, v0;
	_ =	sdelay $0x1  }
0x1b1: {  	v4 =	vadd.s32 v1, v4;
	_ =	sdelay $0x1  }
0x1b2: {  	v3 =	vperm.xlane v3, v2;
	_ =	sdelay $0x1  }
0x1b3: {  	v3 =	vadd.s32 v1, v3  }
0x1b4: {  	[hbm4b:s4+s2] =	stream.indirect_vreg.scatter [tilespmem:s13], [sflag:$0x2], $0x80, v4, vm0, $0xb8;
	[tilespmem:$0x10100] =	vst v63  }
0x1b5: {  	_ = 	snop  }
0x1b6: {  	[hbm4b:s6+s2] =	stream.indirect_vreg.scatter [tilespmem:s20], [sflag:$0x2], $0x80, v4, vm0, $0xb8;
	[tilespmem:$0x10100] =	vst v63  }
0x1b7: {  	s14 =	simm.s32 $0x5100  }
0x1b8: {  	[hbm4b:s4+s2] =	stream.indirect_vreg.scatter [tilespmem:s14], [sflag:$0x2], $0x80, v3, vm0, $0xb8;
	[tilespmem:$0x10100] =	vst v63  }
0x1b9: {  	s15 =	simm.s32 $0x5900  }
0x1ba: {  	[hbm4b:s6+s2] =	stream.indirect_vreg.scatter [tilespmem:s15], [sflag:$0x2], $0x80, v3, vm0, $0xb8;
	[tilespmem:$0x10100] =	vst v63  }
0x1bb: {  	v3 =	vld [tilespmem:$0xB0];
	_ =	sdelay $0x4  }
0x1bc: {  	v59 =	vshll.u32 v3, $0x2  }
0x1bd: {  	v3 =	vand.u32 $0x7, v3;
	v4 =	vand.u32 $0xFFFFFFE0, v59  }
0x1be: {  	v3 =	vor.u32 v3, v4  }
0x1bf: {  	v4 =	vperm.xlane v3, v0;
	_ =	sdelay $0x1  }
0x1c0: {  	v4 =	vadd.s32 v1, v4;
	_ =	sdelay $0x1  }
0x1c1: {  	v3 =	vperm.xlane v3, v2;
	_ =	sdelay $0x1  }
0x1c2: {  	s26 =	simm.s32 $0x6100;
	v3 =	vadd.s32 v1, v3  }
0x1c3: {  	[hbm4b:s4+s2] =	stream.indirect_vreg.scatter [tilespmem:s26], [sflag:$0x2], $0x80, v4, vm0, $0xb8;
	[tilespmem:$0x10100] =	vst v63  }
0x1c4: {  	s17 =	simm.s32 $0x6900  }
0x1c5: {  	[hbm4b:s6+s2] =	stream.indirect_vreg.scatter [tilespmem:s17], [sflag:$0x2], $0x80, v4, vm0, $0xb8;
	[tilespmem:$0x10100] =	vst v63  }
0x1c6: {  	s18 =	simm.s32 $0x7100  }
0x1c7: {  	[hbm4b:s4+s2] =	stream.indirect_vreg.scatter [tilespmem:s18], [sflag:$0x2], $0x80, v3, vm0, $0xb8;
	[tilespmem:$0x10100] =	vst v63  }
0x1c8: {  	s20 =	simm.s32 $0x7900  }
0x1c9: {  	[hbm4b:s6+s2] =	stream.indirect_vreg.scatter [tilespmem:s20], [sflag:$0x2], $0x80, v3, vm0, $0xb8;
	[tilespmem:$0x10100] =	vst v63  }
0x1ca: {  	v3 =	vld [tilespmem:$0xC0];
	_ =	sdelay $0x4  }
0x1cb: {  	v60 =	vshll.u32 v3, $0x2  }
0x1cc: {  	v3 =	vand.u32 $0x7, v3;
	v4 =	vand.u32 $0xFFFFFFE0, v60  }
0x1cd: {  	v3 =	vor.u32 v3, v4  }
0x1ce: {  	v4 =	vperm.xlane v3, v0;
	_ =	sdelay $0x1  }
0x1cf: {  	v4 =	vadd.s32 v1, v4;
	_ =	sdelay $0x1  }
0x1d0: {  	v3 =	vperm.xlane v3, v2;
	_ =	sdelay $0x1  }
0x1d1: {  	s19 =	simm.s32 $0x8100;
	v3 =	vadd.s32 v1, v3  }
0x1d2: {  	[hbm4b:s4+s2] =	stream.indirect_vreg.scatter [tilespmem:s19], [sflag:$0x2], $0x80, v4, vm0, $0xb8;
	[tilespmem:$0x10100] =	vst v63  }
0x1d3: {  	s21 =	simm.s32 $0x8900  }
0x1d4: {  	[hbm4b:s6+s2] =	stream.indirect_vreg.scatter [tilespmem:s21], [sflag:$0x2], $0x80, v4, vm0, $0xb8;
	[tilespmem:$0x10100] =	vst v63  }
0x1d5: {  	s22 =	simm.s32 $0x9100  }
0x1d6: {  	[hbm4b:s4+s2] =	stream.indirect_vreg.scatter [tilespmem:s22], [sflag:$0x2], $0x80, v3, vm0, $0xb8;
	[tilespmem:$0x10100] =	vst v63  }
0x1d7: {  	s22 =	simm.s32 $0x9900  }
0x1d8: {  	[hbm4b:s6+s2] =	stream.indirect_vreg.scatter [tilespmem:s22], [sflag:$0x2], $0x80, v3, vm0, $0xb8;
	[tilespmem:$0x10100] =	vst v63  }
0x1d9: {  	v3 =	vld [tilespmem:$0xD0];
	_ =	sdelay $0x4  }
0x1da: {  	v61 =	vshll.u32 v3, $0x2  }
0x1db: {  	v3 =	vand.u32 $0x7, v3;
	v4 =	vand.u32 $0xFFFFFFE0, v61  }
0x1dc: {  	v3 =	vor.u32 v3, v4  }
0x1dd: {  	v4 =	vperm.xlane v3, v0;
	_ =	sdelay $0x1  }
0x1de: {  	v4 =	vadd.s32 v1, v4;
	_ =	sdelay $0x1  }
0x1df: {  	v3 =	vperm.xlane v3, v2;
	_ =	sdelay $0x1  }
0x1e0: {  	s23 =	simm.s32 $0xA100;
	v3 =	vadd.s32 v1, v3  }
0x1e1: {  	[hbm4b:s4+s2] =	stream.indirect_vreg.scatter [tilespmem:s23], [sflag:$0x2], $0x80, v4, vm0, $0xb8;
	[tilespmem:$0x10100] =	vst v63  }
0x1e2: {  	s25 =	simm.s32 $0xA900  }
0x1e3: {  	[hbm4b:s6+s2] =	stream.indirect_vreg.scatter [tilespmem:s25], [sflag:$0x2], $0x80, v4, vm0, $0xb8;
	[tilespmem:$0x10100] =	vst v63  }
0x1e4: {  	s24 =	simm.s32 $0xB100  }
0x1e5: {  	[hbm4b:s4+s2] =	stream.indirect_vreg.scatter [tilespmem:s24], [sflag:$0x2], $0x80, v3, vm0, $0xb8;
	[tilespmem:$0x10100] =	vst v63  }
0x1e6: {  	_ = 	snop  }
0x1e7: {  	[hbm4b:s6+s2] =	stream.indirect_vreg.scatter [tilespmem:s11], [sflag:$0x2], $0x80, v3, vm0, $0xb8;
	[tilespmem:$0x10100] =	vst v63  }
0x1e8: {  	v3 =	vld [tilespmem:$0xE0];
	_ =	sdelay $0x4  }
0x1e9: {  	v62 =	vshll.u32 v3, $0x2  }
0x1ea: {  	v3 =	vand.u32 $0x7, v3;
	v4 =	vand.u32 $0xFFFFFFE0, v62  }
0x1eb: {  	v3 =	vor.u32 v3, v4  }
0x1ec: {  	v4 =	vperm.xlane v3, v0;
	_ =	sdelay $0x1  }
0x1ed: {  	v4 =	vadd.s32 v1, v4;
	_ =	sdelay $0x1  }
0x1ee: {  	v3 =	vperm.xlane v3, v2;
	_ =	sdelay $0x1  }
0x1ef: {  	s29 =	simm.s32 $0xC100;
	v3 =	vadd.s32 v1, v3  }
0x1f0: {  	[hbm4b:s4+s2] =	stream.indirect_vreg.scatter [tilespmem:s29], [sflag:$0x2], $0x80, v4, vm0, $0xb8;
	[tilespmem:$0x10100] =	vst v63  }
0x1f1: {  	s26 =	simm.s32 $0xC900  }
0x1f2: {  	[hbm4b:s6+s2] =	stream.indirect_vreg.scatter [tilespmem:s26], [sflag:$0x2], $0x80, v4, vm0, $0xb8;
	[tilespmem:$0x10100] =	vst v63  }
0x1f3: {  	s29 =	simm.s32 $0xD100  }
0x1f4: {  	[hbm4b:s4+s2] =	stream.indirect_vreg.scatter [tilespmem:s29], [sflag:$0x2], $0x80, v3, vm0, $0xb8;
	[tilespmem:$0x10100] =	vst v63  }
0x1f5: {  	_ = 	snop  }
0x1f6: {  	[hbm4b:s6+s2] =	stream.indirect_vreg.scatter [tilespmem:s12], [sflag:$0x2], $0x80, v3, vm0, $0xb8;
	[tilespmem:$0x10100] =	vst v63  }
0x1f7: {  	v3 =	vld [tilespmem:$0xF0];
	_ =	sdelay $0x4  }
0x1f8: {  	v63 =	vshll.u32 v3, $0x2  }
0x1f9: {  	v3 =	vand.u32 $0x7, v3;
	v4 =	vand.u32 $0xFFFFFFE0, v63  }
0x1fa: {  	v3 =	vor.u32 v3, v4  }
0x1fb: {  	v4 =	vperm.xlane v3, v0;
	_ =	sdelay $0x1  }
0x1fc: {  	v4 =	vadd.s32 v1, v4;
	_ =	sdelay $0x1  }
0x1fd: {  	v3 =	vperm.xlane v3, v2;
	_ =	sdelay $0x1  }
0x1fe: {  	s31 =	simm.s32 $0xE100;
	v3 =	vadd.s32 v1, v3  }
0x1ff: {  	[hbm4b:s4+s2] =	stream.indirect_vreg.scatter [tilespmem:s31], [sflag:$0x2], $0x80, v4, vm0, $0xb8;
	[tilespmem:$0x10100] =	vst v63  }
0x200: {  	s30 =	simm.s32 $0xE900  }
0x201: {  	[hbm4b:s6+s2] =	stream.indirect_vreg.scatter [tilespmem:s30], [sflag:$0x2], $0x80, v4, vm0, $0xb8;
	[tilespmem:$0x10100] =	vst v63  }
0x202: {  	p0 =	sne.s32 s7, $0x1;
	s16 =	simm.s32 $0xF100  }
0x203: {  	[hbm4b:s4+s2] =	stream.indirect_vreg.scatter [tilespmem:s16], [sflag:$0x2], $0x80, v3, vm0, $0xb8;
	[tilespmem:$0x10100] =	vst v63  }
.Ltmp0:
0x204: {  	s28 =	simm.s32 $0xF900;
	(pc) =	sbr.rel @p0 .LBB2_1-.Ltmp0, $4  }
0x205: {  	[hbm4b:s6+s2] =	stream.indirect_vreg.scatter [tilespmem:s28], [sflag:$0x2], $0x80, v3, vm0, $0xb8;
	[tilespmem:$0x10100] =	vst v63  }
0x206: {  	_ =	swait.ge [sflag:s1], $0x10000  }
0x207: {  	[sflag:s1] =	ssyncset.done $0x0  }
0x208: {  	s7 =	sadd.s32 $0xFFFFFFFF, s7;
	[sflag:s1] =	ssyncadd.s32 $0xFFFF0000  }
0x209: {  	_ =	sfence.sel $0x180000  }
0x20a: {  	[bflag:$0x0] =	sbarrier.arrive $0xFFFF  }
0x20b: {  	_ =	strace $0x90000047  }
0x20c: {  	s0 =	stileid.u32;
	[bflag:$0x2] =	sbarrier.arrive $0xFFFF  }
0x20d: {  	p0 =	sne.s32 s0, $0x0;
	s0 =	rddreg [dreg:$0x2]  }
0x20e: {  	s0 =	sadd.s32 @!p0 $0x100000, s0  }
0x20f: {  	[sflag:s0] =	ssyncadd.tile.s32 @!p0 $0x1;
	_ =	shalt  }
.Lfunc_end2:
_tile_overlayer_lowered:
.L_overlay_start_2:
0x210: {  	(tag) =	ssettag $0x2  }
0x211: {  	s0 =	rddreg [dreg:$0x0];
	s2 =	stileid.u32  }
0x212: {  	s1 =	rddreg [dreg:$0x1];
	p0 =	sne.s32 s2, $0x0  }
0x213: {  	s3 =	rddreg [dreg:$0x2];
	[bflag:$0x3] =	sbarrier.arrive $0xFFFF;
	s2 =	simm.s32 @!p0 $0x1C03  }
0x214: {  	[timem:s3], [sflag:s2] =	dma.local @!p0 [hbm:s0], s1  }
0x215: {  	s0 =	simm.s32 @!p0 $0x3  }
0x216: {  	_ =	swait.ge @!p0 [sflag:s0], s1  }
0x217: {  	s1 =	ssub.s32 @!p0 $0x0, s1;
	[sflag:s0] =	ssyncset.done @!p0 $0x0  }
0x218: {  	[sflag:s0] =	ssyncadd.s32 @!p0 s1  }
0x219: {  	[bflag:$0x3] =	sbarrier.arrive $0xFFFF  }
0x21a: {  	_ =	shalt  }

// kernel: gather_offload_async_start
scs
__scs_entry_jumppad:
0x0: {  	(pc) =	sbr.rel $0x88, $3  }
0x1: {  	(tag) =	ssettag $0x0;
	lr =	simm.s32 $0x1  }
0x2: {  	[smem:$0x3F96] =	sst lr;
	_ =	strace $0xD0000000  }
0x3: {  	_ = 	snop  }
0x4: {  	_ = 	snop  }
0x5: {  	_ = 	snop  }
0x6: {  	_ = 	snop  }
0x7: {  	_ = 	snop  }
__scs_overlays_trampoline_lowered:
0x8: {  	[smem:$0x3FA5] =	sst s0  }
0x9: {  	[smem:$0x3FA6] =	sst s1  }
0xa: {  	[smem:$0x3FA7] =	sst s2  }
0xb: {  	[smem:$0x3FA8] =	sst s3  }
0xc: {  	[smem:$0x3FA9] =	sst s4  }
0xd: {  	[smem:$0x3FAA] =	sst s5  }
0xe: {  	[smem:$0x3FAB] =	sst s6  }
0xf: {  	[smem:$0x3FAC] =	sst s7  }
0x10: {  	[smem:$0x3FAD] =	sst s8  }
0x11: {  	[smem:$0x3FAE] =	sst s9;
	s0 =	simm.s32 @!p0 $0x0  }
0x12: {  	s1 =	sld [smem:$0x3F94];
	s0 =	simm.s32 @p0 $0x1  }
0x13: {  	[smem:$0x3FAF] =	sst s0;
	s0 =	simm.s32 @!p1 $0x0  }
0x14: {  	s2 =	sld [smem:$0x3F93];
	s0 =	simm.s32 @p1 $0x1  }
0x15: {  	[smem:$0x3FB0] =	sst s0;
	s0 =	simm.s32 @!p2 $0x0  }
0x16: {  	s3 =	sld [smem:$0x3FDB];
	s0 =	simm.s32 @p2 $0x1  }
0x17: {  	s4 =	simm.s32 $0x1BF5;
	[smem:$0x3FB2] =	sst s0  }
0x18: {  	s0 =	sld [smem:$0x3F95];
	_ =	swait.ge [sflag:s4], $0x0  }
0x19: {  	s7 =	sld [smem:$0x3F96]  }
0x1a: {  	s8 =	sadd.s32 $0xFFFFE003, lr  }
0x1b: {  	s9 =	sadd.s32 $0xFFFFFEF7, lr;
	s5 =	simm.s32 $0xFFFFFFFF;
	p2 =	slt.u32 s8, $0xFFFFF086  }
0x1c: {  	p1 =	slt.u32 s9, $0xF7A;
	s5 =	simm.s32 @!p2 $0x0  }
0x1d: {  	s5 =	simm.s32 @p1 $0x1;
	p0 =	seq.s32 s7, s2  }
0x1e: {  	s7 =	smul.u32 @!p0 $0xF7A, s2;
	p2 =	seq.s32 @!p0 s5, $0x0  }
0x1f: {  	s9 =	smul.u32 $0xF7A, s1;
	s8 =	simm.s32 @!p0 $0x1BF5;
	p2 =	por !p2, p0  }
0x20: {  	[sflag:s8] =	ssyncset.s32 @!p0 $0xFFFFF086;
	s6 =	sadd.s32 @!p0 s3, s7;
	s7 =	simm.s32 @!p0 $0x108  }
0x21: {  	s3 =	sadd.s32 s3, s9;
	s6 =	sadd.s32 @!p0 $0x88, s6;
	s7 =	simm.s32 @p2 $0x1082  }
0x22: {  	[simem:s7], [sflag:s8] =	dma.local @!p0 [hbm:s6], $0xF7A  }
0x23: {  	s9 =	sor.u32 $0xD0000000, s2;
	s6 =	simm.s32 $0x108;
	_ =	swait.ge @!p0 [sflag:s8], $0x0  }
0x24: {  	s3 =	sadd.s32 $0x88, s3;
	s6 =	simm.s32 @!p1 $0x1082;
	[sflag:s4] =	ssyncset.s32 $0xFFFFF086  }
0x25: {  	[simem:s6], [sflag:s4] =	dma.local [hbm:s3], $0xF7A  }
0x26: {  	[smem:$0x3F96] =	sst s1;
	(tag) =	ssettag s2;
	_ =	strace s9  }
0x27: {  	s1 =	sld [smem:$0x3FA6]  }
0x28: {  	s2 =	sld [smem:$0x3FA7]  }
0x29: {  	s4 =	sld [smem:$0x3FA9]  }
0x2a: {  	p0 =	seq.s32 s5, $0x0;
	s5 =	sld [smem:$0x3FAA]  }
0x2b: {  	s6 =	sld [smem:$0x3FAB]  }
0x2c: {  	s7 =	sld [smem:$0x3FAC]  }
0x2d: {  	s3 =	simm.s32 $0x108;
	s8 =	sld [smem:$0x3FAD]  }
0x2e: {  	s3 =	simm.s32 @!p0 $0x1082;
	s9 =	sld [smem:$0x3FAE]  }
0x2f: {  	lr =	sadd.s32 s0, s3;
	s0 =	sld [smem:$0x3FA5]  }
0x30: {  	s3 =	sld [smem:$0x3FA8]  }
0x31: {  	[smem:$0x3FB1] =	sst s10  }
0x32: {  	s10 =	sld [smem:$0x3FAF];
	_ =	sdelay $0x3  }
0x33: {  	p0 =	seq.s32 s10, $0x1;
	s10 =	sld [smem:$0x3FB1];
	_ =	sdelay $0x3  }
0x34: {  	[smem:$0x3FB1] =	sst s10  }
0x35: {  	s10 =	sld [smem:$0x3FB0];
	_ =	sdelay $0x3  }
0x36: {  	p1 =	seq.s32 s10, $0x1;
	s10 =	sld [smem:$0x3FB1];
	_ =	sdelay $0x3  }
0x37: {  	[smem:$0x3FB1] =	sst s10  }
0x38: {  	s10 =	sld [smem:$0x3FB2]  }
0x39: {  	_ = 	snop;
	(pc) =	sbr.ind lr, $3  }
0x3a: {  	_ = 	snop  }
0x3b: {  	_ = 	snop  }
0x3c: {  	p2 =	seq.s32 s10, $0x1;
	s10 =	sld [smem:$0x3FB1]  }
0x3d: {  	_ =	shalt  }
0x3e: {  	_ =	shalt  }
0x3f: {  	_ =	shalt  }
0x40: {  	_ =	shalt  }
0x41: {  	_ =	shalt  }
0x42: {  	_ =	shalt  }
0x43: {  	_ =	shalt  }
0x44: {  	_ =	shalt  }
0x45: {  	_ =	shalt  }
0x46: {  	_ =	shalt  }
0x47: {  	_ =	shalt  }
0x48: {  	_ =	shalt  }
0x49: {  	_ =	shalt  }
0x4a: {  	_ =	shalt  }
0x4b: {  	_ =	shalt  }
0x4c: {  	_ =	shalt  }
0x4d: {  	_ =	shalt  }
0x4e: {  	_ =	shalt  }
0x4f: {  	_ =	shalt  }
0x50: {  	_ =	shalt  }
0x51: {  	_ =	shalt  }
0x52: {  	_ =	shalt  }
0x53: {  	_ =	shalt  }
0x54: {  	_ =	shalt  }
0x55: {  	_ =	shalt  }
0x56: {  	_ =	shalt  }
0x57: {  	_ =	shalt  }
0x58: {  	_ =	shalt  }
0x59: {  	_ =	shalt  }
0x5a: {  	_ =	shalt  }
0x5b: {  	_ =	shalt  }
0x5c: {  	_ =	shalt  }
0x5d: {  	_ =	shalt  }
0x5e: {  	_ =	shalt  }
0x5f: {  	_ =	shalt  }
0x60: {  	_ =	shalt  }
0x61: {  	_ =	shalt  }
0x62: {  	_ =	shalt  }
0x63: {  	_ =	shalt  }
0x64: {  	_ =	shalt  }
0x65: {  	_ =	shalt  }
0x66: {  	_ =	shalt  }
0x67: {  	_ =	shalt  }
0x68: {  	_ =	shalt  }
0x69: {  	_ =	shalt  }
0x6a: {  	_ =	shalt  }
0x6b: {  	_ =	shalt  }
0x6c: {  	_ =	shalt  }
0x6d: {  	_ =	shalt  }
0x6e: {  	_ =	shalt  }
0x6f: {  	_ =	shalt  }
0x70: {  	_ =	shalt  }
0x71: {  	_ =	shalt  }
0x72: {  	_ =	shalt  }
0x73: {  	_ =	shalt  }
0x74: {  	_ =	shalt  }
0x75: {  	_ =	shalt  }
0x76: {  	_ =	shalt  }
0x77: {  	_ =	shalt  }
0x78: {  	_ =	shalt  }
0x79: {  	_ =	shalt  }
0x7a: {  	_ =	shalt  }
0x7b: {  	_ =	shalt  }
0x7c: {  	_ =	shalt  }
0x7d: {  	_ =	shalt  }
0x7e: {  	_ =	shalt  }
0x7f: {  	_ =	shalt  }
0x80: {  	_ =	shalt  }
0x81: {  	_ =	shalt  }
0x82: {  	_ =	shalt  }
0x83: {  	_ =	shalt  }
0x84: {  	_ =	shalt  }
0x85: {  	_ =	shalt  }
0x86: {  	_ =	shalt  }
0x87: {  	_ =	shalt  }
.Lfunc_end0:
.L_simem_size_0:
called_computation.1_lowered:
.L_overlay_start_0:
0x88: {  	s2 =	sld [smem:$0x3FD9]  }
0x89: {  	s3 =	sld [smem:$0x3FFE];
	_ =	sdelay $0x1  }
0x8a: {  	s1 =	srdreg.scid  }
0x8b: {  	s0 =	sand.u32 $0x1, s1  }
0x8c: {  	s16 =	sshll.u32 s0, $0xA;
	s2 =	sadd.s32 s3, s2  }
0x8d: {  	s2 =	sadd.s32 s2, s16  }
0x8e: {  	[smem:$0x3FBD] =	sst s2  }
0x8f: {  	_ = 	snop  }
0x90: {  	(tm) =	ssettm $0x1  }
0x91: {  	s17 =	sld [smem:$0x3FFB];
	_ =	sdelay $0x3  }
0x92: {  	_ =	strace s17  }
0x93: {  	s2 =	sld [smem:$0x3FFC];
	_ =	sdelay $0x3  }
0x94: {  	_ =	strace s2  }
0x95: {  	s2 =	sld [smem:$0x3FFD];
	_ =	sdelay $0x3  }
0x96: {  	_ =	strace s2  }
0x97: {  	_ =	strace $0x8FFFFFFF  }
0x98: {  	s18 =	sld [smem:$0x3FDB];
	_ =	sdelay $0x1  }
0x99: {  	s19 =	simm.s32 $_scs_section_size  }
0x9a: {  	s4 =	simm.s32 $_size__tile_overlayer_lowered;
	s5 =	simm.s32 $_tile_overlayer_lowered  }
0x9b: {  	s22 =	simm.s32 $0x1BFF;
	s21 =	sshll.u32 s5, $0x1;
	s2 =	sadd.s32 s19, s18  }
0x9c: {  	s6 =	simm.s32 $0x0;
	s20 =	sshll.u32 s4, $0x1;
	s4 =	sadd.s32 s21, s2  }
0x9d: {  	[timem:s6], [sflag:s22] =	dma.local [hbm:s4], s20  }
0x9e: {  	_ =	swait.ge [sflag:s22], s20  }
0x9f: {  	s3 =	ssub.s32 $0x0, s20;
	[sflag:s22] =	ssyncset.done $0x0  }
0xa0: {  	[sflag:s22] =	ssyncadd.s32 s3;
	_ =	sdelay $0x1  }
0xa1: {  	s23 =	simm.s32 $0x1B8B  }
0xa2: {  	_ =	swait.ge [sflag:s23], $0x1  }
0xa3: {  	[sflag:s23] =	ssyncset.done $0x0  }
0xa4: {  	s25 =	simm.s32 $0x1B8E;
	s24 =	sld [smem:$0x3FFE];
	[sflag:s23] =	ssyncadd.s32 $0xFFFFFFFF  }
0xa5: {  	s26 =	simm.s32 $execute0_lowered;
	[smem:$0x3FD2] =	sst s25  }
0xa6: {  	s4 =	sshll.u32 s26, $0x1;
	_ =	strace $0x8000004F;
	[dreg:$0x1] =	wrdreg $0xFFFFFFFF  }
0xa7: {  	s28 =	simm.s32 $_size_execute0_lowered;
	s2 =	sadd.s32 s2, s4;
	[dreg:$0x0] =	wrdreg $0x0  }
0xa8: {  	s4 =	sshll.u32 s28, $0x1;
	[dreg:$0x2] =	wrdreg s2  }
0xa9: {  	[dreg:$0x3] =	wrdreg s4  }
0xaa: {  	[dreg:$0x4] =	wrdreg $0xC0  }
0xab: {  	_ =	task [dreg:s6], $0x5FFFF  }
0xac: {  	[dreg:$0x1] =	wrdreg $0xFFFFFFFF  }
0xad: {  	[dreg:$0x0] =	wrdreg $0x60  }
0xae: {  	[dreg:$0x2] =	wrdreg s24  }
0xaf: {  	[dreg:$0x3] =	wrdreg $0x9  }
0xb0: {  	_ =	task.clear_ibuf [dreg:s6], $0x4FFFF;
	_ =	strace $0x9000004F  }
0xb1: {  	s29 =	simm.s32 $0x9;
	_ =	strace $0x80000051  }
0xb2: {  	_ =	swait.ge [sflag:s29], $0x1  }
0xb3: {  	[sflag:s29] =	ssyncadd.s32 $0xFFFFFFFF  }
0xb4: {  	_ =	strace $0x90000051  }
0xb5: {  	_ =	sfence  }
0xb6: {  	s30 =	sld [smem:$0x0];
	_ =	sdelay $0x2  }
0xb7: {  	s31 =	sshll.u32 s1, $0xD;
	s1 =	sshrl.u32 s1, $0x2  }
0xb8: {  	s3 =	sand.u32 $0x4000, s31;
	s1 =	sadd.s32 s1, s30  }
0xb9: {  	s0 =	sor.u32 s3, s0;
	s1 =	sshll.u32 s1, $0x11  }
0xba: {  	s0 =	sor.u32 s1, s0  }
0xbb: {  	s0 =	sadd.s32 $0x8F2B, s0  }
0xbc: {  	[sflag:s0] =	ssyncadd.remote.s32 $0x1  }
0xbd: {  	_ =	sfence.sel $0xFFFF  }
0xbe: {  	[dreg:$0x0] =	wrdreg $0xFFFFFFFF;
	(pc) =	sbr.abs _section_cstart, $3  }
0xbf: {  	[dreg:$0x1] =	wrdreg $0xFFFFFFFF  }
0xc0: {  	_ =	task.clear_ibuf [dreg:s6], $0x2FFFF;
	_ =	strace $0x9FFFFFFF  }
0xc1: {  	(tm) =	ssettm $0x7FFFFFFF  }
tec
execute0_lowered:
.L_overlay_start_1:
0x0: {  	(tag) =	ssettag $0x1  }
0x1: {  	s0 =	srdreg.scid;
	s5 =	rddreg [dreg:$0x0]  }
0x2: {  	s1 =	stileid.u32;
	s6 =	simm.s32 $0x1;
	s9 =	simm.s32 $0x1  }
0x3: {  	s10 =	simm.s32 $0x3;
	s13 =	simm.s32 $0x0;
	s2 =	sshll.u32 s0, $0x7  }
0x4: {  	s12 =	simm.s32 $0x0;
	s3 =	sshll.u32 s1, $0x8;
	s2 =	sand.u32 $0x80, s2  }
0x5: {  	s0 =	rddreg [dreg:$0x1];
	_ =	strace $0x80000050;
	s2 =	sor.u32 s3, s2  }
0x6: {  	s4 =	sadd.s32 $0x600, s5;
	[sflag:s6] =	ssyncpa.u1 $0x0;
	s8 =	ssub.s32 $0x2000, s2  }
.Ltmp0:
0x7: {  	s3 =	sadd.s32 $0xA00, s5;
	s7 =	sand.u32 $0xF80, s8;
	(pc) =	sbr.rel .LBB2_1-.Ltmp0, $4  }
0x8: {  	s5 =	sadd.s32 $0xE00, s5;
	s11 =	smov.u32 s2;
	p0 =	sne.s32 s7, $0x0  }
0x9: {  	s8 =	sshrl.u32 s8, $0xC;
	s7 =	simm.s32 $0x2;
	s9 =	simm.s32 @!p0 $0x0  }
0xa: {  	[sflag:s7] =	ssyncpa.u1 $0x0;
	p0 =	por $0x0, $0x0;
	s8 =	sadd.s32 s9, s8  }
0xb: {  	vm0 =	vmmov $0xffff;
	[sflag:s10] =	ssyncpa.u1 $0x0;
	s10 =	simm.s32 $0x0;
	s9 =	sadd.s32 $0x1, s8  }
.LBB2_4:
0xc: {  	v2 =	vnsel vm1, $0x0, v2  }
0xd: {  	vm1 =	vgt.s32 v0, $0x0;
	v2 =	vmin.u32 v2, $0x1FFF  }
0xe: {  	v0 =	vnsel vm1, $0x0, v0  }
0xf: {  	v0 =	vmin.u32 v0, $0x1FFF  }
0x10: {  	[tilespmem:s15], [sflag:$0x1] =	stream.indirect_vreg.gather [hbm4b:s3+s10], $0x1, v1, vm0, $0x4038;
	[tilespmem:$0x200] =	vst v63  }
0x11: {  	(ifvalue) =	ssetifvalue $0x7FFFFFFF  }
0x12: {  	[tilespmem:s16], [sflag:$0x1] =	stream.indirect_vreg.gather [hbm4b:s3+s10], $0x1, v2, vm0, $0x4038;
	[tilespmem:$0x200] =	vst v63  }
0x13: {  	s29 =	sadd.s32 $0x10, s16;
	(ifvalue) =	ssetifvalue $0x7FFFFFFF  }
0x14: {  	[tilespmem:s29], [sflag:$0x1] =	stream.indirect_vreg.gather [hbm4b:s3+s10], $0x1, v0, vm0, $0x4038;
	[tilespmem:$0x200] =	vst v63  }
0x15: {  	_ =	swait.ge [sflag:s6], $0x80  }
0x16: {  	s30 =	sshrl.u32 s13, $0x3;
	[sflag:s6] =	ssyncset.done $0x0  }
0x17: {  	s31 =	sand.u32 $0x7, s13;
	s15 =	sadd.s32 s5, s30;
	[sflag:s6] =	ssyncadd.s32 $0xFFFFFF80  }
0x18: {  	[hbm4b:s15+s31] =	stream.linear.scatter [tilespmem:s14], [sflag:$0x3], $0x80, $0x38;
	[tilespmem:$0x200] =	vst v63  }
.LBB2_5:
0x19: {  	s15 =	sadd.s32 $0x1000, s11  }
0x1a: {  	p2 =	sgt.s32 s15, $0x1FFF  }
0x1b: {  	s15 =	smov.u32 @p2 s2;
	p2 =	sne.s32 s12, s9  }
.Ltmp1:
0x1c: {  	p1 =	slt.u32 s12, $0x2;
	(pc) =	sbr.rel @!p2 .LBB2_6-.Ltmp1, $4  }
0x1d: {  	s14 =	simm.s32 @!p1 $0x3  }
0x1e: {  	s16 =	sadd.s32 $0x1, s12;
	_ =	swait.ge @!p1 [sflag:s14], $0x80  }
0x1f: {  	s13 =	smov.u32 s11;
	p0 =	por !p0, !p0;
	[sflag:s14] =	ssyncset.done @!p1 $0x0  }
0x20: {  	s12 =	smov.u32 s16;
	s11 =	smov.u32 s15;
	[sflag:s14] =	ssyncadd.s32 @!p1 $0xFFFFFF80  }
.LBB2_1:
0x21: {  	p1 =	sge.u32 s12, s8  }
0x22: {  	s14 =	sxor.u32 @!p1 $0xFFFFFFFF, s12  }
0x23: {  	s31 =	sadd.s32 $0xFFFFFFFF, s12;
	s15 =	sshrl.u32 @!p1 s11, $0x3;
	s14 =	sshll.u32 @!p1 s14, $0x7  }
0x24: {  	s16 =	sand.u32 @!p1 $0x7, s11;
	s15 =	sadd.s32 @!p1 s4, s15;
	s14 =	sand.u32 @!p1 $0x80, s14  }
0x25: {  	[tilespmem:s14], [sflag:$0x2] =	stream.linear.gather @!p1 [hbm4b:s15+s16], $0x80, $0x38;
	[tilespmem:$0x200] =	vst v63  }
0x26: {  	p1 =	sge.u32 s31, s8  }
.Ltmp2:
0x27: {  	_ = 	snop;
	(pc) =	sbr.rel @p1 .LBB2_5-.Ltmp2, $1  }
0x28: {  	_ =	sdelay $0x3  }
0x29: {  	s14 =	simm.s32 $0x1  }
0x2a: {  	_ =	swait.ge [sflag:s7], $0x80;
	s14 =	simm.s32 @!p0 $0x0  }
0x2b: {  	[sflag:s7] =	ssyncset.done $0x0;
	s14 =	sshll.u32 s14, $0x7  }
0x2c: {  	[sflag:s7] =	ssyncadd.s32 $0xFFFFFF80;
	(ifvalue) =	ssetifvalue $0x7FFFFFFF;
	v0 =	vld.msk [tilespmem:s14+$0x0 ss:$0x1], $0xffff;
	_ =	sdelay $0x4  }
0x2d: {  	s15 =	sadd.s32 $0x10, s14;
	vm1 =	vgt.s32 v0, $0x0  }
0x2e: {  	v2 =	vld.msk [tilespmem:s15+$0x0 ss:$0x1], $0xffff;
	v1 =	vnsel vm1, $0x0, v0  }
0x2f: {  	v1 =	vmin.u32 v1, $0x1FFF;
	_ =	sdelay $0x1  }
0x30: {  	s16 =	sshll.u32 s12, $0x7;
	s18 =	simm.s32 $0x20  }
0x31: {  	s16 =	sand.u32 $0x80, s16;
	s17 =	sadd.s32 $0x10, s15;
	s15 =	sor.u32 $0x100, s14  }
0x32: {  	s14 =	sor.u32 $0x100, s16;
	s16 =	sadd.s32 $0x10, s15;
	v0 =	vld.msk [tilespmem:s17+$0x0 ss:$0x1], $0xffff;
	vm1 =	vgt.s32 v2, $0x0;
	(ifvalue) =	ssetifvalue $0x7FFFFFFF  }
.LBB2_3:
0x33: {  	[tilespmem:s15], [sflag:$0x1] =	stream.indirect_vreg.gather [hbm4b:s3+s10], $0x1, v1, vm0, $0x4038;
	[tilespmem:$0x200] =	vst v63  }
0x34: {  	s18 =	sadd.s32 $0x10, s18  }
0x35: {  	v2 =	vnsel vm1, $0x0, v2;
	p1 =	slt.u32 s18, $0x70  }
.Ltmp3:
0x36: {  	s15 =	smov.u32 s16;
	v1 =	vmin.u32 v2, $0x1FFF;
	(pc) =	sbr.rel @p1 .LBB2_3-.Ltmp3, $3  }
0x37: {  	_ =	sdelay $0x1  }
0x38: {  	s17 =	sadd.s32 $0x10, s17  }
0x39: {  	vm1 =	vgt.s32 v0, $0x0;
	s16 =	sadd.s32 $0x10, s16;
	v2 =	vmov v0;
	(ifvalue) =	ssetifvalue $0x7FFFFFFF;
	v0 =	vld.msk [tilespmem:s17+$0x0 ss:$0x1], $0xffff  }
.Ltmp4:
0x3a: {  	_ = 	snop;
	(pc) =	sbr.rel .LBB2_4-.Ltmp4, $1  }
0x3b: {  	_ =	sdelay $0x3  }
.LBB2_6:
0x3c: {  	_ =	sfence.sel $0x180000  }
0x3d: {  	s2 =	simm.s32 $0x2;
	[bflag:$0x0] =	sbarrier.arrive $0xFFFF  }
0x3e: {  	s30 =	simm.s32 $0x3;
	[sflag:s2] =	ssyncpa.u1 $0x1  }
0x3f: {  	s31 =	simm.s32 $0x1;
	[sflag:s30] =	ssyncpa.u1 $0x1  }
0x40: {  	[sflag:s31] =	ssyncpa.u1 $0x1  }
0x41: {  	p0 =	sne.s32 s1, $0x0;
	_ =	strace $0x90000050  }
0x42: {  	s0 =	sadd.s32 @!p0 $0x100000, s0;
	[bflag:$0x2] =	sbarrier.arrive $0xFFFF  }
0x43: {  	[sflag:s0] =	ssyncadd.tile.s32 @!p0 $0x1;
	_ =	shalt  }
.Lfunc_end2:
_tile_overlayer_lowered:
.L_overlay_start_2:
0x44: {  	(tag) =	ssettag $0x2  }
0x45: {  	s0 =	rddreg [dreg:$0x0];
	s2 =	stileid.u32  }
0x46: {  	s1 =	rddreg [dreg:$0x1];
	p0 =	sne.s32 s2, $0x0  }
0x47: {  	s3 =	rddreg [dreg:$0x2];
	[bflag:$0x3] =	sbarrier.arrive $0xFFFF;
	s2 =	simm.s32 @!p0 $0x1C01  }
0x48: {  	[timem:s3], [sflag:s2] =	dma.local @!p0 [hbm:s0], s1  }
0x49: {  	s0 =	simm.s32 @!p0 $0x1  }
0x4a: {  	_ =	swait.ge @!p0 [sflag:s0], s1  }
0x4b: {  	s1 =	ssub.s32 @!p0 $0x0, s1;
	[sflag:s0] =	ssyncset.done @!p0 $0x0  }
0x4c: {  	[sflag:s0] =	ssyncadd.s32 @!p0 s1  }
0x4d: {  	[bflag:$0x3] =	sbarrier.arrive $0xFFFF  }
0x4e: {  	_ =	shalt  }

// kernel: scatter_offload_async_start
scs
__scs_entry_jumppad:
0x0: {  	(pc) =	sbr.rel $0x88, $3  }
0x1: {  	(tag) =	ssettag $0x0;
	lr =	simm.s32 $0x1  }
0x2: {  	[smem:$0x3F96] =	sst lr;
	_ =	strace $0xD0000000  }
0x3: {  	_ = 	snop  }
0x4: {  	_ = 	snop  }
0x5: {  	_ = 	snop  }
0x6: {  	_ = 	snop  }
0x7: {  	_ = 	snop  }
__scs_overlays_trampoline_lowered:
0x8: {  	[smem:$0x3FA5] =	sst s0  }
0x9: {  	[smem:$0x3FA6] =	sst s1  }
0xa: {  	[smem:$0x3FA7] =	sst s2  }
0xb: {  	[smem:$0x3FA8] =	sst s3  }
0xc: {  	[smem:$0x3FA9] =	sst s4  }
0xd: {  	[smem:$0x3FAA] =	sst s5  }
0xe: {  	[smem:$0x3FAB] =	sst s6  }
0xf: {  	[smem:$0x3FAC] =	sst s7  }
0x10: {  	[smem:$0x3FAD] =	sst s8  }
0x11: {  	[smem:$0x3FAE] =	sst s9;
	s0 =	simm.s32 @!p0 $0x0  }
0x12: {  	s1 =	sld [smem:$0x3F94];
	s0 =	simm.s32 @p0 $0x1  }
0x13: {  	[smem:$0x3FAF] =	sst s0;
	s0 =	simm.s32 @!p1 $0x0  }
0x14: {  	s2 =	sld [smem:$0x3F93];
	s0 =	simm.s32 @p1 $0x1  }
0x15: {  	[smem:$0x3FB0] =	sst s0;
	s0 =	simm.s32 @!p2 $0x0  }
0x16: {  	s3 =	sld [smem:$0x3FDB];
	s0 =	simm.s32 @p2 $0x1  }
0x17: {  	s4 =	simm.s32 $0x1BF5;
	[smem:$0x3FB2] =	sst s0  }
0x18: {  	s0 =	sld [smem:$0x3F95];
	_ =	swait.ge [sflag:s4], $0x0  }
0x19: {  	s7 =	sld [smem:$0x3F96]  }
0x1a: {  	s8 =	sadd.s32 $0xFFFFE003, lr  }
0x1b: {  	s9 =	sadd.s32 $0xFFFFFEF7, lr;
	s5 =	simm.s32 $0xFFFFFFFF;
	p2 =	slt.u32 s8, $0xFFFFF086  }
0x1c: {  	p1 =	slt.u32 s9, $0xF7A;
	s5 =	simm.s32 @!p2 $0x0  }
0x1d: {  	s5 =	simm.s32 @p1 $0x1;
	p0 =	seq.s32 s7, s2  }
0x1e: {  	s7 =	smul.u32 @!p0 $0xF7A, s2;
	p2 =	seq.s32 @!p0 s5, $0x0  }
0x1f: {  	s9 =	smul.u32 $0xF7A, s1;
	s8 =	simm.s32 @!p0 $0x1BF5;
	p2 =	por !p2, p0  }
0x20: {  	[sflag:s8] =	ssyncset.s32 @!p0 $0xFFFFF086;
	s6 =	sadd.s32 @!p0 s3, s7;
	s7 =	simm.s32 @!p0 $0x108  }
0x21: {  	s3 =	sadd.s32 s3, s9;
	s6 =	sadd.s32 @!p0 $0x88, s6;
	s7 =	simm.s32 @p2 $0x1082  }
0x22: {  	[simem:s7], [sflag:s8] =	dma.local @!p0 [hbm:s6], $0xF7A  }
0x23: {  	s9 =	sor.u32 $0xD0000000, s2;
	s6 =	simm.s32 $0x108;
	_ =	swait.ge @!p0 [sflag:s8], $0x0  }
0x24: {  	s3 =	sadd.s32 $0x88, s3;
	s6 =	simm.s32 @!p1 $0x1082;
	[sflag:s4] =	ssyncset.s32 $0xFFFFF086  }
0x25: {  	[simem:s6], [sflag:s4] =	dma.local [hbm:s3], $0xF7A  }
0x26: {  	[smem:$0x3F96] =	sst s1;
	(tag) =	ssettag s2;
	_ =	strace s9  }
0x27: {  	s1 =	sld [smem:$0x3FA6]  }
0x28: {  	s2 =	sld [smem:$0x3FA7]  }
0x29: {  	s4 =	sld [smem:$0x3FA9]  }
0x2a: {  	p0 =	seq.s32 s5, $0x0;
	s5 =	sld [smem:$0x3FAA]  }
0x2b: {  	s6 =	sld [smem:$0x3FAB]  }
0x2c: {  	s7 =	sld [smem:$0x3FAC]  }
0x2d: {  	s3 =	simm.s32 $0x108;
	s8 =	sld [smem:$0x3FAD]  }
0x2e: {  	s3 =	simm.s32 @!p0 $0x1082;
	s9 =	sld [smem:$0x3FAE]  }
0x2f: {  	lr =	sadd.s32 s0, s3;
	s0 =	sld [smem:$0x3FA5]  }
0x30: {  	s3 =	sld [smem:$0x3FA8]  }
0x31: {  	[smem:$0x3FB1] =	sst s10  }
0x32: {  	s10 =	sld [smem:$0x3FAF];
	_ =	sdelay $0x3  }
0x33: {  	p0 =	seq.s32 s10, $0x1;
	s10 =	sld [smem:$0x3FB1];
	_ =	sdelay $0x3  }
0x34: {  	[smem:$0x3FB1] =	sst s10  }
0x35: {  	s10 =	sld [smem:$0x3FB0];
	_ =	sdelay $0x3  }
0x36: {  	p1 =	seq.s32 s10, $0x1;
	s10 =	sld [smem:$0x3FB1];
	_ =	sdelay $0x3  }
0x37: {  	[smem:$0x3FB1] =	sst s10  }
0x38: {  	s10 =	sld [smem:$0x3FB2]  }
0x39: {  	_ = 	snop;
	(pc) =	sbr.ind lr, $3  }
0x3a: {  	_ = 	snop  }
0x3b: {  	_ = 	snop  }
0x3c: {  	p2 =	seq.s32 s10, $0x1;
	s10 =	sld [smem:$0x3FB1]  }
0x3d: {  	_ =	shalt  }
0x3e: {  	_ =	shalt  }
0x3f: {  	_ =	shalt  }
0x40: {  	_ =	shalt  }
0x41: {  	_ =	shalt  }
0x42: {  	_ =	shalt  }
0x43: {  	_ =	shalt  }
0x44: {  	_ =	shalt  }
0x45: {  	_ =	shalt  }
0x46: {  	_ =	shalt  }
0x47: {  	_ =	shalt  }
0x48: {  	_ =	shalt  }
0x49: {  	_ =	shalt  }
0x4a: {  	_ =	shalt  }
0x4b: {  	_ =	shalt  }
0x4c: {  	_ =	shalt  }
0x4d: {  	_ =	shalt  }
0x4e: {  	_ =	shalt  }
0x4f: {  	_ =	shalt  }
0x50: {  	_ =	shalt  }
0x51: {  	_ =	shalt  }
0x52: {  	_ =	shalt  }
0x53: {  	_ =	shalt  }
0x54: {  	_ =	shalt  }
0x55: {  	_ =	shalt  }
0x56: {  	_ =	shalt  }
0x57: {  	_ =	shalt  }
0x58: {  	_ =	shalt  }
0x59: {  	_ =	shalt  }
0x5a: {  	_ =	shalt  }
0x5b: {  	_ =	shalt  }
0x5c: {  	_ =	shalt  }
0x5d: {  	_ =	shalt  }
0x5e: {  	_ =	shalt  }
0x5f: {  	_ =	shalt  }
0x60: {  	_ =	shalt  }
0x61: {  	_ =	shalt  }
0x62: {  	_ =	shalt  }
0x63: {  	_ =	shalt  }
0x64: {  	_ =	shalt  }
0x65: {  	_ =	shalt  }
0x66: {  	_ =	shalt  }
0x67: {  	_ =	shalt  }
0x68: {  	_ =	shalt  }
0x69: {  	_ =	shalt  }
0x6a: {  	_ =	shalt  }
0x6b: {  	_ =	shalt  }
0x6c: {  	_ =	shalt  }
0x6d: {  	_ =	shalt  }
0x6e: {  	_ =	shalt  }
0x6f: {  	_ =	shalt  }
0x70: {  	_ =	shalt  }
0x71: {  	_ =	shalt  }
0x72: {  	_ =	shalt  }
0x73: {  	_ =	shalt  }
0x74: {  	_ =	shalt  }
0x75: {  	_ =	shalt  }
0x76: {  	_ =	shalt  }
0x77: {  	_ =	shalt  }
0x78: {  	_ =	shalt  }
0x79: {  	_ =	shalt  }
0x7a: {  	_ =	shalt  }
0x7b: {  	_ =	shalt  }
0x7c: {  	_ =	shalt  }
0x7d: {  	_ =	shalt  }
0x7e: {  	_ =	shalt  }
0x7f: {  	_ =	shalt  }
0x80: {  	_ =	shalt  }
0x81: {  	_ =	shalt  }
0x82: {  	_ =	shalt  }
0x83: {  	_ =	shalt  }
0x84: {  	_ =	shalt  }
0x85: {  	_ =	shalt  }
0x86: {  	_ =	shalt  }
0x87: {  	_ =	shalt  }
.Lfunc_end0:
.L_simem_size_0:
called_computation_lowered:
.L_overlay_start_0:
0x88: {  	s0 =	sld [smem:$0x3FD9]  }
0x89: {  	s1 =	sld [smem:$0x3FFE];
	_ =	sdelay $0x3  }
0x8a: {  	s0 =	sadd.s32 s1, s0  }
0x8b: {  	[smem:$0x3FBD] =	sst s0  }
0x8c: {  	_ = 	snop  }
0x8d: {  	s0 =	sld [smem:$0x3FD0];
	_ =	sdelay $0x2  }
0x8e: {  	s13 =	simm.s32 $0xA;
	s2 =	simm.s32 $0x10  }
0x8f: {  	[smem:s2], [sflag:s13] =	dma.local [hbm:s0], $0x1  }
0x90: {  	_ =	swait.eq [sflag:s13], $0x1  }
0x91: {  	[sflag:s13] =	ssyncset.done $0x0  }
0x92: {  	[sflag:s13] =	ssyncadd.s32 $0xFFFFFFFF  }
0x93: {  	s14 =	sld [smem:$0x10];
	(tm) =	ssettm $0x1  }
0x94: {  	s15 =	sld [smem:$0x3FFB];
	_ =	sdelay $0x3  }
0x95: {  	_ =	strace s15  }
0x96: {  	s1 =	sld [smem:$0x3FFC];
	_ =	sdelay $0x3  }
0x97: {  	_ =	strace s1  }
0x98: {  	s1 =	sld [smem:$0x3FFD];
	_ =	sdelay $0x3  }
0x99: {  	_ =	strace s1  }
0x9a: {  	_ =	strace $0x8FFFFFFF  }
0x9b: {  	s16 =	sld [smem:$0x3FDB];
	_ =	sdelay $0x1  }
0x9c: {  	s17 =	simm.s32 $_scs_section_size  }
0x9d: {  	s3 =	simm.s32 $_size__tile_overlayer_lowered;
	s4 =	simm.s32 $_tile_overlayer_lowered  }
0x9e: {  	s20 =	simm.s32 $0x1BFF;
	s19 =	sshll.u32 s4, $0x1;
	s1 =	sadd.s32 s17, s16  }
0x9f: {  	s5 =	simm.s32 $0x0;
	s18 =	sshll.u32 s3, $0x1;
	s3 =	sadd.s32 s19, s1  }
0xa0: {  	[timem:s5], [sflag:s20] =	dma.local [hbm:s3], s18  }
0xa1: {  	_ =	swait.ge [sflag:s20], s18  }
0xa2: {  	s2 =	ssub.s32 $0x0, s18;
	[sflag:s20] =	ssyncset.done $0x0  }
0xa3: {  	[sflag:s20] =	ssyncadd.s32 s2;
	_ =	sdelay $0x1  }
0xa4: {  	s21 =	simm.s32 $0x1B8B  }
0xa5: {  	_ =	swait.ge [sflag:s21], $0x1  }
0xa6: {  	[sflag:s21] =	ssyncset.done $0x0  }
0xa7: {  	s23 =	simm.s32 $0x1B8E;
	s22 =	sld [smem:$0x3FFE];
	[sflag:s21] =	ssyncadd.s32 $0xFFFFFFFF  }
0xa8: {  	s24 =	simm.s32 $execute0_lowered;
	[smem:$0x3FD2] =	sst s23  }
0xa9: {  	s3 =	sshll.u32 s24, $0x1;
	_ =	strace $0x8000004C;
	[dreg:$0x1] =	wrdreg $0xFFFFFFFF  }
0xaa: {  	s25 =	simm.s32 $_size_execute0_lowered;
	s1 =	sadd.s32 s1, s3;
	[dreg:$0x0] =	wrdreg $0x0  }
0xab: {  	s3 =	sshll.u32 s25, $0x1;
	[dreg:$0x2] =	wrdreg s1  }
0xac: {  	[dreg:$0x3] =	wrdreg s3  }
0xad: {  	[dreg:$0x4] =	wrdreg $0xC0  }
0xae: {  	_ =	task [dreg:s5], $0x5FFFF  }
0xaf: {  	[dreg:$0x1] =	wrdreg $0xFFFFFFFF  }
0xb0: {  	[dreg:$0x0] =	wrdreg $0x60  }
0xb1: {  	[dreg:$0x2] =	wrdreg s14  }
0xb2: {  	[dreg:$0x3] =	wrdreg s22  }
0xb3: {  	[dreg:$0x4] =	wrdreg $0x9  }
0xb4: {  	_ =	task.clear_ibuf [dreg:s5], $0x5FFFF;
	_ =	strace $0x9000004C  }
0xb5: {  	s26 =	simm.s32 $0x9;
	_ =	strace $0x8000004E  }
0xb6: {  	_ =	swait.ge [sflag:s26], $0x1  }
0xb7: {  	[sflag:s26] =	ssyncadd.s32 $0xFFFFFFFF  }
0xb8: {  	_ =	strace $0x9000004E  }
0xb9: {  	_ =	sfence  }
0xba: {  	s28 =	sld [smem:$0x0];
	_ =	sdelay $0x1  }
0xbb: {  	s29 =	srdreg.scid  }
0xbc: {  	s30 =	sshll.u32 s29, $0xD;
	s31 =	sshrl.u32 s29, $0x2  }
0xbd: {  	s2 =	sand.u32 $0x4000, s30;
	s1 =	sand.u32 $0x1, s29;
	s0 =	sadd.s32 s31, s28  }
0xbe: {  	s1 =	sor.u32 s2, s1;
	s0 =	sshll.u32 s0, $0x11  }
0xbf: {  	s0 =	sor.u32 s0, s1  }
0xc0: {  	s0 =	sadd.s32 $0x8F2B, s0  }
0xc1: {  	[sflag:s0] =	ssyncadd.remote.s32 $0x1  }
0xc2: {  	_ =	sfence.sel $0xFFFF  }
0xc3: {  	[dreg:$0x0] =	wrdreg $0xFFFFFFFF;
	(pc) =	sbr.abs _section_cstart, $3  }
0xc4: {  	[dreg:$0x1] =	wrdreg $0xFFFFFFFF  }
0xc5: {  	_ =	task.clear_ibuf [dreg:s5], $0x2FFFF;
	_ =	strace $0x9FFFFFFF  }
0xc6: {  	(tm) =	ssettm $0x7FFFFFFF  }
0xc7: {  	_ =	shalt  }
tec
execute0_lowered:
.L_overlay_start_1:
0x0: {  	(tag) =	ssettag $0x1  }
0x1: {  	s1 =	rddreg [dreg:$0x0]  }
0x2: {  	s2 =	rddreg [dreg:$0x1]  }
0x3: {  	s0 =	rddreg [dreg:$0x2];
	s3 =	stileid.u32  }
0x4: {  	_ =	strace $0x8000004D;
	s4 =	simm.s32 $0x3E;
	p0 =	sne.s32 s3, $0x0  }
0x5: {  	[sflag:s4] =	ssyncpa.u1 $0x0;
	s5 =	simm.s32 @!p0 $0x1C3E;
	s6 =	simm.s32 @!p0 $0x0  }
0x6: {  	[spmem:s6], [sflag:s5] =	dma.local @!p0 [hbm:s1], $0x400  }
0x7: {  	s5 =	simm.s32 @!p0 $0x3E  }
0x8: {  	_ =	swait.ge @!p0 [sflag:s5], $0x400  }
0x9: {  	[sflag:s5] =	ssyncset.done @!p0 $0x0  }
0xa: {  	s26 =	simm.s32 $0x1;
	[sflag:s5] =	ssyncadd.s32 @!p0 $0xFFFFFC00  }
0xb: {  	s29 =	simm.s32 $0x2;
	s7 =	simm.s32 $0x400;
	[bflag:$0x0] =	sbarrier.arrive $0xFFFF  }
0xc: {  	s28 =	sadd.s32 $0xA00, s2;
	s30 =	sadd.s32 $0xE00, s2;
	[sflag:s4] =	ssyncpa.u1 $0x1  }
0xd: {  	s3 =	sshll.u32 s3, $0x6;
	s2 =	simm.s32 $0x0;
	[sflag:s26] =	ssyncpa.u1 $0x0  }
0xe: {  	s4 =	sadd.s32 s28, s3;
	(ifvalue) =	ssetifvalue $0x2000;
	[sflag:s29] =	ssyncpa.u1 $0x0  }
0xf: {  	[tilespmem:s7], [sflag:$0x2] =	stream.linear.gather [hbm4b:s4+s2], $0x200, $0x38;
	[tilespmem:$0xA00] =	vst v63  }
0x10: {  	s31 =	sadd.s32 s30, s3;
	s3 =	simm.s32 $0x800  }
0x11: {  	[tilespmem:s3], [sflag:$0x2] =	stream.linear.gather [hbm4b:s31+s2], $0x200, $0x38;
	[tilespmem:$0xA00] =	vst v63  }
0x12: {  	_ =	swait.ge [sflag:s29], $0x400  }
0x13: {  	[sflag:s29] =	ssyncset.done $0x0  }
0x14: {  	[sflag:s29] =	ssyncadd.s32 $0xFFFFFC00  }
0x15: {  	v0 =	vld.msk [tilespmem:s7+$0x0 ss:$0x1], $0xffff;
	_ =	sdelay $0x4  }
0x16: {  	v0 =	vmin.u32 v0, $0x2000;
	_ =	sdelay $0x3  }
0x17: {  	vm0 =	vmmov $0xffff;
	s5 =	simm.s32 $0x410;
	s4 =	simm.s32 $0x0  }
0x18: {  	[spmem:s2] =	stream.indirect_vreg.scatter.add.s32 [tilespmem:s3], [sflag:$0x1], $0x1, v0, vm0, $0x4038;
	[tilespmem:$0xA00] =	vst v63  }
.LBB2_1:
0x19: {  	v0 =	vld.msk [tilespmem:s5+$0x0 ss:$0x1], $0xffff;
	s4 =	sadd.s32 $0x10, s4  }
0x1a: {  	p1 =	slt.u32 s4, $0x1F0;
	_ =	sdelay $0x4  }
0x1b: {  	v0 =	vmin.u32 v0, $0x2000  }
.Ltmp0:
0x1c: {  	(pc) =	sbr.rel @p1 .LBB2_1-.Ltmp0, $3  }
0x1d: {  	_ =	sdelay $0x1  }
0x1e: {  	s5 =	sadd.s32 $0x10, s5;
	s3 =	sadd.s32 $0x10, s3  }
0x1f: {  	[spmem:s2] =	stream.indirect_vreg.scatter.add.s32 [tilespmem:s3], [sflag:$0x1], $0x1, v0, vm0, $0x4038;
	[tilespmem:$0xA00] =	vst v63  }
0x20: {  	s2 =	simm.s32 $0x1  }
0x21: {  	_ =	swait.ge [sflag:s2], $0x200  }
0x22: {  	[sflag:s2] =	ssyncset.done $0x0  }
0x23: {  	[sflag:s2] =	ssyncadd.s32 $0xFFFFFE00  }
0x24: {  	_ =	sfence.sel $0x180000  }
0x25: {  	s3 =	simm.s32 $0x2;
	[bflag:$0x0] =	sbarrier.arrive $0xFFFF  }
0x26: {  	[sflag:s3] =	ssyncpa.u1 $0x1  }
0x27: {  	[sflag:s2] =	ssyncpa.u1 $0x1  }
0x28: {  	_ =	sfence.stream.spmem  }
0x29: {  	s31 =	simm.s32 $0x3D;
	[bflag:$0x0] =	sbarrier.arrive $0xFFFF  }
0x2a: {  	s2 =	simm.s32 @p0 $0x3D;
	[sflag:s31] =	ssyncpa.u1 $0x0  }
0x2b: {  	[sflag:s2] =	ssyncpa.u1 @p0 $0x1  }
0x2c: {  	[bflag:$0x0] =	sbarrier.arrive @p0 $0xFFFF  }
0x2d: {  	_ =	strace @p0 $0x9000004D  }
0x2e: {  	s3 =	simm.s32 @!p0 $0x1C3D;
	s2 =	simm.s32 @!p0 $0x0;
	[bflag:$0x2] =	sbarrier.arrive @p0 $0xFFFF  }
0x2f: {  	[hbm:s1], [sflag:s3] =	dma.local @!p0 [spmem:s2], $0x400  }
0x30: {  	s1 =	simm.s32 @!p0 $0x3D  }
0x31: {  	_ =	swait.ge @!p0 [sflag:s1], $0x400  }
0x32: {  	[sflag:s1] =	ssyncset.done @!p0 $0x0  }
0x33: {  	[sflag:s1] =	ssyncadd.s32 @!p0 $0xFFFFFC00  }
0x34: {  	[sflag:s1] =	ssyncpa.u1 @!p0 $0x1  }
0x35: {  	[bflag:$0x0] =	sbarrier.arrive @!p0 $0xFFFF  }
0x36: {  	_ =	strace @!p0 $0x9000004D  }
0x37: {  	s0 =	sadd.s32 @!p0 $0x100000, s0;
	[bflag:$0x2] =	sbarrier.arrive @!p0 $0xFFFF  }
0x38: {  	[sflag:s0] =	ssyncadd.tile.s32 @!p0 $0x1;
	_ =	shalt  }
.Lfunc_end2:
_tile_overlayer_lowered:
.L_overlay_start_2:
0x39: {  	(tag) =	ssettag $0x2  }
0x3a: {  	s0 =	rddreg [dreg:$0x0];
	s2 =	stileid.u32  }
0x3b: {  	s1 =	rddreg [dreg:$0x1];
	p0 =	sne.s32 s2, $0x0  }
0x3c: {  	s3 =	rddreg [dreg:$0x2];
	[bflag:$0x3] =	sbarrier.arrive $0xFFFF;
	s2 =	simm.s32 @!p0 $0x1C01  }
0x3d: {  	[timem:s3], [sflag:s2] =	dma.local @!p0 [hbm:s0], s1  }
0x3e: {  	s0 =	simm.s32 @!p0 $0x1  }
0x3f: {  	_ =	swait.ge @!p0 [sflag:s0], s1  }
0x40: {  	s1 =	ssub.s32 @!p0 $0x0, s1;
	[sflag:s0] =	ssyncset.done @!p0 $0x0  }
0x41: {  	[sflag:s0] =	ssyncadd.s32 @!p0 s1  }
0x42: {  	[bflag:$0x3] =	sbarrier.arrive $0xFFFF  }
0x43: {  	_ =	shalt  }

</sc_bundles>
